<compile_context>
chip_gen: v7x
topology: tpu7x:2x2x1
jax: 0.10.2.dev20260603
libtpu: 0.0.44.dev20260713+nightly
codegen_flags: <defaults>
</compile_context>

<pallas_src>
import functools

import numpy as np

import jax
import jax.numpy as jnp
from jax.experimental import pallas as pl
from jax.experimental.pallas import tpu as pltpu
from jax.experimental.pallas import tpu_sc as plsc

K = 3
G = 64
T = 512
RB = 2000
EPS = 1e-5
BIG = 1e20
JINF = float("inf")
IBIG = 1 << 30

_PREC = jax.lax.Precision.DEFAULT


def _mmdot(a, b, prec=None):
    return jax.lax.dot_general(
        a, b, (((a.ndim - 1,), (0,)), ((), ())),
        precision=_PREC if prec is None else prec,
        preferred_element_type=jnp.float32)


def _less(a, b):
    return (a[0] < b[0]) | ((a[0] == b[0]) & (a[1] < b[1]))


def _sel(t, a, b):
    return jnp.where(t, a[0], b[0]), jnp.where(t, a[1], b[1])


def _lexmin(a, b):
    return _sel(_less(a, b), a, b)


def _lexmax(a, b):
    return _sel(_less(b, a), a, b)


def _merge3(A, B):
    a0, a1, a2 = A
    b0, b1, b2 = B
    t0 = _less(b0, a0)
    m0 = _sel(t0, b0, a0)
    l0 = _sel(t0, a0, b0)
    opp = _sel(t0, b1, a1)
    m1 = _lexmin(l0, opp)
    c1 = _lexmax(a0, b1)
    c2 = _lexmax(a1, b0)
    m2 = _lexmin(_lexmin(a2, b2), _lexmin(c1, c2))
    return m0, m1, m2


def _knn_body(lo_ref, hi_ref, x_ref, xT2_ref, brow_ref, bcol_ref,
              i0_ref, i1_ref, i2_ref, *, n, feat):
    i = pl.program_id(0)
    r0 = i * T
    xr = x_ref[pl.ds(r0, T), 0:feat]
    sqr = jnp.sum(xr * xr, axis=1, keepdims=True)
    bcr = bcol_ref[pl.ds(r0, T), :]
    rowid = r0 + jax.lax.broadcasted_iota(jnp.int32, (T, 1), 0)
    lo = lo_ref[i]
    hi = hi_ref[i]

    def col_tile(j, carry):
        v0, i0, v1, i1, v2, i2 = carry
        c0 = j * T
        xc2 = xT2_ref[:, pl.ds(c0, T)]
        sqc = jnp.sum(xc2 * xc2, axis=0, keepdims=True) * 0.25
        dot2 = _mmdot(xr, xc2)
        d2 = (sqr + sqc) - dot2
        bcc = brow_ref[:, pl.ds(c0, T)]
        colid = c0 + jax.lax.broadcasted_iota(jnp.int32, (T, T), 1)
        d2 = jnp.where((bcr != bcc) | (rowid == colid), BIG, d2)
        d2 = jnp.where(colid >= n, JINF, d2)
        tile = []
        d = d2
        for s in range(3):
            mv = jnp.min(d, axis=1, keepdims=True)
            mi = jnp.min(jnp.where(d == mv, colid, IBIG), axis=1, keepdims=True)
            tile.append((mv, mi))
            if s < 2:
                d = jnp.where(colid == mi, JINF, d)
        (v0, i0), (v1, i1), (v2, i2) = _merge3(
            ((v0, i0), (v1, i1), (v2, i2)), tuple(tile))
        return v0, i0, v1, i1, v2, i2

    finf = jnp.full((T, 1), JINF, jnp.float32)
    init = (finf, jnp.full((T, 1), IBIG, jnp.int32),
            finf, jnp.full((T, 1), IBIG + 1, jnp.int32),
            finf, jnp.full((T, 1), IBIG + 2, jnp.int32))
    v0, i0, v1, i1, v2, i2 = jax.lax.fori_loop(lo, hi + 1, col_tile, init)

    hc = (hi + 1) * T
    base = jnp.where(lo > 0, 0, hc)
    ones_f = jnp.ones((T, 1), jnp.float32)
    ones_i = jnp.ones((T, 1), jnp.int32)
    virt = []
    for s in range(3):
        vidx = base + s
        vval = jnp.where(vidx < n, BIG, JINF)
        virt.append((vval * ones_f, vidx * ones_i))
    (v0, i0), (v1, i1), (v2, i2) = _merge3(
        ((v0, i0), (v1, i1), (v2, i2)), tuple(virt))

    i0_ref[...] = i0
    i1_ref[...] = i1
    i2_ref[...] = i2


def _knn(xp, xT2, brow, bcol, lo_t, hi_t, n, feat):
    npad = xp.shape[0]
    nt = npad // T
    body = functools.partial(_knn_body, n=n, feat=feat)
    grid_spec = pltpu.PrefetchScalarGridSpec(
        num_scalar_prefetch=2,
        grid=(nt,),
        in_specs=[
            pl.BlockSpec(xp.shape, lambda i, *_: (0, 0)),
            pl.BlockSpec(xT2.shape, lambda i, *_: (0, 0)),
            pl.BlockSpec(brow.shape, lambda i, *_: (0, 0)),
            pl.BlockSpec(bcol.shape, lambda i, *_: (0, 0)),
        ],
        out_specs=[
            pl.BlockSpec((T, 1), lambda i, *_: (i, 0)),
            pl.BlockSpec((T, 1), lambda i, *_: (i, 0)),
            pl.BlockSpec((T, 1), lambda i, *_: (i, 0)),
        ],
    )
    out_shape = [jax.ShapeDtypeStruct((npad, 1), jnp.int32)] * 3
    return pl.pallas_call(
        body, grid_spec=grid_spec, out_shape=out_shape,
        compiler_params=pltpu.CompilerParams(
            dimension_semantics=("parallel",)),
    )(lo_t, hi_t, xp, xT2, brow, bcol)


def _sc_gather(table, idx, width, chunks):
    nc, ns = 2, 16
    nw = nc * ns
    ep = idx.shape[0]
    bpw = ep // nw
    cs = bpw // chunks
    mesh = plsc.VectorSubcoreMesh(core_axis_name="c", subcore_axis_name="s")

    @functools.partial(
        pl.kernel, mesh=mesh,
        out_type=jax.ShapeDtypeStruct((ep, width), jnp.float32),
        scratch_types=[
            pltpu.VMEM((bpw,), jnp.int32),
            pltpu.VMEM((cs, width), jnp.float32),
            pltpu.VMEM((cs, width), jnp.float32),
            pltpu.SemaphoreType.DMA,
            pltpu.SemaphoreType.DMA,
        ])
    def k(table_hbm, idx_hbm, out_hbm, idx_v, rows_a, rows_b, sem_a, sem_b):
        wid = jax.lax.axis_index("s") * nc + jax.lax.axis_index("c")
        base = wid * bpw
        pltpu.sync_copy(idx_hbm.at[pl.ds(base, bpw)], idx_v)
        bufs = [(rows_a, sem_a), (rows_b, sem_b)]
        copies = []
        for c in range(chunks):
            src = idx_v if chunks == 1 else idx_v.at[pl.ds(c * cs, cs)]
            rows_v, sem = bufs[c % 2]
            copies.append(pltpu.async_copy(table_hbm.at[src], rows_v, sem))
        for c in range(chunks):
            rows_v, _ = bufs[c % 2]
            copies[c].wait()
            pltpu.sync_copy(rows_v, out_hbm.at[pl.ds(base + c * cs, cs)])

    return k(table, idx)


def _ec_common(x_ref, g_ref, w_ref, b_ref, ga_ref, be_ref, msg_ref, xn_ref,
               e_s, s1_s, s2_s, *, ne, do, de, nb):
    p = pl.program_id(0)
    b = pl.program_id(1)
    rb = x_ref.shape[0]
    e_s[:, 0:de] = x_ref[:, 0:de]

    def h_of(t):
        e_s[:, de:2 * de] = g_ref[pl.Slice(t, rb, 3), 0:de]
        return _mmdot(e_s[...], w_ref[...]) + b_ref[...]

    @pl.when(p == 0)
    def _():
        @pl.when(b == 0)
        def _():
            s1_s[...] = jnp.zeros_like(s1_s)
            s2_s[...] = jnp.zeros_like(s2_s)
        for t in range(3):
            h = h_of(t)
            s1_s[...] += jnp.sum(h, axis=0, keepdims=True)
            s2_s[...] += jnp.sum(h * h, axis=0, keepdims=True)

    @pl.when(p == 1)
    def _():
        mu = s1_s[...] / ne
        var = s2_s[...] / ne - mu * mu
        sd = jnp.sqrt(var + EPS)
        ga = ga_ref[...]
        be = be_ref[...]
        msum = jnp.zeros((rb, do), jnp.float32)
        for t in range(3):
            h = h_of(t)
            m = jnp.maximum((h - mu) / sd * ga + be, 0.0)
            msg_ref[pl.Slice(t, rb, 3), :] = m
            msum = msum + m
        xn_ref[...] = msum / 3.0


def _ec_body(x_ref, g_ref, w_ref, b_ref, ga_ref, be_ref, msg_ref, xn_ref,
             x1p_ref, x1w_ref, e_s, s1_s, s2_s, *, ne, do, de, nb):
    _ec_common(x_ref, g_ref, w_ref, b_ref, ga_ref, be_ref, msg_ref, xn_ref,
               e_s, s1_s, s2_s, ne=ne, do=do, de=de, nb=nb)
    p = pl.program_id(0)

    @pl.when(p == 1)
    def _():
        xn = xn_ref[...]
        x1p_ref[...] = xn
        x1w_ref[:, 0:do] = xn
        x1w_ref[:, do:2 * do] = jnp.zeros_like(xn)


def _edge_conv(X, Gn, wT, b_, ga_, be_, de, npad_out):
    n = X.shape[0]
    do = wT.shape[1]
    rb = RB if n % RB == 0 else n
    nb = n // rb
    body = functools.partial(_ec_body, ne=3 * n, do=do, de=de, nb=nb)
    return pl.pallas_call(
        body,
        grid=(2, nb),
        in_specs=[
            pl.BlockSpec((rb, X.shape[1]), lambda p, b: (b, 0)),
            pl.BlockSpec((3 * rb, Gn.shape[1]), lambda p, b: (b, 0)),
            pl.BlockSpec(wT.shape, lambda p, b: (0, 0)),
            pl.BlockSpec(b_.shape, lambda p, b: (0, 0)),
            pl.BlockSpec(ga_.shape, lambda p, b: (0, 0)),
            pl.BlockSpec(be_.shape, lambda p, b: (0, 0)),
        ],
        out_specs=[
            pl.BlockSpec((3 * rb, do), lambda p, b: (b, 0)),
            pl.BlockSpec((rb, do), lambda p, b: (b, 0)),
            pl.BlockSpec((rb, do), lambda p, b: (b, 0)),
            pl.BlockSpec((rb, 2 * do), lambda p, b: (b, 0)),
        ],
        out_shape=[jax.ShapeDtypeStruct((3 * n, do), jnp.float32),
                   jax.ShapeDtypeStruct((n, do), jnp.float32),
                   jax.ShapeDtypeStruct((npad_out, do), jnp.float32),
                   jax.ShapeDtypeStruct((n, 2 * do), jnp.float32)],
        scratch_shapes=[pltpu.VMEM((rb, 2 * de), jnp.float32),
                        pltpu.VMEM((1, do), jnp.float32),
                        pltpu.VMEM((1, do), jnp.float32)],
    )(X, Gn, wT, b_, ga_, be_)


def _ec_pool_body(x_ref, g_ref, w_ref, b_ref, ga_ref, be_ref, brow_ref,
                  f1w_ref, f1b_ref, f2w_ref, f2b_ref,
                  msg_ref, xn_ref, out_ref,
                  e_s, s1_s, s2_s, ps_s, cnt_s, *, ne, do, de, nb):
    _ec_common(x_ref, g_ref, w_ref, b_ref, ga_ref, be_ref, msg_ref, xn_ref,
               e_s, s1_s, s2_s, ne=ne, do=do, de=de, nb=nb)
    p = pl.program_id(0)
    b = pl.program_id(1)

    @pl.when(p == 1)
    def _():
        @pl.when(b == 0)
        def _():
            ps_s[...] = jnp.zeros_like(ps_s)
            cnt_s[...] = jnp.zeros_like(cnt_s)
        x2 = xn_ref[...]
        gid = jax.lax.broadcasted_iota(jnp.int32, (G, x2.shape[0]), 0)
        bb_row = brow_ref[...].reshape(1, x2.shape[0])
        oh = jnp.where(gid == bb_row, 1.0, 0.0).astype(jnp.float32)
        ps_s[...] += _mmdot(oh, x2, prec=jax.lax.Precision.HIGHEST)
        cnt_s[...] += jnp.sum(oh, axis=1, keepdims=True)

        @pl.when(b == nb - 1)
        def _():
            pooled = ps_s[...] / jnp.maximum(cnt_s[...], 1.0)
            o1 = _mmdot(pooled, f1w_ref[...]) + f1b_ref[...]
            out_ref[...] = _mmdot(o1, f2w_ref[...]) + f2b_ref[...]


def _edge_conv_pool(X, Gn, wT, b_, ga_, be_, brow_n, f1w, f1b, f2w, f2b, de):
    n = X.shape[0]
    do = wT.shape[1]
    rb = RB if n % RB == 0 else n
    nb = n // rb
    brow_n = brow_n.reshape(nb, 1, rb)
    body = functools.partial(_ec_pool_body, ne=3 * n, do=do, de=de, nb=nb)
    return pl.pallas_call(
        body,
        grid=(2, nb),
        in_specs=[
            pl.BlockSpec((rb, X.shape[1]), lambda p, b: (b, 0)),
            pl.BlockSpec((3 * rb, Gn.shape[1]), lambda p, b: (b, 0)),
            pl.BlockSpec(wT.shape, lambda p, b: (0, 0)),
            pl.BlockSpec(b_.shape, lambda p, b: (0, 0)),
            pl.BlockSpec(ga_.shape, lambda p, b: (0, 0)),
            pl.BlockSpec(be_.shape, lambda p, b: (0, 0)),
            pl.BlockSpec((1, 1, rb), lambda p, b: (b, 0, 0)),
            pl.BlockSpec(f1w.shape, lambda p, b: (0, 0)),
            pl.BlockSpec(f1b.shape, lambda p, b: (0, 0)),
            pl.BlockSpec(f2w.shape, lambda p, b: (0, 0)),
            pl.BlockSpec(f2b.shape, lambda p, b: (0, 0)),
        ],
        out_specs=[
            pl.BlockSpec((3 * rb, do), lambda p, b: (b, 0)),
            pl.BlockSpec((rb, do), lambda p, b: (b, 0)),
            pl.BlockSpec((G, 1), lambda p, b: (0, 0)),
        ],
        out_shape=[jax.ShapeDtypeStruct((3 * n, do), jnp.float32),
                   jax.ShapeDtypeStruct((n, do), jnp.float32),
                   jax.ShapeDtypeStruct((G, 1), jnp.float32)],
        scratch_shapes=[pltpu.VMEM((rb, 2 * de), jnp.float32),
                        pltpu.VMEM((1, do), jnp.float32),
                        pltpu.VMEM((1, do), jnp.float32),
                        pltpu.VMEM((G, do), jnp.float32),
                        pltpu.VMEM((G, 1), jnp.float32)],
    )(X, Gn, wT, b_, ga_, be_, brow_n, f1w, f1b, f2w, f2b)


def kernel(x, batch, w0, b0, g0, be0, w1, b1, g1, be1,
           fc1_w, fc1_b, fc2_w, fc2_b):
    n, dfeat = x.shape
    npad = ((n + T - 1) // T) * T
    nt = npad // T
    e = n * K
    ep = ((e + 255) // 256) * 256

    batch32 = batch.astype(jnp.int32)
    bpad = jnp.concatenate([batch32, jnp.full((npad - n,), G, jnp.int32)])
    brow = bpad.reshape(1, npad)
    bcol = bpad.reshape(npad, 1)

    tile_first = jnp.arange(nt) * T
    tile_last = jnp.minimum(tile_first + T - 1, n - 1)
    g_first = batch32[tile_first][:, None]
    g_last = batch32[tile_last][:, None]
    col_lo = jnp.sum(batch32[None, :] < g_first, axis=1)
    col_hi = jnp.sum(batch32[None, :] <= g_last, axis=1)
    lo_t = (col_lo // T).astype(jnp.int32)
    hi_t = ((col_hi - 1) // T).astype(jnp.int32)

    zpad = jnp.zeros((npad - n, dfeat), jnp.float32)
    xp = jnp.concatenate([x, zpad], axis=0)
    posT = xp[:, :2].T

    tgt = jnp.asarray(np.repeat(np.arange(n, dtype=np.int32), K))
    idxpad_tail = jnp.asarray(np.zeros((ep - e,), np.int32))

    i00, i01, i02 = _knn(xp, 2.0 * posT, brow, bcol, lo_t, hi_t, n, 2)
    src0 = jnp.concatenate([i00, i01, i02], axis=1)[:n].reshape(-1)
    g0rows = _sc_gather(x, jnp.concatenate([src0, idxpad_tail]), 128, 2)
    msg0, x1, x1p, x1w = _edge_conv(x, g0rows, w0.T, b0.reshape(1, -1),
                                    g0.reshape(1, -1), be0.reshape(1, -1),
                                    128, npad)

    x1T2 = 2.0 * x1p.T
    i10, i11, i12 = _knn(x1p, x1T2, brow, bcol, lo_t, hi_t, n, 64)
    src1 = jnp.concatenate([i10, i11, i12], axis=1)[:n].reshape(-1)
    g1rows = _sc_gather(x1w, jnp.concatenate([src1, idxpad_tail]), 128, 2)
    msg1, x2, out = _edge_conv_pool(
        x1w, g1rows, w1.T, b1.reshape(1, -1), g1.reshape(1, -1),
        be1.reshape(1, -1), brow[:, :n], fc1_w.T, fc1_b.reshape(1, -1),
        fc2_w.T, fc2_b.reshape(1, -1), 64)

    ea0 = msg0
    ea1 = msg1
    ei0 = jnp.stack([src0, tgt], axis=0).astype(jnp.int64)
    ei1 = jnp.stack([src1, tgt], axis=0).astype(jnp.int64)
    return (out, (ea0, ea1), (x1, x2), (ei0, ei1))

# --- scband reference (transcript-rebuilt; emitter-appended) ---
"""Pipeline reference for scband-particle-net-9715216023598 (READ-ONLY COPY).

The authoritative reference and input builder live on the scoring server;
editing this copy changes nothing except your own understanding.
"""

import jax, jax.numpy as jnp
import numpy as np

N = 10000
D_FEAT = 128
K = 3
NUM_GRAPHS = 64
EPS = 1e-5


def knn_graph(pos, batch, k):
    # PyG knn_graph, loop=False, flow='source_to_target': edge j->i, j among k nearest of i within same graph
    sq = jnp.sum(pos * pos, axis=1)
    d2 = sq[:, None] + sq[None, :] - 2.0 * (pos @ pos.T)
    n = pos.shape[0]
    big = jnp.asarray(1e20, pos.dtype)
    cross = batch[:, None] != batch[None, :]
    d2 = jnp.where(cross, big, d2)
    d2 = jnp.where(jnp.eye(n, dtype=bool), big, d2)
    _, idx = jax.lax.top_k(-d2, k)  # [n, k] neighbor indices j for each target i
    tgt = jnp.repeat(jnp.arange(n), k)
    src = idx.reshape(-1)
    return jnp.stack([src, tgt], axis=0).astype(jnp.int64)


def edge_conv(x, edge_index, W, b, gamma, beta):
    src, tgt = edge_index[0], edge_index[1]
    x_i = x[tgt]
    x_j = x[src]
    h = jnp.concatenate([x_i, x_j], axis=-1) @ W.T + b
    # BatchNorm1d in training mode: batch statistics over edge dimension
    mu = jnp.mean(h, axis=0)
    var = jnp.var(h, axis=0)
    h = (h - mu) / jnp.sqrt(var + EPS) * gamma + beta
    msg = jax.nn.relu(h)  # edge activations
    n = x.shape[0]
    agg = jax.ops.segment_sum(msg, tgt, num_segments=n)
    cnt = jax.ops.segment_sum(jnp.ones((msg.shape[0],), msg.dtype), tgt, num_segments=n)
    out = agg / jnp.maximum(cnt, 1.0)[:, None]  # aggr='mean'
    return out, msg


def setup_inputs(seed: int = 0) -> dict:
    key = jax.random.key(seed)
    ks = jax.random.split(key, 16)
    x = jax.random.normal(ks[0], (N, D_FEAT), dtype=jnp.float32)
    batch = jnp.sort(jax.random.randint(ks[1], (N,), 0, NUM_GRAPHS)).astype(jnp.int64)
    s = 0.05
    # block 0: in=128 -> out=64 (Linear in_size*2=256)
    w0 = jax.random.normal(ks[2], (64, 256), dtype=jnp.float32) * s
    b0 = jnp.zeros((64,), jnp.float32)
    g0 = jnp.ones((64,), jnp.float32)
    be0 = jnp.zeros((64,), jnp.float32)
    # block 1: in=64 -> out=128 (Linear in_size*2=128)
    w1 = jax.random.normal(ks[3], (128, 128), dtype=jnp.float32) * s
    b1 = jnp.zeros((128,), jnp.float32)
    g1 = jnp.ones((128,), jnp.float32)
    be1 = jnp.zeros((128,), jnp.float32)
    fc1_w = jax.random.normal(ks[4], (256, 128), dtype=jnp.float32) * s
    fc1_b = jnp.zeros((256,), jnp.float32)
    fc2_w = jax.random.normal(ks[5], (1, 256), dtype=jnp.float32) * s
    fc2_b = jnp.zeros((1,), jnp.float32)
    return {"x": x, "batch": batch, "w0": w0, "b0": b0, "g0": g0, "be0": be0,
            "w1": w1, "b1": b1, "g1": g1, "be1": be1,
            "fc1_w": fc1_w, "fc1_b": fc1_b, "fc2_w": fc2_w, "fc2_b": fc2_b}


def reference(x, batch, w0, b0, g0, be0, w1, b1, g1, be1, fc1_w, fc1_b, fc2_w, fc2_b):
    # block 0: knn on first two coordinates
    ei0 = knn_graph(x[:, :2], batch, K)
    x1, ea0 = edge_conv(x, ei0, w0, b0, g0, be0)
    # block 1: knn on full feature vector
    ei1 = knn_graph(x1, batch, K)
    x2, ea1 = edge_conv(x1, ei1, w1, b1, g1, be1)
    # global mean pool over graphs
    pooled_sum = jax.ops.segment_sum(x2, batch, num_segments=NUM_GRAPHS)
    counts = jax.ops.segment_sum(jnp.ones((x2.shape[0],), x2.dtype), batch, num_segments=NUM_GRAPHS)
    pooled = pooled_sum / jnp.maximum(counts, 1.0)[:, None]
    out = pooled @ fc1_w.T + fc1_b
    out = out @ fc2_w.T + fc2_b  # num_classes forced to 1 in __init__
    return (out, (ea0, ea1), (x1, x2), (ei0, ei1))

if __name__ == "__main__":
    import jax
    _d = setup_inputs()
    print(jax.jit(kernel)(*tuple(_d.values())))

</pallas_src>

<mosaic_0001>
#map = affine_map<(d0, d1) -> (0, 0)>
#map1 = affine_map<(d0, d1) -> (0)>
module attributes {stable_mosaic.version = 14 : i64} {
  func.func @k(%arg0: i32, %arg1: i32, %arg2: memref<10000x128xf32, #tpu.memory_space<hbm>>, %arg3: memref<30208xi32, #tpu.memory_space<hbm>>, %arg4: memref<30208x128xf32, #tpu.memory_space<hbm>>, %arg5: memref<944xi32, #tpu.memory_space<vmem>>, %arg6: memref<472x128xf32, #tpu.memory_space<vmem>>, %arg7: memref<472x128xf32, #tpu.memory_space<vmem>>, %arg8: memref<!tpu.dma_semaphore, #tpu.memory_space<semaphore_mem>>, %arg9: memref<!tpu.dma_semaphore, #tpu.memory_space<semaphore_mem>>) attributes {dimension_semantics = [#tpu.dimension_semantics<core_parallel>, #tpu.dimension_semantics<subcore_parallel>], iteration_bounds = array<i64: 2, 16>, scalar_prefetch = 0 : i64, scratch_operands = 5 : i64, tpu.core_type = #tpu.core_type<sc_vector_subcore>, window_params = [{transform_indices = #map}, {transform_indices = #map1}, {transform_indices = #map}]} {
    %mul3A = arith.constant 2 : i32
    %mul3A_0 = arith.muli %arg1, %mul3A : i32
    %add3A = arith.addi %mul3A_0, %arg0 : i32
    %mul3A_1 = arith.constant 944 : i32
    %mul3A_2 = arith.muli %add3A, %mul3A_1 : i32
    "tpu.region"() ({
      %run_scoped3A = tpu.sem_alloc : memref<!tpu.dma_semaphore, #tpu.memory_space<semaphore_mem>>
      %dma_start3A_25 = tpu.memref_slice %arg3[%mul3A_2] : memref<30208xi32, #tpu.memory_space<hbm>> -> memref<944xi32, #tpu.memory_space<hbm>>
      %dma_start3A_26 = tpu.memref_slice %arg3[%mul3A_2] : memref<30208xi32, #tpu.memory_space<hbm>> -> memref<944xi32, #tpu.memory_space<hbm>>
      tpu.enqueue_dma source(%dma_start3A_26 : memref<944xi32, #tpu.memory_space<hbm>>) target(%arg5 : memref<944xi32, #tpu.memory_space<vmem>>) target_semaphore(%run_scoped3A : memref<!tpu.dma_semaphore, #tpu.memory_space<semaphore_mem>>)
      %dma_wait3A_27 = tpu.memref_slice %arg3[%mul3A_2] : memref<30208xi32, #tpu.memory_space<hbm>> -> memref<944xi32, #tpu.memory_space<hbm>>
      %dma_wait3A_28 = tpu.memref_slice %arg3[%mul3A_2] : memref<30208xi32, #tpu.memory_space<hbm>> -> memref<944xi32, #tpu.memory_space<hbm>>
      tpu.wait_dma2 semaphore(%run_scoped3A : memref<!tpu.dma_semaphore, #tpu.memory_space<semaphore_mem>>) src(%dma_wait3A_28 : memref<944xi32, #tpu.memory_space<hbm>>) dst(%arg5 : memref<944xi32, #tpu.memory_space<vmem>>)
      tpu.yield
    }) : () -> ()
    %dma_start3A = arith.constant 0 : i32
    %dma_start3A_3 = tpu.memref_slice %arg5[%dma_start3A] : memref<944xi32, #tpu.memory_space<vmem>> -> memref<472xi32, #tpu.memory_space<vmem>>
    %dma_start3A_4 = arith.constant 0 : i32
    %dma_start3A_5 = arith.constant 0 : i32
    %dma_start3A_6 = tpu.memref_slice %arg2[%dma_start3A_4, %dma_start3A_5] : memref<10000x128xf32, #tpu.memory_space<hbm>> -> memref<10000x128xf32, #tpu.memory_space<hbm>>
    tpu.enqueue_indirect_dma source(%dma_start3A_6 : memref<10000x128xf32, #tpu.memory_space<hbm>>) target(%arg6 : memref<472x128xf32, #tpu.memory_space<vmem>>) offsets(%dma_start3A_3 : memref<472xi32, #tpu.memory_space<vmem>>) semaphore(%arg8 : memref<!tpu.dma_semaphore, #tpu.memory_space<semaphore_mem>>)
    %dma_start3A_7 = arith.constant 472 : i32
    %dma_start3A_8 = tpu.memref_slice %arg5[%dma_start3A_7] : memref<944xi32, #tpu.memory_space<vmem>> -> memref<472xi32, #tpu.memory_space<vmem>>
    %dma_start3A_9 = arith.constant 0 : i32
    %dma_start3A_10 = arith.constant 0 : i32
    %dma_start3A_11 = tpu.memref_slice %arg2[%dma_start3A_9, %dma_start3A_10] : memref<10000x128xf32, #tpu.memory_space<hbm>> -> memref<10000x128xf32, #tpu.memory_space<hbm>>
    tpu.enqueue_indirect_dma source(%dma_start3A_11 : memref<10000x128xf32, #tpu.memory_space<hbm>>) target(%arg7 : memref<472x128xf32, #tpu.memory_space<vmem>>) offsets(%dma_start3A_8 : memref<472xi32, #tpu.memory_space<vmem>>) semaphore(%arg9 : memref<!tpu.dma_semaphore, #tpu.memory_space<semaphore_mem>>)
    %dma_wait3A = arith.constant 0 : i32
    %dma_wait3A_12 = tpu.memref_slice %arg5[%dma_wait3A] : memref<944xi32, #tpu.memory_space<vmem>> -> memref<472xi32, #tpu.memory_space<vmem>>
    %dma_wait3A_13 = arith.constant 0 : i32
    %dma_wait3A_14 = arith.constant 0 : i32
    %dma_wait3A_15 = tpu.memref_slice %arg2[%dma_wait3A_13, %dma_wait3A_14] : memref<10000x128xf32, #tpu.memory_space<hbm>> -> memref<10000x128xf32, #tpu.memory_space<hbm>>
    tpu.wait_indirect_dma semaphore(%arg8 : memref<!tpu.dma_semaphore, #tpu.memory_space<semaphore_mem>>) src(%dma_wait3A_15 : memref<10000x128xf32, #tpu.memory_space<hbm>>) dst(%arg6 : memref<472x128xf32, #tpu.memory_space<vmem>>)
    %add3A_16 = arith.constant 0 : i32
    %add3A_17 = arith.addi %mul3A_2, %add3A_16 : i32
    "tpu.region"() ({
      %run_scoped3A = tpu.sem_alloc : memref<!tpu.dma_semaphore, #tpu.memory_space<semaphore_mem>>
      %dma_start3A_25 = arith.constant 0 : i32
      %dma_start3A_26 = tpu.memref_slice %arg4[%add3A_17, %dma_start3A_25] : memref<30208x128xf32, #tpu.memory_space<hbm>> -> memref<472x128xf32, #tpu.memory_space<hbm>>
      %dma_start3A_27 = arith.constant 0 : i32
      %dma_start3A_28 = tpu.memref_slice %arg4[%add3A_17, %dma_start3A_27] : memref<30208x128xf32, #tpu.memory_space<hbm>> -> memref<472x128xf32, #tpu.memory_space<hbm>>
      tpu.enqueue_dma source(%arg6 : memref<472x128xf32, #tpu.memory_space<vmem>>) target(%dma_start3A_28 : memref<472x128xf32, #tpu.memory_space<hbm>>) target_semaphore(%run_scoped3A : memref<!tpu.dma_semaphore, #tpu.memory_space<semaphore_mem>>)
      %dma_wait3A_29 = arith.constant 0 : i32
      %dma_wait3A_30 = tpu.memref_slice %arg4[%add3A_17, %dma_wait3A_29] : memref<30208x128xf32, #tpu.memory_space<hbm>> -> memref<472x128xf32, #tpu.memory_space<hbm>>
      %dma_wait3A_31 = arith.constant 0 : i32
      %dma_wait3A_32 = tpu.memref_slice %arg4[%add3A_17, %dma_wait3A_31] : memref<30208x128xf32, #tpu.memory_space<hbm>> -> memref<472x128xf32, #tpu.memory_space<hbm>>
      tpu.wait_dma2 semaphore(%run_scoped3A : memref<!tpu.dma_semaphore, #tpu.memory_space<semaphore_mem>>) src(%arg6 : memref<472x128xf32, #tpu.memory_space<vmem>>) dst(%dma_wait3A_32 : memref<472x128xf32, #tpu.memory_space<hbm>>)
      tpu.yield
    }) : () -> ()
    %dma_wait3A_18 = arith.constant 472 : i32
    %dma_wait3A_19 = tpu.memref_slice %arg5[%dma_wait3A_18] : memref<944xi32, #tpu.memory_space<vmem>> -> memref<472xi32, #tpu.memory_space<vmem>>
    %dma_wait3A_20 = arith.constant 0 : i32
    %dma_wait3A_21 = arith.constant 0 : i32
    %dma_wait3A_22 = tpu.memref_slice %arg2[%dma_wait3A_20, %dma_wait3A_21] : memref<10000x128xf32, #tpu.memory_space<hbm>> -> memref<10000x128xf32, #tpu.memory_space<hbm>>
    tpu.wait_indirect_dma semaphore(%arg9 : memref<!tpu.dma_semaphore, #tpu.memory_space<semaphore_mem>>) src(%dma_wait3A_22 : memref<10000x128xf32, #tpu.memory_space<hbm>>) dst(%arg7 : memref<472x128xf32, #tpu.memory_space<vmem>>)
    %add3A_23 = arith.constant 472 : i32
    %add3A_24 = arith.addi %mul3A_2, %add3A_23 : i32
    "tpu.region"() ({
      %run_scoped3A = tpu.sem_alloc : memref<!tpu.dma_semaphore, #tpu.memory_space<semaphore_mem>>
      %dma_start3A_25 = arith.constant 0 : i32
      %dma_start3A_26 = tpu.memref_slice %arg4[%add3A_24, %dma_start3A_25] : memref<30208x128xf32, #tpu.memory_space<hbm>> -> memref<472x128xf32, #tpu.memory_space<hbm>>
      %dma_start3A_27 = arith.constant 0 : i32
      %dma_start3A_28 = tpu.memref_slice %arg4[%add3A_24, %dma_start3A_27] : memref<30208x128xf32, #tpu.memory_space<hbm>> -> memref<472x128xf32, #tpu.memory_space<hbm>>
      tpu.enqueue_dma source(%arg7 : memref<472x128xf32, #tpu.memory_space<vmem>>) target(%dma_start3A_28 : memref<472x128xf32, #tpu.memory_space<hbm>>) target_semaphore(%run_scoped3A : memref<!tpu.dma_semaphore, #tpu.memory_space<semaphore_mem>>)
      %dma_wait3A_29 = arith.constant 0 : i32
      %dma_wait3A_30 = tpu.memref_slice %arg4[%add3A_24, %dma_wait3A_29] : memref<30208x128xf32, #tpu.memory_space<hbm>> -> memref<472x128xf32, #tpu.memory_space<hbm>>
      %dma_wait3A_31 = arith.constant 0 : i32
      %dma_wait3A_32 = tpu.memref_slice %arg4[%add3A_24, %dma_wait3A_31] : memref<30208x128xf32, #tpu.memory_space<hbm>> -> memref<472x128xf32, #tpu.memory_space<hbm>>
      tpu.wait_dma2 semaphore(%run_scoped3A : memref<!tpu.dma_semaphore, #tpu.memory_space<semaphore_mem>>) src(%arg7 : memref<472x128xf32, #tpu.memory_space<vmem>>) dst(%dma_wait3A_32 : memref<472x128xf32, #tpu.memory_space<hbm>>)
      tpu.yield
    }) : () -> ()
    return
  }
}

#map = affine_map<(d0, d1) -> (0, 0)>
#map1 = affine_map<(d0, d1) -> (0)>
module attributes {stable_mosaic.version = 14 : i64} {
  func.func @k(%arg0: i32, %arg1: i32, %arg2: memref<10000x128xf32, #tpu.memory_space<hbm>>, %arg3: memref<30208xi32, #tpu.memory_space<hbm>>, %arg4: memref<30208x128xf32, #tpu.memory_space<hbm>>, %arg5: memref<944xi32, #tpu.memory_space<vmem>>, %arg6: memref<472x128xf32, #tpu.memory_space<vmem>>, %arg7: memref<472x128xf32, #tpu.memory_space<vmem>>, %arg8: memref<!tpu.dma_semaphore, #tpu.memory_space<semaphore_mem>>, %arg9: memref<!tpu.dma_semaphore, #tpu.memory_space<semaphore_mem>>) attributes {dimension_semantics = [#tpu.dimension_semantics<core_parallel>, #tpu.dimension_semantics<subcore_parallel>], iteration_bounds = array<i64: 2, 16>, scalar_prefetch = 0 : i64, scratch_operands = 5 : i64, tpu.core_type = #tpu.core_type<sc_vector_subcore>, window_params = [{transform_indices = #map}, {transform_indices = #map1}, {transform_indices = #map}]} {
    %mul3A = arith.constant 2 : i32
    %mul3A_0 = arith.muli %arg1, %mul3A : i32
    %add3A = arith.addi %mul3A_0, %arg0 : i32
    %mul3A_1 = arith.constant 944 : i32
    %mul3A_2 = arith.muli %add3A, %mul3A_1 : i32
    "tpu.region"() ({
      %run_scoped3A = tpu.sem_alloc : memref<!tpu.dma_semaphore, #tpu.memory_space<semaphore_mem>>
      %dma_start3A_25 = tpu.memref_slice %arg3[%mul3A_2] : memref<30208xi32, #tpu.memory_space<hbm>> -> memref<944xi32, #tpu.memory_space<hbm>>
      %dma_start3A_26 = tpu.memref_slice %arg3[%mul3A_2] : memref<30208xi32, #tpu.memory_space<hbm>> -> memref<944xi32, #tpu.memory_space<hbm>>
      tpu.enqueue_dma source(%dma_start3A_26 : memref<944xi32, #tpu.memory_space<hbm>>) target(%arg5 : memref<944xi32, #tpu.memory_space<vmem>>) target_semaphore(%run_scoped3A : memref<!tpu.dma_semaphore, #tpu.memory_space<semaphore_mem>>)
      %dma_wait3A_27 = tpu.memref_slice %arg3[%mul3A_2] : memref<30208xi32, #tpu.memory_space<hbm>> -> memref<944xi32, #tpu.memory_space<hbm>>
      %dma_wait3A_28 = tpu.memref_slice %arg3[%mul3A_2] : memref<30208xi32, #tpu.memory_space<hbm>> -> memref<944xi32, #tpu.memory_space<hbm>>
      tpu.wait_dma2 semaphore(%run_scoped3A : memref<!tpu.dma_semaphore, #tpu.memory_space<semaphore_mem>>) src(%dma_wait3A_28 : memref<944xi32, #tpu.memory_space<hbm>>) dst(%arg5 : memref<944xi32, #tpu.memory_space<vmem>>)
      tpu.yield
    }) : () -> ()
    %dma_start3A = arith.constant 0 : i32
    %dma_start3A_3 = tpu.memref_slice %arg5[%dma_start3A] : memref<944xi32, #tpu.memory_space<vmem>> -> memref<472xi32, #tpu.memory_space<vmem>>
    %dma_start3A_4 = arith.constant 0 : i32
    %dma_start3A_5 = arith.constant 0 : i32
    %dma_start3A_6 = tpu.memref_slice %arg2[%dma_start3A_4, %dma_start3A_5] : memref<10000x128xf32, #tpu.memory_space<hbm>> -> memref<10000x128xf32, #tpu.memory_space<hbm>>
    tpu.enqueue_indirect_dma source(%dma_start3A_6 : memref<10000x128xf32, #tpu.memory_space<hbm>>) target(%arg6 : memref<472x128xf32, #tpu.memory_space<vmem>>) offsets(%dma_start3A_3 : memref<472xi32, #tpu.memory_space<vmem>>) semaphore(%arg8 : memref<!tpu.dma_semaphore, #tpu.memory_space<semaphore_mem>>)
    %dma_start3A_7 = arith.constant 472 : i32
    %dma_start3A_8 = tpu.memref_slice %arg5[%dma_start3A_7] : memref<944xi32, #tpu.memory_space<vmem>> -> memref<472xi32, #tpu.memory_space<vmem>>
    %dma_start3A_9 = arith.constant 0 : i32
    %dma_start3A_10 = arith.constant 0 : i32
    %dma_start3A_11 = tpu.memref_slice %arg2[%dma_start3A_9, %dma_start3A_10] : memref<10000x128xf32, #tpu.memory_space<hbm>> -> memref<10000x128xf32, #tpu.memory_space<hbm>>
    tpu.enqueue_indirect_dma source(%dma_start3A_11 : memref<10000x128xf32, #tpu.memory_space<hbm>>) target(%arg7 : memref<472x128xf32, #tpu.memory_space<vmem>>) offsets(%dma_start3A_8 : memref<472xi32, #tpu.memory_space<vmem>>) semaphore(%arg9 : memref<!tpu.dma_semaphore, #tpu.memory_space<semaphore_mem>>)
    %dma_wait3A = arith.constant 0 : i32
    %dma_wait3A_12 = tpu.memref_slice %arg5[%dma_wait3A] : memref<944xi32, #tpu.memory_space<vmem>> -> memref<472xi32, #tpu.memory_space<vmem>>
    %dma_wait3A_13 = arith.constant 0 : i32
    %dma_wait3A_14 = arith.constant 0 : i32
    %dma_wait3A_15 = tpu.memref_slice %arg2[%dma_wait3A_13, %dma_wait3A_14] : memref<10000x128xf32, #tpu.memory_space<hbm>> -> memref<10000x128xf32, #tpu.memory_space<hbm>>
    tpu.wait_indirect_dma semaphore(%arg8 : memref<!tpu.dma_semaphore, #tpu.memory_space<semaphore_mem>>) src(%dma_wait3A_15 : memref<10000x128xf32, #tpu.memory_space<hbm>>) dst(%arg6 : memref<472x128xf32, #tpu.memory_space<vmem>>)
    %add3A_16 = arith.constant 0 : i32
    %add3A_17 = arith.addi %mul3A_2, %add3A_16 : i32
    "tpu.region"() ({
      %run_scoped3A = tpu.sem_alloc : memref<!tpu.dma_semaphore, #tpu.memory_space<semaphore_mem>>
      %dma_start3A_25 = arith.constant 0 : i32
      %dma_start3A_26 = tpu.memref_slice %arg4[%add3A_17, %dma_start3A_25] : memref<30208x128xf32, #tpu.memory_space<hbm>> -> memref<472x128xf32, #tpu.memory_space<hbm>>
      %dma_start3A_27 = arith.constant 0 : i32
      %dma_start3A_28 = tpu.memref_slice %arg4[%add3A_17, %dma_start3A_27] : memref<30208x128xf32, #tpu.memory_space<hbm>> -> memref<472x128xf32, #tpu.memory_space<hbm>>
      tpu.enqueue_dma source(%arg6 : memref<472x128xf32, #tpu.memory_space<vmem>>) target(%dma_start3A_28 : memref<472x128xf32, #tpu.memory_space<hbm>>) target_semaphore(%run_scoped3A : memref<!tpu.dma_semaphore, #tpu.memory_space<semaphore_mem>>)
      %dma_wait3A_29 = arith.constant 0 : i32
      %dma_wait3A_30 = tpu.memref_slice %arg4[%add3A_17, %dma_wait3A_29] : memref<30208x128xf32, #tpu.memory_space<hbm>> -> memref<472x128xf32, #tpu.memory_space<hbm>>
      %dma_wait3A_31 = arith.constant 0 : i32
      %dma_wait3A_32 = tpu.memref_slice %arg4[%add3A_17, %dma_wait3A_31] : memref<30208x128xf32, #tpu.memory_space<hbm>> -> memref<472x128xf32, #tpu.memory_space<hbm>>
      tpu.wait_dma2 semaphore(%run_scoped3A : memref<!tpu.dma_semaphore, #tpu.memory_space<semaphore_mem>>) src(%arg6 : memref<472x128xf32, #tpu.memory_space<vmem>>) dst(%dma_wait3A_32 : memref<472x128xf32, #tpu.memory_space<hbm>>)
      tpu.yield
    }) : () -> ()
    %dma_wait3A_18 = arith.constant 472 : i32
    %dma_wait3A_19 = tpu.memref_slice %arg5[%dma_wait3A_18] : memref<944xi32, #tpu.memory_space<vmem>> -> memref<472xi32, #tpu.memory_space<vmem>>
    %dma_wait3A_20 = arith.constant 0 : i32
    %dma_wait3A_21 = arith.constant 0 : i32
    %dma_wait3A_22 = tpu.memref_slice %arg2[%dma_wait3A_20, %dma_wait3A_21] : memref<10000x128xf32, #tpu.memory_space<hbm>> -> memref<10000x128xf32, #tpu.memory_space<hbm>>
    tpu.wait_indirect_dma semaphore(%arg9 : memref<!tpu.dma_semaphore, #tpu.memory_space<semaphore_mem>>) src(%dma_wait3A_22 : memref<10000x128xf32, #tpu.memory_space<hbm>>) dst(%arg7 : memref<472x128xf32, #tpu.memory_space<vmem>>)
    %add3A_23 = arith.constant 472 : i32
    %add3A_24 = arith.addi %mul3A_2, %add3A_23 : i32
    "tpu.region"() ({
      %run_scoped3A = tpu.sem_alloc : memref<!tpu.dma_semaphore, #tpu.memory_space<semaphore_mem>>
      %dma_start3A_25 = arith.constant 0 : i32
      %dma_start3A_26 = tpu.memref_slice %arg4[%add3A_24, %dma_start3A_25] : memref<30208x128xf32, #tpu.memory_space<hbm>> -> memref<472x128xf32, #tpu.memory_space<hbm>>
      %dma_start3A_27 = arith.constant 0 : i32
      %dma_start3A_28 = tpu.memref_slice %arg4[%add3A_24, %dma_start3A_27] : memref<30208x128xf32, #tpu.memory_space<hbm>> -> memref<472x128xf32, #tpu.memory_space<hbm>>
      tpu.enqueue_dma source(%arg7 : memref<472x128xf32, #tpu.memory_space<vmem>>) target(%dma_start3A_28 : memref<472x128xf32, #tpu.memory_space<hbm>>) target_semaphore(%run_scoped3A : memref<!tpu.dma_semaphore, #tpu.memory_space<semaphore_mem>>)
      %dma_wait3A_29 = arith.constant 0 : i32
      %dma_wait3A_30 = tpu.memref_slice %arg4[%add3A_24, %dma_wait3A_29] : memref<30208x128xf32, #tpu.memory_space<hbm>> -> memref<472x128xf32, #tpu.memory_space<hbm>>
      %dma_wait3A_31 = arith.constant 0 : i32
      %dma_wait3A_32 = tpu.memref_slice %arg4[%add3A_24, %dma_wait3A_31] : memref<30208x128xf32, #tpu.memory_space<hbm>> -> memref<472x128xf32, #tpu.memory_space<hbm>>
      tpu.wait_dma2 semaphore(%run_scoped3A : memref<!tpu.dma_semaphore, #tpu.memory_space<semaphore_mem>>) src(%arg7 : memref<472x128xf32, #tpu.memory_space<vmem>>) dst(%dma_wait3A_32 : memref<472x128xf32, #tpu.memory_space<hbm>>)
      tpu.yield
    }) : () -> ()
    return
  }
}

module attributes {stable_mosaic.version = 14 : i64} {
  func.func @_knn_body(%arg0: i32, %arg1: memref<20xi32, #tpu.memory_space<smem>>, %arg2: memref<20xi32, #tpu.memory_space<smem>>, %arg3: memref<10240x128xf32, #tpu.memory_space<vmem>>, %arg4: memref<2x10240xf32, #tpu.memory_space<vmem>>, %arg5: memref<1x10240xi32, #tpu.memory_space<vmem>>, %arg6: memref<10240x1xi32, #tpu.memory_space<vmem>>, %arg7: memref<512x1xi32, #tpu.memory_space<vmem>>, %arg8: memref<512x1xi32, #tpu.memory_space<vmem>>, %arg9: memref<512x1xi32, #tpu.memory_space<vmem>>) attributes {dimension_semantics = [#tpu.dimension_semantics<parallel>], iteration_bounds = array<i64: 20>, scalar_prefetch = 2 : i64, scratch_operands = 0 : i64, tpu.core_type = #tpu.core_type<tc>, window_params = [{pipeline_mode = #tpu.pipeline_mode<synchronous>, transform_indices = @transform_0, window_bounds = array<i64: 10240, 128>}, {pipeline_mode = #tpu.pipeline_mode<synchronous>, transform_indices = @transform_1, window_bounds = array<i64: 2, 10240>}, {pipeline_mode = #tpu.pipeline_mode<synchronous>, transform_indices = @transform_2, window_bounds = array<i64: 1, 10240>}, {pipeline_mode = #tpu.pipeline_mode<synchronous>, transform_indices = @transform_3, window_bounds = array<i64: 10240, 1>}, {transform_indices = @transform_4, window_bounds = array<i64: 512, 1>}, {transform_indices = @transform_5, window_bounds = array<i64: 512, 1>}, {transform_indices = @transform_6, window_bounds = array<i64: 512, 1>}]} {
    %mul3A = arith.constant 512 : i32
    %mul3A_0 = arith.muli %arg0, %mul3A : i32
    %get3A = arith.index_cast %mul3A_0 : i32 to index
    %get3A_1 = arith.constant 0 : index
    %get3A_2 = vector.load %arg3[%get3A, %get3A_1] : memref<10240x128xf32, #tpu.memory_space<vmem>>, vector<512x2xf32>
    %mul3A_3 = arith.mulf %get3A_2, %get3A_2 : vector<512x2xf32>
    %reduce_sum3A = arith.constant dense<0.000000e+00> : vector<512xf32>
    %reduce_sum3A_4 = vector.multi_reduction <add>, %mul3A_3, %reduce_sum3A [1] : vector<512x2xf32> to vector<512xf32>
    %broadcast_in_dim3A = vector.shape_cast %reduce_sum3A_4 : vector<512xf32> to vector<512x1xf32>
    %get3A_5 = arith.index_cast %mul3A_0 : i32 to index
    %get3A_6 = arith.constant 0 : index
    %get3A_7 = vector.load %arg6[%get3A_5, %get3A_6] : memref<10240x1xi32, #tpu.memory_space<vmem>>, vector<512x1xi32>
    %iota3A = tpu.iota {dimensions = array<i32: 0>} : vector<512x1xi32>
    %add3A = vector.broadcast %mul3A_0 : i32 to vector<512x1xi32>
    %add3A_8 = arith.addi %add3A, %iota3A : vector<512x1xi32>
    %get3A_9 = arith.index_cast %arg0 : i32 to index
    %get3A_10 = memref.load %arg1[%get3A_9] : memref<20xi32, #tpu.memory_space<smem>>
    %get3A_11 = arith.index_cast %arg0 : i32 to index
    %get3A_12 = memref.load %arg2[%get3A_11] : memref<20xi32, #tpu.memory_space<smem>>
    %broadcast_in_dim3A_13 = arith.constant 0x7F800000 : f32
    %broadcast_in_dim3A_14 = vector.broadcast %broadcast_in_dim3A_13 : f32 to vector<512x1xf32>
    %broadcast_in_dim3A_15 = arith.constant 1073741824 : i32
    %broadcast_in_dim3A_16 = vector.broadcast %broadcast_in_dim3A_15 : i32 to vector<512x1xi32>
    %broadcast_in_dim3A_17 = arith.constant 1073741825 : i32
    %broadcast_in_dim3A_18 = vector.broadcast %broadcast_in_dim3A_17 : i32 to vector<512x1xi32>
    %broadcast_in_dim3A_19 = arith.constant 1073741826 : i32
    %broadcast_in_dim3A_20 = vector.broadcast %broadcast_in_dim3A_19 : i32 to vector<512x1xi32>
    %add3A_21 = arith.constant 1 : i32
    %add3A_22 = arith.addi %get3A_12, %add3A_21 : i32
    %while3A = arith.subi %add3A_22, %get3A_10 : i32
    %while3A_23 = arith.addi %get3A_10, %while3A : i32
    %while3A_24 = arith.constant 1 : i32
    %while3A_25 = arith.divsi %while3A, %while3A_24 : i32
    %while3A_26 = arith.muli %while3A_25, %while3A_24 : i32
    %while3A_27 = arith.addi %get3A_10, %while3A_26 : i32
    %while3A_28 = arith.constant 1 : i32
    %while3A_29:6 = scf.for %while3A_128 = %get3A_10 to %while3A_27 step %while3A_28 iter_args(%while3A_129 = %broadcast_in_dim3A_14, %while3A_130 = %broadcast_in_dim3A_16, %while3A_131 = %broadcast_in_dim3A_14, %while3A_132 = %broadcast_in_dim3A_18, %while3A_133 = %broadcast_in_dim3A_14, %while3A_134 = %broadcast_in_dim3A_20) -> (vector<512x1xf32>, vector<512x1xi32>, vector<512x1xf32>, vector<512x1xi32>, vector<512x1xf32>, vector<512x1xi32>)  : i32 {
      %mul3A_135 = arith.constant 512 : i32
      %mul3A_136 = arith.muli %while3A_128, %mul3A_135 : i32
      %get3A_137 = arith.constant 0 : index
      %get3A_138 = arith.index_cast %mul3A_136 : i32 to index
      %get3A_139 = vector.load %arg4[%get3A_137, %get3A_138] : memref<2x10240xf32, #tpu.memory_space<vmem>>, vector<2x512xf32>
      %mul3A_140 = arith.mulf %get3A_139, %get3A_139 : vector<2x512xf32>
      %reduce_sum3A_141 = arith.constant dense<0.000000e+00> : vector<512xf32>
      %reduce_sum3A_142 = vector.multi_reduction <add>, %mul3A_140, %reduce_sum3A_141 [0] : vector<2x512xf32> to vector<512xf32>
      %broadcast_in_dim3A_143 = vector.shape_cast %reduce_sum3A_142 : vector<512xf32> to vector<1x512xf32>
      %mul3A_144 = arith.constant 2.500000e-01 : f32
      %mul3A_145 = vector.broadcast %mul3A_144 : f32 to vector<1x512xf32>
      %mul3A_146 = arith.mulf %broadcast_in_dim3A_143, %mul3A_145 : vector<1x512xf32>
      %dot_general3A = arith.constant dense<0.000000e+00> : vector<512x512xf32>
      %dot_general3A_147 = tpu.matmul %get3A_2, %get3A_139, %dot_general3A {dimension_numbers = #tpu.dot_dimension_numbers<[1], [0], [0], [1], [0, 0, 1, 1], [], []>, transpose_lhs_hint = false} : vector<512x2xf32>, vector<2x512xf32>, vector<512x512xf32> -> vector<512x512xf32>
      %add3A_148 = vector.broadcast %broadcast_in_dim3A : vector<512x1xf32> to vector<512x512xf32>
      %add3A_149 = vector.broadcast %mul3A_146 : vector<1x512xf32> to vector<512x512xf32>
      %add3A_150 = arith.addf %add3A_148, %add3A_149 : vector<512x512xf32>
      %sub3A = arith.subf %add3A_150, %dot_general3A_147 : vector<512x512xf32>
      %get3A_151 = arith.constant 0 : index
      %get3A_152 = arith.index_cast %mul3A_136 : i32 to index
      %get3A_153 = vector.load %arg5[%get3A_151, %get3A_152] : memref<1x10240xi32, #tpu.memory_space<vmem>>, vector<1x512xi32>
      %iota3A_154 = tpu.iota {dimensions = array<i32: 1>} : vector<512x512xi32>
      %add3A_155 = vector.broadcast %mul3A_136 : i32 to vector<512x512xi32>
      %add3A_156 = arith.addi %add3A_155, %iota3A_154 : vector<512x512xi32>
      %ne3A = vector.broadcast %get3A_7 : vector<512x1xi32> to vector<512x512xi32>
      %ne3A_157 = vector.broadcast %get3A_153 : vector<1x512xi32> to vector<512x512xi32>
      %ne3A_158 = arith.cmpi ne, %ne3A, %ne3A_157 : vector<512x512xi32>
      %eq3A_159 = vector.broadcast %add3A_8 : vector<512x1xi32> to vector<512x512xi32>
      %eq3A_160 = arith.cmpi eq, %eq3A_159, %add3A_156 : vector<512x512xi32>
      %or3A_161 = arith.ori %ne3A_158, %eq3A_160 : vector<512x512xi1>
      %jit3A_162 = arith.constant 1.000000e+20 : f32
      %broadcast_in_dim3A_163 = vector.broadcast %jit3A_162 : f32 to vector<512x512xf32>
      %select_n3A_164 = arith.select %or3A_161, %broadcast_in_dim3A_163, %sub3A : vector<512x512xi1>, vector<512x512xf32>
      %ge3A = arith.constant 10000 : i32
      %ge3A_165 = vector.broadcast %ge3A : i32 to vector<512x512xi32>
      %ge3A_166 = arith.cmpi sge, %add3A_156, %ge3A_165 : vector<512x512xi32>
      %jit3A_167 = arith.constant 0x7F800000 : f32
      %broadcast_in_dim3A_168 = vector.broadcast %jit3A_167 : f32 to vector<512x512xf32>
      %select_n3A_169 = arith.select %ge3A_166, %broadcast_in_dim3A_168, %select_n3A_164 : vector<512x512xi1>, vector<512x512xf32>
      %reduce_min3A = arith.constant dense<0x7F800000> : vector<512xf32>
      %reduce_min3A_170 = vector.multi_reduction <minimumf>, %select_n3A_169, %reduce_min3A [1] : vector<512x512xf32> to vector<512xf32>
      %broadcast_in_dim3A_171 = vector.shape_cast %reduce_min3A_170 : vector<512xf32> to vector<512x1xf32>
      %eq3A_172 = vector.broadcast %broadcast_in_dim3A_171 : vector<512x1xf32> to vector<512x512xf32>
      %eq3A_173 = arith.cmpf oeq, %select_n3A_169, %eq3A_172 : vector<512x512xf32>
      %jit3A_174 = arith.constant 1073741824 : i32
      %broadcast_in_dim3A_175 = vector.broadcast %jit3A_174 : i32 to vector<512x512xi32>
      %select_n3A_176 = arith.select %eq3A_173, %add3A_156, %broadcast_in_dim3A_175 : vector<512x512xi1>, vector<512x512xi32>
      %reduce_min3A_177 = arith.constant dense<2147483647> : vector<512xi32>
      %reduce_min3A_178 = vector.multi_reduction <minsi>, %select_n3A_176, %reduce_min3A_177 [1] : vector<512x512xi32> to vector<512xi32>
      %broadcast_in_dim3A_179 = vector.shape_cast %reduce_min3A_178 : vector<512xi32> to vector<512x1xi32>
      %eq3A_180 = vector.broadcast %broadcast_in_dim3A_179 : vector<512x1xi32> to vector<512x512xi32>
      %eq3A_181 = arith.cmpi eq, %add3A_156, %eq3A_180 : vector<512x512xi32>
      %jit3A_182 = arith.constant 0x7F800000 : f32
      %broadcast_in_dim3A_183 = vector.broadcast %jit3A_182 : f32 to vector<512x512xf32>
      %select_n3A_184 = arith.select %eq3A_181, %broadcast_in_dim3A_183, %select_n3A_169 : vector<512x512xi1>, vector<512x512xf32>
      %reduce_min3A_185 = arith.constant dense<0x7F800000> : vector<512xf32>
      %reduce_min3A_186 = vector.multi_reduction <minimumf>, %select_n3A_184, %reduce_min3A_185 [1] : vector<512x512xf32> to vector<512xf32>
      %broadcast_in_dim3A_187 = vector.shape_cast %reduce_min3A_186 : vector<512xf32> to vector<512x1xf32>
      %eq3A_188 = vector.broadcast %broadcast_in_dim3A_187 : vector<512x1xf32> to vector<512x512xf32>
      %eq3A_189 = arith.cmpf oeq, %select_n3A_184, %eq3A_188 : vector<512x512xf32>
      %jit3A_190 = arith.constant 1073741824 : i32
      %broadcast_in_dim3A_191 = vector.broadcast %jit3A_190 : i32 to vector<512x512xi32>
      %select_n3A_192 = arith.select %eq3A_189, %add3A_156, %broadcast_in_dim3A_191 : vector<512x512xi1>, vector<512x512xi32>
      %reduce_min3A_193 = arith.constant dense<2147483647> : vector<512xi32>
      %reduce_min3A_194 = vector.multi_reduction <minsi>, %select_n3A_192, %reduce_min3A_193 [1] : vector<512x512xi32> to vector<512xi32>
      %broadcast_in_dim3A_195 = vector.shape_cast %reduce_min3A_194 : vector<512xi32> to vector<512x1xi32>
      %eq3A_196 = vector.broadcast %broadcast_in_dim3A_195 : vector<512x1xi32> to vector<512x512xi32>
      %eq3A_197 = arith.cmpi eq, %add3A_156, %eq3A_196 : vector<512x512xi32>
      %jit3A_198 = arith.constant 0x7F800000 : f32
      %broadcast_in_dim3A_199 = vector.broadcast %jit3A_198 : f32 to vector<512x512xf32>
      %select_n3A_200 = arith.select %eq3A_197, %broadcast_in_dim3A_199, %select_n3A_184 : vector<512x512xi1>, vector<512x512xf32>
      %reduce_min3A_201 = arith.constant dense<0x7F800000> : vector<512xf32>
      %reduce_min3A_202 = vector.multi_reduction <minimumf>, %select_n3A_200, %reduce_min3A_201 [1] : vector<512x512xf32> to vector<512xf32>
      %broadcast_in_dim3A_203 = vector.shape_cast %reduce_min3A_202 : vector<512xf32> to vector<512x1xf32>
      %eq3A_204 = vector.broadcast %broadcast_in_dim3A_203 : vector<512x1xf32> to vector<512x512xf32>
      %eq3A_205 = arith.cmpf oeq, %select_n3A_200, %eq3A_204 : vector<512x512xf32>
      %jit3A_206 = arith.constant 1073741824 : i32
      %broadcast_in_dim3A_207 = vector.broadcast %jit3A_206 : i32 to vector<512x512xi32>
      %select_n3A_208 = arith.select %eq3A_205, %add3A_156, %broadcast_in_dim3A_207 : vector<512x512xi1>, vector<512x512xi32>
      %reduce_min3A_209 = arith.constant dense<2147483647> : vector<512xi32>
      %reduce_min3A_210 = vector.multi_reduction <minsi>, %select_n3A_208, %reduce_min3A_209 [1] : vector<512x512xi32> to vector<512xi32>
      %broadcast_in_dim3A_211 = vector.shape_cast %reduce_min3A_210 : vector<512xi32> to vector<512x1xi32>
      %lt3A_212 = arith.cmpf olt, %broadcast_in_dim3A_171, %while3A_129 : vector<512x1xf32>
      %eq3A_213 = arith.cmpf oeq, %broadcast_in_dim3A_171, %while3A_129 : vector<512x1xf32>
      %lt3A_214 = arith.cmpi slt, %broadcast_in_dim3A_179, %while3A_130 : vector<512x1xi32>
      %and3A_215 = arith.andi %eq3A_213, %lt3A_214 : vector<512x1xi1>
      %or3A_216 = arith.ori %lt3A_212, %and3A_215 : vector<512x1xi1>
      %select_n3A_217 = arith.select %or3A_216, %broadcast_in_dim3A_171, %while3A_129 : vector<512x1xi1>, vector<512x1xf32>
      %select_n3A_218 = arith.select %or3A_216, %broadcast_in_dim3A_179, %while3A_130 : vector<512x1xi1>, vector<512x1xi32>
      %select_n3A_219 = arith.select %or3A_216, %while3A_129, %broadcast_in_dim3A_171 : vector<512x1xi1>, vector<512x1xf32>
      %select_n3A_220 = arith.select %or3A_216, %while3A_130, %broadcast_in_dim3A_179 : vector<512x1xi1>, vector<512x1xi32>
      %select_n3A_221 = arith.select %or3A_216, %broadcast_in_dim3A_187, %while3A_131 : vector<512x1xi1>, vector<512x1xf32>
      %select_n3A_222 = arith.select %or3A_216, %broadcast_in_dim3A_195, %while3A_132 : vector<512x1xi1>, vector<512x1xi32>
      %lt3A_223 = arith.cmpf olt, %select_n3A_219, %select_n3A_221 : vector<512x1xf32>
      %eq3A_224 = arith.cmpf oeq, %select_n3A_219, %select_n3A_221 : vector<512x1xf32>
      %lt3A_225 = arith.cmpi slt, %select_n3A_220, %select_n3A_222 : vector<512x1xi32>
      %and3A_226 = arith.andi %eq3A_224, %lt3A_225 : vector<512x1xi1>
      %or3A_227 = arith.ori %lt3A_223, %and3A_226 : vector<512x1xi1>
      %select_n3A_228 = arith.select %or3A_227, %select_n3A_219, %select_n3A_221 : vector<512x1xi1>, vector<512x1xf32>
      %select_n3A_229 = arith.select %or3A_227, %select_n3A_220, %select_n3A_222 : vector<512x1xi1>, vector<512x1xi32>
      %lt3A_230 = arith.cmpf olt, %broadcast_in_dim3A_187, %while3A_129 : vector<512x1xf32>
      %eq3A_231 = arith.cmpf oeq, %broadcast_in_dim3A_187, %while3A_129 : vector<512x1xf32>
      %lt3A_232 = arith.cmpi slt, %broadcast_in_dim3A_195, %while3A_130 : vector<512x1xi32>
      %and3A_233 = arith.andi %eq3A_231, %lt3A_232 : vector<512x1xi1>
      %or3A_234 = arith.ori %lt3A_230, %and3A_233 : vector<512x1xi1>
      %select_n3A_235 = arith.select %or3A_234, %while3A_129, %broadcast_in_dim3A_187 : vector<512x1xi1>, vector<512x1xf32>
      %select_n3A_236 = arith.select %or3A_234, %while3A_130, %broadcast_in_dim3A_195 : vector<512x1xi1>, vector<512x1xi32>
      %lt3A_237 = arith.cmpf olt, %broadcast_in_dim3A_171, %while3A_131 : vector<512x1xf32>
      %eq3A_238 = arith.cmpf oeq, %broadcast_in_dim3A_171, %while3A_131 : vector<512x1xf32>
      %lt3A_239 = arith.cmpi slt, %broadcast_in_dim3A_179, %while3A_132 : vector<512x1xi32>
      %and3A_240 = arith.andi %eq3A_238, %lt3A_239 : vector<512x1xi1>
      %or3A_241 = arith.ori %lt3A_237, %and3A_240 : vector<512x1xi1>
      %select_n3A_242 = arith.select %or3A_241, %while3A_131, %broadcast_in_dim3A_171 : vector<512x1xi1>, vector<512x1xf32>
      %select_n3A_243 = arith.select %or3A_241, %while3A_132, %broadcast_in_dim3A_179 : vector<512x1xi1>, vector<512x1xi32>
      %lt3A_244 = arith.cmpf olt, %while3A_133, %broadcast_in_dim3A_203 : vector<512x1xf32>
      %eq3A_245 = arith.cmpf oeq, %while3A_133, %broadcast_in_dim3A_203 : vector<512x1xf32>
      %lt3A_246 = arith.cmpi slt, %while3A_134, %broadcast_in_dim3A_211 : vector<512x1xi32>
      %and3A_247 = arith.andi %eq3A_245, %lt3A_246 : vector<512x1xi1>
      %or3A_248 = arith.ori %lt3A_244, %and3A_247 : vector<512x1xi1>
      %select_n3A_249 = arith.select %or3A_248, %while3A_133, %broadcast_in_dim3A_203 : vector<512x1xi1>, vector<512x1xf32>
      %select_n3A_250 = arith.select %or3A_248, %while3A_134, %broadcast_in_dim3A_211 : vector<512x1xi1>, vector<512x1xi32>
      %lt3A_251 = arith.cmpf olt, %select_n3A_235, %select_n3A_242 : vector<512x1xf32>
      %eq3A_252 = arith.cmpf oeq, %select_n3A_235, %select_n3A_242 : vector<512x1xf32>
      %lt3A_253 = arith.cmpi slt, %select_n3A_236, %select_n3A_243 : vector<512x1xi32>
      %and3A_254 = arith.andi %eq3A_252, %lt3A_253 : vector<512x1xi1>
      %or3A_255 = arith.ori %lt3A_251, %and3A_254 : vector<512x1xi1>
      %select_n3A_256 = arith.select %or3A_255, %select_n3A_235, %select_n3A_242 : vector<512x1xi1>, vector<512x1xf32>
      %select_n3A_257 = arith.select %or3A_255, %select_n3A_236, %select_n3A_243 : vector<512x1xi1>, vector<512x1xi32>
      %lt3A_258 = arith.cmpf olt, %select_n3A_249, %select_n3A_256 : vector<512x1xf32>
      %eq3A_259 = arith.cmpf oeq, %select_n3A_249, %select_n3A_256 : vector<512x1xf32>
      %lt3A_260 = arith.cmpi slt, %select_n3A_250, %select_n3A_257 : vector<512x1xi32>
      %and3A_261 = arith.andi %eq3A_259, %lt3A_260 : vector<512x1xi1>
      %or3A_262 = arith.ori %lt3A_258, %and3A_261 : vector<512x1xi1>
      %select_n3A_263 = arith.select %or3A_262, %select_n3A_249, %select_n3A_256 : vector<512x1xi1>, vector<512x1xf32>
      %select_n3A_264 = arith.select %or3A_262, %select_n3A_250, %select_n3A_257 : vector<512x1xi1>, vector<512x1xi32>
      scf.yield %select_n3A_217, %select_n3A_218, %select_n3A_228, %select_n3A_229, %select_n3A_263, %select_n3A_264 : vector<512x1xf32>, vector<512x1xi32>, vector<512x1xf32>, vector<512x1xi32>, vector<512x1xf32>, vector<512x1xi32>
    }
    %while3A_30 = arith.constant 1 : i32
    %while3A_31:6 = scf.for %while3A_128 = %while3A_27 to %while3A_23 step %while3A_30 iter_args(%while3A_129 = %while3A_29#0, %while3A_130 = %while3A_29#1, %while3A_131 = %while3A_29#2, %while3A_132 = %while3A_29#3, %while3A_133 = %while3A_29#4, %while3A_134 = %while3A_29#5) -> (vector<512x1xf32>, vector<512x1xi32>, vector<512x1xf32>, vector<512x1xi32>, vector<512x1xf32>, vector<512x1xi32>)  : i32 {
      %mul3A_135 = arith.constant 512 : i32
      %mul3A_136 = arith.muli %while3A_128, %mul3A_135 : i32
      %get3A_137 = arith.constant 0 : index
      %get3A_138 = arith.index_cast %mul3A_136 : i32 to index
      %get3A_139 = vector.load %arg4[%get3A_137, %get3A_138] : memref<2x10240xf32, #tpu.memory_space<vmem>>, vector<2x512xf32>
      %mul3A_140 = arith.mulf %get3A_139, %get3A_139 : vector<2x512xf32>
      %reduce_sum3A_141 = arith.constant dense<0.000000e+00> : vector<512xf32>
      %reduce_sum3A_142 = vector.multi_reduction <add>, %mul3A_140, %reduce_sum3A_141 [0] : vector<2x512xf32> to vector<512xf32>
      %broadcast_in_dim3A_143 = vector.shape_cast %reduce_sum3A_142 : vector<512xf32> to vector<1x512xf32>
      %mul3A_144 = arith.constant 2.500000e-01 : f32
      %mul3A_145 = vector.broadcast %mul3A_144 : f32 to vector<1x512xf32>
      %mul3A_146 = arith.mulf %broadcast_in_dim3A_143, %mul3A_145 : vector<1x512xf32>
      %dot_general3A = arith.constant dense<0.000000e+00> : vector<512x512xf32>
      %dot_general3A_147 = tpu.matmul %get3A_2, %get3A_139, %dot_general3A {dimension_numbers = #tpu.dot_dimension_numbers<[1], [0], [0], [1], [0, 0, 1, 1], [], []>, transpose_lhs_hint = false} : vector<512x2xf32>, vector<2x512xf32>, vector<512x512xf32> -> vector<512x512xf32>
      %add3A_148 = vector.broadcast %broadcast_in_dim3A : vector<512x1xf32> to vector<512x512xf32>
      %add3A_149 = vector.broadcast %mul3A_146 : vector<1x512xf32> to vector<512x512xf32>
      %add3A_150 = arith.addf %add3A_148, %add3A_149 : vector<512x512xf32>
      %sub3A = arith.subf %add3A_150, %dot_general3A_147 : vector<512x512xf32>
      %get3A_151 = arith.constant 0 : index
      %get3A_152 = arith.index_cast %mul3A_136 : i32 to index
      %get3A_153 = vector.load %arg5[%get3A_151, %get3A_152] : memref<1x10240xi32, #tpu.memory_space<vmem>>, vector<1x512xi32>
      %iota3A_154 = tpu.iota {dimensions = array<i32: 1>} : vector<512x512xi32>
      %add3A_155 = vector.broadcast %mul3A_136 : i32 to vector<512x512xi32>
      %add3A_156 = arith.addi %add3A_155, %iota3A_154 : vector<512x512xi32>
      %ne3A = vector.broadcast %get3A_7 : vector<512x1xi32> to vector<512x512xi32>
      %ne3A_157 = vector.broadcast %get3A_153 : vector<1x512xi32> to vector<512x512xi32>
      %ne3A_158 = arith.cmpi ne, %ne3A, %ne3A_157 : vector<512x512xi32>
      %eq3A_159 = vector.broadcast %add3A_8 : vector<512x1xi32> to vector<512x512xi32>
      %eq3A_160 = arith.cmpi eq, %eq3A_159, %add3A_156 : vector<512x512xi32>
      %or3A_161 = arith.ori %ne3A_158, %eq3A_160 : vector<512x512xi1>
      %jit3A_162 = arith.constant 1.000000e+20 : f32
      %broadcast_in_dim3A_163 = vector.broadcast %jit3A_162 : f32 to vector<512x512xf32>
      %select_n3A_164 = arith.select %or3A_161, %broadcast_in_dim3A_163, %sub3A : vector<512x512xi1>, vector<512x512xf32>
      %ge3A = arith.constant 10000 : i32
      %ge3A_165 = vector.broadcast %ge3A : i32 to vector<512x512xi32>
      %ge3A_166 = arith.cmpi sge, %add3A_156, %ge3A_165 : vector<512x512xi32>
      %jit3A_167 = arith.constant 0x7F800000 : f32
      %broadcast_in_dim3A_168 = vector.broadcast %jit3A_167 : f32 to vector<512x512xf32>
      %select_n3A_169 = arith.select %ge3A_166, %broadcast_in_dim3A_168, %select_n3A_164 : vector<512x512xi1>, vector<512x512xf32>
      %reduce_min3A = arith.constant dense<0x7F800000> : vector<512xf32>
      %reduce_min3A_170 = vector.multi_reduction <minimumf>, %select_n3A_169, %reduce_min3A [1] : vector<512x512xf32> to vector<512xf32>
      %broadcast_in_dim3A_171 = vector.shape_cast %reduce_min3A_170 : vector<512xf32> to vector<512x1xf32>
      %eq3A_172 = vector.broadcast %broadcast_in_dim3A_171 : vector<512x1xf32> to vector<512x512xf32>
      %eq3A_173 = arith.cmpf oeq, %select_n3A_169, %eq3A_172 : vector<512x512xf32>
      %jit3A_174 = arith.constant 1073741824 : i32
      %broadcast_in_dim3A_175 = vector.broadcast %jit3A_174 : i32 to vector<512x512xi32>
      %select_n3A_176 = arith.select %eq3A_173, %add3A_156, %broadcast_in_dim3A_175 : vector<512x512xi1>, vector<512x512xi32>
      %reduce_min3A_177 = arith.constant dense<2147483647> : vector<512xi32>
      %reduce_min3A_178 = vector.multi_reduction <minsi>, %select_n3A_176, %reduce_min3A_177 [1] : vector<512x512xi32> to vector<512xi32>
      %broadcast_in_dim3A_179 = vector.shape_cast %reduce_min3A_178 : vector<512xi32> to vector<512x1xi32>
      %eq3A_180 = vector.broadcast %broadcast_in_dim3A_179 : vector<512x1xi32> to vector<512x512xi32>
      %eq3A_181 = arith.cmpi eq, %add3A_156, %eq3A_180 : vector<512x512xi32>
      %jit3A_182 = arith.constant 0x7F800000 : f32
      %broadcast_in_dim3A_183 = vector.broadcast %jit3A_182 : f32 to vector<512x512xf32>
      %select_n3A_184 = arith.select %eq3A_181, %broadcast_in_dim3A_183, %select_n3A_169 : vector<512x512xi1>, vector<512x512xf32>
      %reduce_min3A_185 = arith.constant dense<0x7F800000> : vector<512xf32>
      %reduce_min3A_186 = vector.multi_reduction <minimumf>, %select_n3A_184, %reduce_min3A_185 [1] : vector<512x512xf32> to vector<512xf32>
      %broadcast_in_dim3A_187 = vector.shape_cast %reduce_min3A_186 : vector<512xf32> to vector<512x1xf32>
      %eq3A_188 = vector.broadcast %broadcast_in_dim3A_187 : vector<512x1xf32> to vector<512x512xf32>
      %eq3A_189 = arith.cmpf oeq, %select_n3A_184, %eq3A_188 : vector<512x512xf32>
      %jit3A_190 = arith.constant 1073741824 : i32
      %broadcast_in_dim3A_191 = vector.broadcast %jit3A_190 : i32 to vector<512x512xi32>
      %select_n3A_192 = arith.select %eq3A_189, %add3A_156, %broadcast_in_dim3A_191 : vector<512x512xi1>, vector<512x512xi32>
      %reduce_min3A_193 = arith.constant dense<2147483647> : vector<512xi32>
      %reduce_min3A_194 = vector.multi_reduction <minsi>, %select_n3A_192, %reduce_min3A_193 [1] : vector<512x512xi32> to vector<512xi32>
      %broadcast_in_dim3A_195 = vector.shape_cast %reduce_min3A_194 : vector<512xi32> to vector<512x1xi32>
      %eq3A_196 = vector.broadcast %broadcast_in_dim3A_195 : vector<512x1xi32> to vector<512x512xi32>
      %eq3A_197 = arith.cmpi eq, %add3A_156, %eq3A_196 : vector<512x512xi32>
      %jit3A_198 = arith.constant 0x7F800000 : f32
      %broadcast_in_dim3A_199 = vector.broadcast %jit3A_198 : f32 to vector<512x512xf32>
      %select_n3A_200 = arith.select %eq3A_197, %broadcast_in_dim3A_199, %select_n3A_184 : vector<512x512xi1>, vector<512x512xf32>
      %reduce_min3A_201 = arith.constant dense<0x7F800000> : vector<512xf32>
      %reduce_min3A_202 = vector.multi_reduction <minimumf>, %select_n3A_200, %reduce_min3A_201 [1] : vector<512x512xf32> to vector<512xf32>
      %broadcast_in_dim3A_203 = vector.shape_cast %reduce_min3A_202 : vector<512xf32> to vector<512x1xf32>
      %eq3A_204 = vector.broadcast %broadcast_in_dim3A_203 : vector<512x1xf32> to vector<512x512xf32>
      %eq3A_205 = arith.cmpf oeq, %select_n3A_200, %eq3A_204 : vector<512x512xf32>
      %jit3A_206 = arith.constant 1073741824 : i32
      %broadcast_in_dim3A_207 = vector.broadcast %jit3A_206 : i32 to vector<512x512xi32>
      %select_n3A_208 = arith.select %eq3A_205, %add3A_156, %broadcast_in_dim3A_207 : vector<512x512xi1>, vector<512x512xi32>
      %reduce_min3A_209 = arith.constant dense<2147483647> : vector<512xi32>
      %reduce_min3A_210 = vector.multi_reduction <minsi>, %select_n3A_208, %reduce_min3A_209 [1] : vector<512x512xi32> to vector<512xi32>
      %broadcast_in_dim3A_211 = vector.shape_cast %reduce_min3A_210 : vector<512xi32> to vector<512x1xi32>
      %lt3A_212 = arith.cmpf olt, %broadcast_in_dim3A_171, %while3A_129 : vector<512x1xf32>
      %eq3A_213 = arith.cmpf oeq, %broadcast_in_dim3A_171, %while3A_129 : vector<512x1xf32>
      %lt3A_214 = arith.cmpi slt, %broadcast_in_dim3A_179, %while3A_130 : vector<512x1xi32>
      %and3A_215 = arith.andi %eq3A_213, %lt3A_214 : vector<512x1xi1>
      %or3A_216 = arith.ori %lt3A_212, %and3A_215 : vector<512x1xi1>
      %select_n3A_217 = arith.select %or3A_216, %broadcast_in_dim3A_171, %while3A_129 : vector<512x1xi1>, vector<512x1xf32>
      %select_n3A_218 = arith.select %or3A_216, %broadcast_in_dim3A_179, %while3A_130 : vector<512x1xi1>, vector<512x1xi32>
      %select_n3A_219 = arith.select %or3A_216, %while3A_129, %broadcast_in_dim3A_171 : vector<512x1xi1>, vector<512x1xf32>
      %select_n3A_220 = arith.select %or3A_216, %while3A_130, %broadcast_in_dim3A_179 : vector<512x1xi1>, vector<512x1xi32>
      %select_n3A_221 = arith.select %or3A_216, %broadcast_in_dim3A_187, %while3A_131 : vector<512x1xi1>, vector<512x1xf32>
      %select_n3A_222 = arith.select %or3A_216, %broadcast_in_dim3A_195, %while3A_132 : vector<512x1xi1>, vector<512x1xi32>
      %lt3A_223 = arith.cmpf olt, %select_n3A_219, %select_n3A_221 : vector<512x1xf32>
      %eq3A_224 = arith.cmpf oeq, %select_n3A_219, %select_n3A_221 : vector<512x1xf32>
      %lt3A_225 = arith.cmpi slt, %select_n3A_220, %select_n3A_222 : vector<512x1xi32>
      %and3A_226 = arith.andi %eq3A_224, %lt3A_225 : vector<512x1xi1>
      %or3A_227 = arith.ori %lt3A_223, %and3A_226 : vector<512x1xi1>
      %select_n3A_228 = arith.select %or3A_227, %select_n3A_219, %select_n3A_221 : vector<512x1xi1>, vector<512x1xf32>
      %select_n3A_229 = arith.select %or3A_227, %select_n3A_220, %select_n3A_222 : vector<512x1xi1>, vector<512x1xi32>
      %lt3A_230 = arith.cmpf olt, %broadcast_in_dim3A_187, %while3A_129 : vector<512x1xf32>
      %eq3A_231 = arith.cmpf oeq, %broadcast_in_dim3A_187, %while3A_129 : vector<512x1xf32>
      %lt3A_232 = arith.cmpi slt, %broadcast_in_dim3A_195, %while3A_130 : vector<512x1xi32>
      %and3A_233 = arith.andi %eq3A_231, %lt3A_232 : vector<512x1xi1>
      %or3A_234 = arith.ori %lt3A_230, %and3A_233 : vector<512x1xi1>
      %select_n3A_235 = arith.select %or3A_234, %while3A_129, %broadcast_in_dim3A_187 : vector<512x1xi1>, vector<512x1xf32>
      %select_n3A_236 = arith.select %or3A_234, %while3A_130, %broadcast_in_dim3A_195 : vector<512x1xi1>, vector<512x1xi32>
      %lt3A_237 = arith.cmpf olt, %broadcast_in_dim3A_171, %while3A_131 : vector<512x1xf32>
      %eq3A_238 = arith.cmpf oeq, %broadcast_in_dim3A_171, %while3A_131 : vector<512x1xf32>
      %lt3A_239 = arith.cmpi slt, %broadcast_in_dim3A_179, %while3A_132 : vector<512x1xi32>
      %and3A_240 = arith.andi %eq3A_238, %lt3A_239 : vector<512x1xi1>
      %or3A_241 = arith.ori %lt3A_237, %and3A_240 : vector<512x1xi1>
      %select_n3A_242 = arith.select %or3A_241, %while3A_131, %broadcast_in_dim3A_171 : vector<512x1xi1>, vector<512x1xf32>
      %select_n3A_243 = arith.select %or3A_241, %while3A_132, %broadcast_in_dim3A_179 : vector<512x1xi1>, vector<512x1xi32>
      %lt3A_244 = arith.cmpf olt, %while3A_133, %broadcast_in_dim3A_203 : vector<512x1xf32>
      %eq3A_245 = arith.cmpf oeq, %while3A_133, %broadcast_in_dim3A_203 : vector<512x1xf32>
      %lt3A_246 = arith.cmpi slt, %while3A_134, %broadcast_in_dim3A_211 : vector<512x1xi32>
      %and3A_247 = arith.andi %eq3A_245, %lt3A_246 : vector<512x1xi1>
      %or3A_248 = arith.ori %lt3A_244, %and3A_247 : vector<512x1xi1>
      %select_n3A_249 = arith.select %or3A_248, %while3A_133, %broadcast_in_dim3A_203 : vector<512x1xi1>, vector<512x1xf32>
      %select_n3A_250 = arith.select %or3A_248, %while3A_134, %broadcast_in_dim3A_211 : vector<512x1xi1>, vector<512x1xi32>
      %lt3A_251 = arith.cmpf olt, %select_n3A_235, %select_n3A_242 : vector<512x1xf32>
      %eq3A_252 = arith.cmpf oeq, %select_n3A_235, %select_n3A_242 : vector<512x1xf32>
      %lt3A_253 = arith.cmpi slt, %select_n3A_236, %select_n3A_243 : vector<512x1xi32>
      %and3A_254 = arith.andi %eq3A_252, %lt3A_253 : vector<512x1xi1>
      %or3A_255 = arith.ori %lt3A_251, %and3A_254 : vector<512x1xi1>
      %select_n3A_256 = arith.select %or3A_255, %select_n3A_235, %select_n3A_242 : vector<512x1xi1>, vector<512x1xf32>
      %select_n3A_257 = arith.select %or3A_255, %select_n3A_236, %select_n3A_243 : vector<512x1xi1>, vector<512x1xi32>
      %lt3A_258 = arith.cmpf olt, %select_n3A_249, %select_n3A_256 : vector<512x1xf32>
      %eq3A_259 = arith.cmpf oeq, %select_n3A_249, %select_n3A_256 : vector<512x1xf32>
      %lt3A_260 = arith.cmpi slt, %select_n3A_250, %select_n3A_257 : vector<512x1xi32>
      %and3A_261 = arith.andi %eq3A_259, %lt3A_260 : vector<512x1xi1>
      %or3A_262 = arith.ori %lt3A_258, %and3A_261 : vector<512x1xi1>
      %select_n3A_263 = arith.select %or3A_262, %select_n3A_249, %select_n3A_256 : vector<512x1xi1>, vector<512x1xf32>
      %select_n3A_264 = arith.select %or3A_262, %select_n3A_250, %select_n3A_257 : vector<512x1xi1>, vector<512x1xi32>
      scf.yield %select_n3A_217, %select_n3A_218, %select_n3A_228, %select_n3A_229, %select_n3A_263, %select_n3A_264 : vector<512x1xf32>, vector<512x1xi32>, vector<512x1xf32>, vector<512x1xi32>, vector<512x1xf32>, vector<512x1xi32>
    }
    %add3A_32 = arith.constant 1 : i32
    %add3A_33 = arith.addi %get3A_12, %add3A_32 : i32
    %mul3A_34 = arith.constant 512 : i32
    %mul3A_35 = arith.muli %add3A_33, %mul3A_34 : i32
    %gt3A = arith.constant 0 : i32
    %gt3A_36 = arith.cmpi sgt, %get3A_10, %gt3A : i32
    %jit3A = arith.constant 0 : i32
    %select_n3A = arith.select %gt3A_36, %jit3A, %mul3A_35 : i32
    %broadcast_in_dim3A_37 = arith.constant 1.000000e+00 : f32
    %broadcast_in_dim3A_38 = vector.broadcast %broadcast_in_dim3A_37 : f32 to vector<512x1xf32>
    %broadcast_in_dim3A_39 = arith.constant 1 : i32
    %broadcast_in_dim3A_40 = vector.broadcast %broadcast_in_dim3A_39 : i32 to vector<512x1xi32>
    %add3A_41 = arith.constant 0 : i32
    %add3A_42 = arith.addi %select_n3A, %add3A_41 : i32
    %lt3A = arith.constant 10000 : i32
    %lt3A_43 = arith.cmpi slt, %add3A_42, %lt3A : i32
    %jit3A_44 = arith.constant 1.000000e+20 : f32
    %jit3A_45 = arith.constant 0x7F800000 : f32
    %select_n3A_46 = arith.select %lt3A_43, %jit3A_44, %jit3A_45 : f32
    %mul3A_47 = vector.broadcast %select_n3A_46 : f32 to vector<512x1xf32>
    %mul3A_48 = arith.mulf %mul3A_47, %broadcast_in_dim3A_38 : vector<512x1xf32>
    %mul3A_49 = vector.broadcast %add3A_42 : i32 to vector<512x1xi32>
    %mul3A_50 = arith.muli %mul3A_49, %broadcast_in_dim3A_40 : vector<512x1xi32>
    %add3A_51 = arith.constant 1 : i32
    %add3A_52 = arith.addi %select_n3A, %add3A_51 : i32
    %lt3A_53 = arith.constant 10000 : i32
    %lt3A_54 = arith.cmpi slt, %add3A_52, %lt3A_53 : i32
    %jit3A_55 = arith.constant 1.000000e+20 : f32
    %jit3A_56 = arith.constant 0x7F800000 : f32
    %select_n3A_57 = arith.select %lt3A_54, %jit3A_55, %jit3A_56 : f32
    %mul3A_58 = vector.broadcast %select_n3A_57 : f32 to vector<512x1xf32>
    %mul3A_59 = arith.mulf %mul3A_58, %broadcast_in_dim3A_38 : vector<512x1xf32>
    %mul3A_60 = vector.broadcast %add3A_52 : i32 to vector<512x1xi32>
    %mul3A_61 = arith.muli %mul3A_60, %broadcast_in_dim3A_40 : vector<512x1xi32>
    %add3A_62 = arith.constant 2 : i32
    %add3A_63 = arith.addi %select_n3A, %add3A_62 : i32
    %lt3A_64 = arith.constant 10000 : i32
    %lt3A_65 = arith.cmpi slt, %add3A_63, %lt3A_64 : i32
    %jit3A_66 = arith.constant 1.000000e+20 : f32
    %jit3A_67 = arith.constant 0x7F800000 : f32
    %select_n3A_68 = arith.select %lt3A_65, %jit3A_66, %jit3A_67 : f32
    %mul3A_69 = vector.broadcast %select_n3A_68 : f32 to vector<512x1xf32>
    %mul3A_70 = arith.mulf %mul3A_69, %broadcast_in_dim3A_38 : vector<512x1xf32>
    %mul3A_71 = vector.broadcast %add3A_63 : i32 to vector<512x1xi32>
    %mul3A_72 = arith.muli %mul3A_71, %broadcast_in_dim3A_40 : vector<512x1xi32>
    %lt3A_73 = arith.cmpf olt, %mul3A_48, %while3A_31#0 : vector<512x1xf32>
    %eq3A = arith.cmpf oeq, %mul3A_48, %while3A_31#0 : vector<512x1xf32>
    %lt3A_74 = arith.cmpi slt, %mul3A_50, %while3A_31#1 : vector<512x1xi32>
    %and3A = arith.andi %eq3A, %lt3A_74 : vector<512x1xi1>
    %or3A = arith.ori %lt3A_73, %and3A : vector<512x1xi1>
    %select_n3A_75 = arith.select %or3A, %mul3A_50, %while3A_31#1 : vector<512x1xi1>, vector<512x1xi32>
    %select_n3A_76 = arith.select %or3A, %while3A_31#0, %mul3A_48 : vector<512x1xi1>, vector<512x1xf32>
    %select_n3A_77 = arith.select %or3A, %while3A_31#1, %mul3A_50 : vector<512x1xi1>, vector<512x1xi32>
    %select_n3A_78 = arith.select %or3A, %mul3A_59, %while3A_31#2 : vector<512x1xi1>, vector<512x1xf32>
    %select_n3A_79 = arith.select %or3A, %mul3A_61, %while3A_31#3 : vector<512x1xi1>, vector<512x1xi32>
    %lt3A_80 = arith.cmpf olt, %select_n3A_76, %select_n3A_78 : vector<512x1xf32>
    %eq3A_81 = arith.cmpf oeq, %select_n3A_76, %select_n3A_78 : vector<512x1xf32>
    %lt3A_82 = arith.cmpi slt, %select_n3A_77, %select_n3A_79 : vector<512x1xi32>
    %and3A_83 = arith.andi %eq3A_81, %lt3A_82 : vector<512x1xi1>
    %or3A_84 = arith.ori %lt3A_80, %and3A_83 : vector<512x1xi1>
    %select_n3A_85 = arith.select %or3A_84, %select_n3A_77, %select_n3A_79 : vector<512x1xi1>, vector<512x1xi32>
    %lt3A_86 = arith.cmpf olt, %mul3A_59, %while3A_31#0 : vector<512x1xf32>
    %eq3A_87 = arith.cmpf oeq, %mul3A_59, %while3A_31#0 : vector<512x1xf32>
    %lt3A_88 = arith.cmpi slt, %mul3A_61, %while3A_31#1 : vector<512x1xi32>
    %and3A_89 = arith.andi %eq3A_87, %lt3A_88 : vector<512x1xi1>
    %or3A_90 = arith.ori %lt3A_86, %and3A_89 : vector<512x1xi1>
    %select_n3A_91 = arith.select %or3A_90, %while3A_31#0, %mul3A_59 : vector<512x1xi1>, vector<512x1xf32>
    %select_n3A_92 = arith.select %or3A_90, %while3A_31#1, %mul3A_61 : vector<512x1xi1>, vector<512x1xi32>
    %lt3A_93 = arith.cmpf olt, %mul3A_48, %while3A_31#2 : vector<512x1xf32>
    %eq3A_94 = arith.cmpf oeq, %mul3A_48, %while3A_31#2 : vector<512x1xf32>
    %lt3A_95 = arith.cmpi slt, %mul3A_50, %while3A_31#3 : vector<512x1xi32>
    %and3A_96 = arith.andi %eq3A_94, %lt3A_95 : vector<512x1xi1>
    %or3A_97 = arith.ori %lt3A_93, %and3A_96 : vector<512x1xi1>
    %select_n3A_98 = arith.select %or3A_97, %while3A_31#2, %mul3A_48 : vector<512x1xi1>, vector<512x1xf32>
    %select_n3A_99 = arith.select %or3A_97, %while3A_31#3, %mul3A_50 : vector<512x1xi1>, vector<512x1xi32>
    %lt3A_100 = arith.cmpf olt, %while3A_31#4, %mul3A_70 : vector<512x1xf32>
    %eq3A_101 = arith.cmpf oeq, %while3A_31#4, %mul3A_70 : vector<512x1xf32>
    %lt3A_102 = arith.cmpi slt, %while3A_31#5, %mul3A_72 : vector<512x1xi32>
    %and3A_103 = arith.andi %eq3A_101, %lt3A_102 : vector<512x1xi1>
    %or3A_104 = arith.ori %lt3A_100, %and3A_103 : vector<512x1xi1>
    %select_n3A_105 = arith.select %or3A_104, %while3A_31#4, %mul3A_70 : vector<512x1xi1>, vector<512x1xf32>
    %select_n3A_106 = arith.select %or3A_104, %while3A_31#5, %mul3A_72 : vector<512x1xi1>, vector<512x1xi32>
    %lt3A_107 = arith.cmpf olt, %select_n3A_91, %select_n3A_98 : vector<512x1xf32>
    %eq3A_108 = arith.cmpf oeq, %select_n3A_91, %select_n3A_98 : vector<512x1xf32>
    %lt3A_109 = arith.cmpi slt, %select_n3A_92, %select_n3A_99 : vector<512x1xi32>
    %and3A_110 = arith.andi %eq3A_108, %lt3A_109 : vector<512x1xi1>
    %or3A_111 = arith.ori %lt3A_107, %and3A_110 : vector<512x1xi1>
    %select_n3A_112 = arith.select %or3A_111, %select_n3A_91, %select_n3A_98 : vector<512x1xi1>, vector<512x1xf32>
    %select_n3A_113 = arith.select %or3A_111, %select_n3A_92, %select_n3A_99 : vector<512x1xi1>, vector<512x1xi32>
    %lt3A_114 = arith.cmpf olt, %select_n3A_105, %select_n3A_112 : vector<512x1xf32>
    %eq3A_115 = arith.cmpf oeq, %select_n3A_105, %select_n3A_112 : vector<512x1xf32>
    %lt3A_116 = arith.cmpi slt, %select_n3A_106, %select_n3A_113 : vector<512x1xi32>
    %and3A_117 = arith.andi %eq3A_115, %lt3A_116 : vector<512x1xi1>
    %or3A_118 = arith.ori %lt3A_114, %and3A_117 : vector<512x1xi1>
    %select_n3A_119 = arith.select %or3A_118, %select_n3A_106, %select_n3A_113 : vector<512x1xi1>, vector<512x1xi32>
    %swap3A = arith.constant 0 : index
    %swap3A_120 = arith.constant 0 : index
    %swap3A_121 = vector.load %arg7[%swap3A, %swap3A_120] : memref<512x1xi32, #tpu.memory_space<vmem>>, vector<512x1xi32>
    tpu.vector_store %arg7[%swap3A, %swap3A_120], %select_n3A_75 {strides = array<i32>} : memref<512x1xi32, #tpu.memory_space<vmem>>, vector<512x1xi32>,
    %swap3A_122 = arith.constant 0 : index
    %swap3A_123 = arith.constant 0 : index
    %swap3A_124 = vector.load %arg8[%swap3A_122, %swap3A_123] : memref<512x1xi32, #tpu.memory_space<vmem>>, vector<512x1xi32>
    tpu.vector_store %arg8[%swap3A_122, %swap3A_123], %select_n3A_85 {strides = array<i32>} : memref<512x1xi32, #tpu.memory_space<vmem>>, vector<512x1xi32>,
    %swap3A_125 = arith.constant 0 : index
    %swap3A_126 = arith.constant 0 : index
    %swap3A_127 = vector.load %arg9[%swap3A_125, %swap3A_126] : memref<512x1xi32, #tpu.memory_space<vmem>>, vector<512x1xi32>
    tpu.vector_store %arg9[%swap3A_125, %swap3A_126], %select_n3A_119 {strides = array<i32>} : memref<512x1xi32, #tpu.memory_space<vmem>>, vector<512x1xi32>,
    return
  }
  func.func @transform_0(%arg0: i32, %arg1: memref<20xi32, #tpu.memory_space<smem>>, %arg2: memref<20xi32, #tpu.memory_space<smem>>) -> (i32, i32) {
    %c0_i32 = arith.constant 0 : i32
    %c0_i32_0 = arith.constant 0 : i32
    %c0_i32_1 = arith.constant 0 : i32
    return %c0_i32, %c0_i32_0 : i32, i32
  }
  func.func @transform_1(%arg0: i32, %arg1: memref<20xi32, #tpu.memory_space<smem>>, %arg2: memref<20xi32, #tpu.memory_space<smem>>) -> (i32, i32) {
    %c0_i32 = arith.constant 0 : i32
    %c0_i32_0 = arith.constant 0 : i32
    %c0_i32_1 = arith.constant 0 : i32
    return %c0_i32, %c0_i32_0 : i32, i32
  }
  func.func @transform_2(%arg0: i32, %arg1: memref<20xi32, #tpu.memory_space<smem>>, %arg2: memref<20xi32, #tpu.memory_space<smem>>) -> (i32, i32) {
    %c0_i32 = arith.constant 0 : i32
    %c0_i32_0 = arith.constant 0 : i32
    %c0_i32_1 = arith.constant 0 : i32
    return %c0_i32, %c0_i32_0 : i32, i32
  }
  func.func @transform_3(%arg0: i32, %arg1: memref<20xi32, #tpu.memory_space<smem>>, %arg2: memref<20xi32, #tpu.memory_space<smem>>) -> (i32, i32) {
    %c0_i32 = arith.constant 0 : i32
    %c0_i32_0 = arith.constant 0 : i32
    %c0_i32_1 = arith.constant 0 : i32
    return %c0_i32, %c0_i32_0 : i32, i32
  }
  func.func @transform_4(%arg0: i32, %arg1: memref<20xi32, #tpu.memory_space<smem>>, %arg2: memref<20xi32, #tpu.memory_space<smem>>) -> (i32, i32) {
    %c0_i32 = arith.constant 0 : i32
    %c0_i32_0 = arith.constant 0 : i32
    return %arg0, %c0_i32 : i32, i32
  }
  func.func @transform_5(%arg0: i32, %arg1: memref<20xi32, #tpu.memory_space<smem>>, %arg2: memref<20xi32, #tpu.memory_space<smem>>) -> (i32, i32) {
    %c0_i32 = arith.constant 0 : i32
    %c0_i32_0 = arith.constant 0 : i32
    return %arg0, %c0_i32 : i32, i32
  }
  func.func @transform_6(%arg0: i32, %arg1: memref<20xi32, #tpu.memory_space<smem>>, %arg2: memref<20xi32, #tpu.memory_space<smem>>) -> (i32, i32) {
    %c0_i32 = arith.constant 0 : i32
    %c0_i32_0 = arith.constant 0 : i32
    return %arg0, %c0_i32 : i32, i32
  }
}

module attributes {stable_mosaic.version = 14 : i64} {
  func.func @_ec_body(%arg0: i32, %arg1: i32, %arg2: memref<2000x128xf32, #tpu.memory_space<vmem>>, %arg3: memref<6000x128xf32, #tpu.memory_space<vmem>>, %arg4: memref<256x64xf32, #tpu.memory_space<vmem>>, %arg5: memref<1x64xf32, #tpu.memory_space<vmem>>, %arg6: memref<1x64xf32, #tpu.memory_space<vmem>>, %arg7: memref<1x64xf32, #tpu.memory_space<vmem>>, %arg8: memref<6000x64xf32, #tpu.memory_space<vmem>>, %arg9: memref<2000x64xf32, #tpu.memory_space<vmem>>, %arg10: memref<2000x64xf32, #tpu.memory_space<vmem>>, %arg11: memref<2000x128xf32, #tpu.memory_space<vmem>>, %arg12: memref<2000x256xf32, #tpu.memory_space<vmem>>, %arg13: memref<1x64xf32, #tpu.memory_space<vmem>>, %arg14: memref<1x64xf32, #tpu.memory_space<vmem>>) attributes {dimension_semantics = [#tpu.dimension_semantics<arbitrary>, #tpu.dimension_semantics<arbitrary>], iteration_bounds = array<i64: 2, 5>, scalar_prefetch = 0 : i64, scratch_operands = 3 : i64, tpu.core_type = #tpu.core_type<tc>, window_params = [{transform_indices = @transform_0, window_bounds = array<i64: 2000, 128>}, {transform_indices = @transform_1, window_bounds = array<i64: 6000, 128>}, {pipeline_mode = #tpu.pipeline_mode<synchronous>, transform_indices = @transform_2, window_bounds = array<i64: 256, 64>}, {pipeline_mode = #tpu.pipeline_mode<synchronous>, transform_indices = @transform_3, window_bounds = array<i64: 1, 64>}, {pipeline_mode = #tpu.pipeline_mode<synchronous>, transform_indices = @transform_4, window_bounds = array<i64: 1, 64>}, {pipeline_mode = #tpu.pipeline_mode<synchronous>, transform_indices = @transform_5, window_bounds = array<i64: 1, 64>}, {transform_indices = @transform_6, window_bounds = array<i64: 6000, 64>}, {transform_indices = @transform_7, window_bounds = array<i64: 2000, 64>}, {transform_indices = @transform_8, window_bounds = array<i64: 2000, 64>}, {transform_indices = @transform_9, window_bounds = array<i64: 2000, 128>}]} {
    %get3A = arith.constant 0 : index
    %get3A_0 = arith.constant 0 : index
    %get3A_1 = vector.load %arg2[%get3A, %get3A_0] : memref<2000x128xf32, #tpu.memory_space<vmem>>, vector<2000x128xf32>
    %swap3A = arith.constant 0 : index
    %swap3A_2 = arith.constant 0 : index
    %swap3A_3 = vector.load %arg12[%swap3A, %swap3A_2] : memref<2000x256xf32, #tpu.memory_space<vmem>>, vector<2000x128xf32>
    tpu.vector_store %arg12[%swap3A, %swap3A_2], %get3A_1 {strides = array<i32>} : memref<2000x256xf32, #tpu.memory_space<vmem>>, vector<2000x128xf32>,
    %eq3A = arith.constant 0 : i32
    %eq3A_4 = arith.cmpi eq, %arg0, %eq3A : i32
    %convert_element_type3A = arith.extui %eq3A_4 : i1 to i32
    %cond3A = arith.constant 0 : i32
    %cond3A_5 = arith.cmpi ne, %convert_element_type3A, %cond3A : i32
    scf.if %cond3A_5 {
      %eq3A_16 = arith.constant 0 : i32
      %eq3A_17 = arith.cmpi eq, %arg1, %eq3A_16 : i32
      %convert_element_type3A_18 = arith.extui %eq3A_17 : i1 to i32
      %cond3A_19 = arith.constant 0 : i32
      %cond3A_20 = arith.cmpi ne, %convert_element_type3A_18, %cond3A_19 : i32
      scf.if %cond3A_20 {
        %broadcast_in_dim3A_136 = arith.constant 0.000000e+00 : f32
        %broadcast_in_dim3A_137 = vector.broadcast %broadcast_in_dim3A_136 : f32 to vector<1x64xf32>
        %swap3A_138 = arith.constant 0 : index
        %swap3A_139 = arith.constant 0 : index
        %swap3A_140 = vector.load %arg13[%swap3A_138, %swap3A_139] : memref<1x64xf32, #tpu.memory_space<vmem>>, vector<1x64xf32>
        tpu.vector_store %arg13[%swap3A_138, %swap3A_139], %broadcast_in_dim3A_137 {strides = array<i32>} : memref<1x64xf32, #tpu.memory_space<vmem>>, vector<1x64xf32>,
        %broadcast_in_dim3A_141 = arith.constant 0.000000e+00 : f32
        %broadcast_in_dim3A_142 = vector.broadcast %broadcast_in_dim3A_141 : f32 to vector<1x64xf32>
        %swap3A_143 = arith.constant 0 : index
        %swap3A_144 = arith.constant 0 : index
        %swap3A_145 = vector.load %arg14[%swap3A_143, %swap3A_144] : memref<1x64xf32, #tpu.memory_space<vmem>>, vector<1x64xf32>
        tpu.vector_store %arg14[%swap3A_143, %swap3A_144], %broadcast_in_dim3A_142 {strides = array<i32>} : memref<1x64xf32, #tpu.memory_space<vmem>>, vector<1x64xf32>,
      } else {
      }
      %get3A_21 = arith.constant 0 : index
      %get3A_22 = arith.constant 0 : index
      %get3A_23 = tpu.strided_load %arg3[%get3A_21, %get3A_22] {strides = array<i32: 3, 1>} : memref<6000x128xf32, #tpu.memory_space<vmem>>, vector<2000x128xf32>
      %swap3A_24 = arith.constant 0 : index
      %swap3A_25 = arith.constant 128 : index
      %swap3A_26 = vector.load %arg12[%swap3A_24, %swap3A_25] : memref<2000x256xf32, #tpu.memory_space<vmem>>, vector<2000x128xf32>
      tpu.vector_store %arg12[%swap3A_24, %swap3A_25], %get3A_23 {strides = array<i32>} : memref<2000x256xf32, #tpu.memory_space<vmem>>, vector<2000x128xf32>,
      %get3A_27 = arith.constant 0 : index
      %get3A_28 = arith.constant 0 : index
      %get3A_29 = vector.load %arg12[%get3A_27, %get3A_28] : memref<2000x256xf32, #tpu.memory_space<vmem>>, vector<2000x256xf32>
      %get3A_30 = arith.constant 0 : index
      %get3A_31 = arith.constant 0 : index
      %get3A_32 = vector.load %arg4[%get3A_30, %get3A_31] : memref<256x64xf32, #tpu.memory_space<vmem>>, vector<256x64xf32>
      %dot_general3A = arith.constant dense<0.000000e+00> : vector<2000x64xf32>
      %dot_general3A_33 = tpu.matmul %get3A_29, %get3A_32, %dot_general3A {dimension_numbers = #tpu.dot_dimension_numbers<[1], [0], [0], [1], [0, 0, 1, 1], [], []>, transpose_lhs_hint = false} : vector<2000x256xf32>, vector<256x64xf32>, vector<2000x64xf32> -> vector<2000x64xf32>
      %get3A_34 = arith.constant 0 : index
      %get3A_35 = arith.constant 0 : index
      %get3A_36 = vector.load %arg5[%get3A_34, %get3A_35] : memref<1x64xf32, #tpu.memory_space<vmem>>, vector<1x64xf32>
      %add3A = vector.broadcast %get3A_36 : vector<1x64xf32> to vector<2000x64xf32>
      %add3A_37 = arith.addf %dot_general3A_33, %add3A : vector<2000x64xf32>
      %get3A_38 = arith.constant 0 : index
      %get3A_39 = arith.constant 0 : index
      %get3A_40 = vector.load %arg13[%get3A_38, %get3A_39] : memref<1x64xf32, #tpu.memory_space<vmem>>, vector<1x64xf32>
      %reduce_sum3A = arith.constant dense<0.000000e+00> : vector<64xf32>
      %reduce_sum3A_41 = vector.multi_reduction <add>, %add3A_37, %reduce_sum3A [0] : vector<2000x64xf32> to vector<64xf32>
      %broadcast_in_dim3A = vector.shape_cast %reduce_sum3A_41 : vector<64xf32> to vector<1x64xf32>
      %add3A_42 = arith.addf %get3A_40, %broadcast_in_dim3A : vector<1x64xf32>
      %swap3A_43 = arith.constant 0 : index
      %swap3A_44 = arith.constant 0 : index
      %swap3A_45 = vector.load %arg13[%swap3A_43, %swap3A_44] : memref<1x64xf32, #tpu.memory_space<vmem>>, vector<1x64xf32>
      tpu.vector_store %arg13[%swap3A_43, %swap3A_44], %add3A_42 {strides = array<i32>} : memref<1x64xf32, #tpu.memory_space<vmem>>, vector<1x64xf32>,
      %get3A_46 = arith.constant 0 : index
      %get3A_47 = arith.constant 0 : index
      %get3A_48 = vector.load %arg14[%get3A_46, %get3A_47] : memref<1x64xf32, #tpu.memory_space<vmem>>, vector<1x64xf32>
      %mul3A = arith.mulf %add3A_37, %add3A_37 : vector<2000x64xf32>
      %reduce_sum3A_49 = arith.constant dense<0.000000e+00> : vector<64xf32>
      %reduce_sum3A_50 = vector.multi_reduction <add>, %mul3A, %reduce_sum3A_49 [0] : vector<2000x64xf32> to vector<64xf32>
      %broadcast_in_dim3A_51 = vector.shape_cast %reduce_sum3A_50 : vector<64xf32> to vector<1x64xf32>
      %add3A_52 = arith.addf %get3A_48, %broadcast_in_dim3A_51 : vector<1x64xf32>
      %swap3A_53 = arith.constant 0 : index
      %swap3A_54 = arith.constant 0 : index
      %swap3A_55 = vector.load %arg14[%swap3A_53, %swap3A_54] : memref<1x64xf32, #tpu.memory_space<vmem>>, vector<1x64xf32>
      tpu.vector_store %arg14[%swap3A_53, %swap3A_54], %add3A_52 {strides = array<i32>} : memref<1x64xf32, #tpu.memory_space<vmem>>, vector<1x64xf32>,
      %get3A_56 = arith.constant 1 : index
      %get3A_57 = arith.constant 0 : index
      %get3A_58 = tpu.strided_load %arg3[%get3A_56, %get3A_57] {strides = array<i32: 3, 1>} : memref<6000x128xf32, #tpu.memory_space<vmem>>, vector<2000x128xf32>
      %swap3A_59 = arith.constant 0 : index
      %swap3A_60 = arith.constant 128 : index
      %swap3A_61 = vector.load %arg12[%swap3A_59, %swap3A_60] : memref<2000x256xf32, #tpu.memory_space<vmem>>, vector<2000x128xf32>
      tpu.vector_store %arg12[%swap3A_59, %swap3A_60], %get3A_58 {strides = array<i32>} : memref<2000x256xf32, #tpu.memory_space<vmem>>, vector<2000x128xf32>,
      %get3A_62 = arith.constant 0 : index
      %get3A_63 = arith.constant 0 : index
      %get3A_64 = vector.load %arg12[%get3A_62, %get3A_63] : memref<2000x256xf32, #tpu.memory_space<vmem>>, vector<2000x256xf32>
      %get3A_65 = arith.constant 0 : index
      %get3A_66 = arith.constant 0 : index
      %get3A_67 = vector.load %arg4[%get3A_65, %get3A_66] : memref<256x64xf32, #tpu.memory_space<vmem>>, vector<256x64xf32>
      %dot_general3A_68 = arith.constant dense<0.000000e+00> : vector<2000x64xf32>
      %dot_general3A_69 = tpu.matmul %get3A_64, %get3A_67, %dot_general3A_68 {dimension_numbers = #tpu.dot_dimension_numbers<[1], [0], [0], [1], [0, 0, 1, 1], [], []>, transpose_lhs_hint = false} : vector<2000x256xf32>, vector<256x64xf32>, vector<2000x64xf32> -> vector<2000x64xf32>
      %get3A_70 = arith.constant 0 : index
      %get3A_71 = arith.constant 0 : index
      %get3A_72 = vector.load %arg5[%get3A_70, %get3A_71] : memref<1x64xf32, #tpu.memory_space<vmem>>, vector<1x64xf32>
      %add3A_73 = vector.broadcast %get3A_72 : vector<1x64xf32> to vector<2000x64xf32>
      %add3A_74 = arith.addf %dot_general3A_69, %add3A_73 : vector<2000x64xf32>
      %get3A_75 = arith.constant 0 : index
      %get3A_76 = arith.constant 0 : index
      %get3A_77 = vector.load %arg13[%get3A_75, %get3A_76] : memref<1x64xf32, #tpu.memory_space<vmem>>, vector<1x64xf32>
      %reduce_sum3A_78 = arith.constant dense<0.000000e+00> : vector<64xf32>
      %reduce_sum3A_79 = vector.multi_reduction <add>, %add3A_74, %reduce_sum3A_78 [0] : vector<2000x64xf32> to vector<64xf32>
      %broadcast_in_dim3A_80 = vector.shape_cast %reduce_sum3A_79 : vector<64xf32> to vector<1x64xf32>
      %add3A_81 = arith.addf %get3A_77, %broadcast_in_dim3A_80 : vector<1x64xf32>
      %swap3A_82 = arith.constant 0 : index
      %swap3A_83 = arith.constant 0 : index
      %swap3A_84 = vector.load %arg13[%swap3A_82, %swap3A_83] : memref<1x64xf32, #tpu.memory_space<vmem>>, vector<1x64xf32>
      tpu.vector_store %arg13[%swap3A_82, %swap3A_83], %add3A_81 {strides = array<i32>} : memref<1x64xf32, #tpu.memory_space<vmem>>, vector<1x64xf32>,
      %get3A_85 = arith.constant 0 : index
      %get3A_86 = arith.constant 0 : index
      %get3A_87 = vector.load %arg14[%get3A_85, %get3A_86] : memref<1x64xf32, #tpu.memory_space<vmem>>, vector<1x64xf32>
      %mul3A_88 = arith.mulf %add3A_74, %add3A_74 : vector<2000x64xf32>
      %reduce_sum3A_89 = arith.constant dense<0.000000e+00> : vector<64xf32>
      %reduce_sum3A_90 = vector.multi_reduction <add>, %mul3A_88, %reduce_sum3A_89 [0] : vector<2000x64xf32> to vector<64xf32>
      %broadcast_in_dim3A_91 = vector.shape_cast %reduce_sum3A_90 : vector<64xf32> to vector<1x64xf32>
      %add3A_92 = arith.addf %get3A_87, %broadcast_in_dim3A_91 : vector<1x64xf32>
      %swap3A_93 = arith.constant 0 : index
      %swap3A_94 = arith.constant 0 : index
      %swap3A_95 = vector.load %arg14[%swap3A_93, %swap3A_94] : memref<1x64xf32, #tpu.memory_space<vmem>>, vector<1x64xf32>
      tpu.vector_store %arg14[%swap3A_93, %swap3A_94], %add3A_92 {strides = array<i32>} : memref<1x64xf32, #tpu.memory_space<vmem>>, vector<1x64xf32>,
      %get3A_96 = arith.constant 2 : index
      %get3A_97 = arith.constant 0 : index
      %get3A_98 = tpu.strided_load %arg3[%get3A_96, %get3A_97] {strides = array<i32: 3, 1>} : memref<6000x128xf32, #tpu.memory_space<vmem>>, vector<2000x128xf32>
      %swap3A_99 = arith.constant 0 : index
      %swap3A_100 = arith.constant 128 : index
      %swap3A_101 = vector.load %arg12[%swap3A_99, %swap3A_100] : memref<2000x256xf32, #tpu.memory_space<vmem>>, vector<2000x128xf32>
      tpu.vector_store %arg12[%swap3A_99, %swap3A_100], %get3A_98 {strides = array<i32>} : memref<2000x256xf32, #tpu.memory_space<vmem>>, vector<2000x128xf32>,
      %get3A_102 = arith.constant 0 : index
      %get3A_103 = arith.constant 0 : index
      %get3A_104 = vector.load %arg12[%get3A_102, %get3A_103] : memref<2000x256xf32, #tpu.memory_space<vmem>>, vector<2000x256xf32>
      %get3A_105 = arith.constant 0 : index
      %get3A_106 = arith.constant 0 : index
      %get3A_107 = vector.load %arg4[%get3A_105, %get3A_106] : memref<256x64xf32, #tpu.memory_space<vmem>>, vector<256x64xf32>
      %dot_general3A_108 = arith.constant dense<0.000000e+00> : vector<2000x64xf32>
      %dot_general3A_109 = tpu.matmul %get3A_104, %get3A_107, %dot_general3A_108 {dimension_numbers = #tpu.dot_dimension_numbers<[1], [0], [0], [1], [0, 0, 1, 1], [], []>, transpose_lhs_hint = false} : vector<2000x256xf32>, vector<256x64xf32>, vector<2000x64xf32> -> vector<2000x64xf32>
      %get3A_110 = arith.constant 0 : index
      %get3A_111 = arith.constant 0 : index
      %get3A_112 = vector.load %arg5[%get3A_110, %get3A_111] : memref<1x64xf32, #tpu.memory_space<vmem>>, vector<1x64xf32>
      %add3A_113 = vector.broadcast %get3A_112 : vector<1x64xf32> to vector<2000x64xf32>
      %add3A_114 = arith.addf %dot_general3A_109, %add3A_113 : vector<2000x64xf32>
      %get3A_115 = arith.constant 0 : index
      %get3A_116 = arith.constant 0 : index
      %get3A_117 = vector.load %arg13[%get3A_115, %get3A_116] : memref<1x64xf32, #tpu.memory_space<vmem>>, vector<1x64xf32>
      %reduce_sum3A_118 = arith.constant dense<0.000000e+00> : vector<64xf32>
      %reduce_sum3A_119 = vector.multi_reduction <add>, %add3A_114, %reduce_sum3A_118 [0] : vector<2000x64xf32> to vector<64xf32>
      %broadcast_in_dim3A_120 = vector.shape_cast %reduce_sum3A_119 : vector<64xf32> to vector<1x64xf32>
      %add3A_121 = arith.addf %get3A_117, %broadcast_in_dim3A_120 : vector<1x64xf32>
      %swap3A_122 = arith.constant 0 : index
      %swap3A_123 = arith.constant 0 : index
      %swap3A_124 = vector.load %arg13[%swap3A_122, %swap3A_123] : memref<1x64xf32, #tpu.memory_space<vmem>>, vector<1x64xf32>
      tpu.vector_store %arg13[%swap3A_122, %swap3A_123], %add3A_121 {strides = array<i32>} : memref<1x64xf32, #tpu.memory_space<vmem>>, vector<1x64xf32>,
      %get3A_125 = arith.constant 0 : index
      %get3A_126 = arith.constant 0 : index
      %get3A_127 = vector.load %arg14[%get3A_125, %get3A_126] : memref<1x64xf32, #tpu.memory_space<vmem>>, vector<1x64xf32>
      %mul3A_128 = arith.mulf %add3A_114, %add3A_114 : vector<2000x64xf32>
      %reduce_sum3A_129 = arith.constant dense<0.000000e+00> : vector<64xf32>
      %reduce_sum3A_130 = vector.multi_reduction <add>, %mul3A_128, %reduce_sum3A_129 [0] : vector<2000x64xf32> to vector<64xf32>
      %broadcast_in_dim3A_131 = vector.shape_cast %reduce_sum3A_130 : vector<64xf32> to vector<1x64xf32>
      %add3A_132 = arith.addf %get3A_127, %broadcast_in_dim3A_131 : vector<1x64xf32>
      %swap3A_133 = arith.constant 0 : index
      %swap3A_134 = arith.constant 0 : index
      %swap3A_135 = vector.load %arg14[%swap3A_133, %swap3A_134] : memref<1x64xf32, #tpu.memory_space<vmem>>, vector<1x64xf32>
      tpu.vector_store %arg14[%swap3A_133, %swap3A_134], %add3A_132 {strides = array<i32>} : memref<1x64xf32, #tpu.memory_space<vmem>>, vector<1x64xf32>,
    } else {
    }
    %eq3A_6 = arith.constant 1 : i32
    %eq3A_7 = arith.cmpi eq, %arg0, %eq3A_6 : i32
    %convert_element_type3A_8 = arith.extui %eq3A_7 : i1 to i32
    %cond3A_9 = arith.constant 0 : i32
    %cond3A_10 = arith.cmpi ne, %convert_element_type3A_8, %cond3A_9 : i32
    scf.if %cond3A_10 {
      %get3A_16 = arith.constant 0 : index
      %get3A_17 = arith.constant 0 : index
      %get3A_18 = vector.load %arg13[%get3A_16, %get3A_17] : memref<1x64xf32, #tpu.memory_space<vmem>>, vector<1x64xf32>
      %div3A = arith.constant 3.000000e+04 : f32
      %div3A_19 = vector.broadcast %div3A : f32 to vector<1x64xf32>
      %div3A_20 = arith.divf %get3A_18, %div3A_19 : vector<1x64xf32>
      %get3A_21 = arith.constant 0 : index
      %get3A_22 = arith.constant 0 : index
      %get3A_23 = vector.load %arg14[%get3A_21, %get3A_22] : memref<1x64xf32, #tpu.memory_space<vmem>>, vector<1x64xf32>
      %div3A_24 = arith.constant 3.000000e+04 : f32
      %div3A_25 = vector.broadcast %div3A_24 : f32 to vector<1x64xf32>
      %div3A_26 = arith.divf %get3A_23, %div3A_25 : vector<1x64xf32>
      %mul3A = arith.mulf %div3A_20, %div3A_20 : vector<1x64xf32>
      %sub3A = arith.subf %div3A_26, %mul3A : vector<1x64xf32>
      %add3A = arith.constant 9.99999974E-6 : f32
      %add3A_27 = vector.broadcast %add3A : f32 to vector<1x64xf32>
      %add3A_28 = arith.addf %sub3A, %add3A_27 : vector<1x64xf32>
      %sqrt3A = math.sqrt %add3A_28 : vector<1x64xf32>
      %get3A_29 = arith.constant 0 : index
      %get3A_30 = arith.constant 0 : index
      %get3A_31 = vector.load %arg6[%get3A_29, %get3A_30] : memref<1x64xf32, #tpu.memory_space<vmem>>, vector<1x64xf32>
      %get3A_32 = arith.constant 0 : index
      %get3A_33 = arith.constant 0 : index
      %get3A_34 = vector.load %arg7[%get3A_32, %get3A_33] : memref<1x64xf32, #tpu.memory_space<vmem>>, vector<1x64xf32>
      %broadcast_in_dim3A = arith.constant 0.000000e+00 : f32
      %broadcast_in_dim3A_35 = vector.broadcast %broadcast_in_dim3A : f32 to vector<2000x64xf32>
      %get3A_36 = arith.constant 0 : index
      %get3A_37 = arith.constant 0 : index
      %get3A_38 = tpu.strided_load %arg3[%get3A_36, %get3A_37] {strides = array<i32: 3, 1>} : memref<6000x128xf32, #tpu.memory_space<vmem>>, vector<2000x128xf32>
      %swap3A_39 = arith.constant 0 : index
      %swap3A_40 = arith.constant 128 : index
      %swap3A_41 = vector.load %arg12[%swap3A_39, %swap3A_40] : memref<2000x256xf32, #tpu.memory_space<vmem>>, vector<2000x128xf32>
      tpu.vector_store %arg12[%swap3A_39, %swap3A_40], %get3A_38 {strides = array<i32>} : memref<2000x256xf32, #tpu.memory_space<vmem>>, vector<2000x128xf32>,
      %get3A_42 = arith.constant 0 : index
      %get3A_43 = arith.constant 0 : index
      %get3A_44 = vector.load %arg12[%get3A_42, %get3A_43] : memref<2000x256xf32, #tpu.memory_space<vmem>>, vector<2000x256xf32>
      %get3A_45 = arith.constant 0 : index
      %get3A_46 = arith.constant 0 : index
      %get3A_47 = vector.load %arg4[%get3A_45, %get3A_46] : memref<256x64xf32, #tpu.memory_space<vmem>>, vector<256x64xf32>
      %dot_general3A = arith.constant dense<0.000000e+00> : vector<2000x64xf32>
      %dot_general3A_48 = tpu.matmul %get3A_44, %get3A_47, %dot_general3A {dimension_numbers = #tpu.dot_dimension_numbers<[1], [0], [0], [1], [0, 0, 1, 1], [], []>, transpose_lhs_hint = false} : vector<2000x256xf32>, vector<256x64xf32>, vector<2000x64xf32> -> vector<2000x64xf32>
      %get3A_49 = arith.constant 0 : index
      %get3A_50 = arith.constant 0 : index
      %get3A_51 = vector.load %arg5[%get3A_49, %get3A_50] : memref<1x64xf32, #tpu.memory_space<vmem>>, vector<1x64xf32>
      %add3A_52 = vector.broadcast %get3A_51 : vector<1x64xf32> to vector<2000x64xf32>
      %add3A_53 = arith.addf %dot_general3A_48, %add3A_52 : vector<2000x64xf32>
      %sub3A_54 = vector.broadcast %div3A_20 : vector<1x64xf32> to vector<2000x64xf32>
      %sub3A_55 = arith.subf %add3A_53, %sub3A_54 : vector<2000x64xf32>
      %div3A_56 = vector.broadcast %sqrt3A : vector<1x64xf32> to vector<2000x64xf32>
      %div3A_57 = arith.divf %sub3A_55, %div3A_56 : vector<2000x64xf32>
      %mul3A_58 = vector.broadcast %get3A_31 : vector<1x64xf32> to vector<2000x64xf32>
      %mul3A_59 = arith.mulf %div3A_57, %mul3A_58 : vector<2000x64xf32>
      %add3A_60 = vector.broadcast %get3A_34 : vector<1x64xf32> to vector<2000x64xf32>
      %add3A_61 = arith.addf %mul3A_59, %add3A_60 : vector<2000x64xf32>
      %max3A = arith.constant 0.000000e+00 : f32
      %max3A_62 = vector.broadcast %max3A : f32 to vector<2000x64xf32>
      %max3A_63 = arith.maximumf %add3A_61, %max3A_62 : vector<2000x64xf32>
      %swap3A_64 = arith.constant 0 : index
      %swap3A_65 = arith.constant 0 : index
      %swap3A_66 = tpu.strided_load %arg8[%swap3A_64, %swap3A_65] {strides = array<i32: 3, 1>} : memref<6000x64xf32, #tpu.memory_space<vmem>>, vector<2000x64xf32>
      tpu.strided_store %arg8[%swap3A_64, %swap3A_65], %max3A_63 {strides = array<i32: 3, 1>} : memref<6000x64xf32, #tpu.memory_space<vmem>>, vector<2000x64xf32>
      %add3A_67 = arith.addf %broadcast_in_dim3A_35, %max3A_63 : vector<2000x64xf32>
      %get3A_68 = arith.constant 1 : index
      %get3A_69 = arith.constant 0 : index
      %get3A_70 = tpu.strided_load %arg3[%get3A_68, %get3A_69] {strides = array<i32: 3, 1>} : memref<6000x128xf32, #tpu.memory_space<vmem>>, vector<2000x128xf32>
      %swap3A_71 = arith.constant 0 : index
      %swap3A_72 = arith.constant 128 : index
      %swap3A_73 = vector.load %arg12[%swap3A_71, %swap3A_72] : memref<2000x256xf32, #tpu.memory_space<vmem>>, vector<2000x128xf32>
      tpu.vector_store %arg12[%swap3A_71, %swap3A_72], %get3A_70 {strides = array<i32>} : memref<2000x256xf32, #tpu.memory_space<vmem>>, vector<2000x128xf32>,
      %get3A_74 = arith.constant 0 : index
      %get3A_75 = arith.constant 0 : index
      %get3A_76 = vector.load %arg12[%get3A_74, %get3A_75] : memref<2000x256xf32, #tpu.memory_space<vmem>>, vector<2000x256xf32>
      %get3A_77 = arith.constant 0 : index
      %get3A_78 = arith.constant 0 : index
      %get3A_79 = vector.load %arg4[%get3A_77, %get3A_78] : memref<256x64xf32, #tpu.memory_space<vmem>>, vector<256x64xf32>
      %dot_general3A_80 = arith.constant dense<0.000000e+00> : vector<2000x64xf32>
      %dot_general3A_81 = tpu.matmul %get3A_76, %get3A_79, %dot_general3A_80 {dimension_numbers = #tpu.dot_dimension_numbers<[1], [0], [0], [1], [0, 0, 1, 1], [], []>, transpose_lhs_hint = false} : vector<2000x256xf32>, vector<256x64xf32>, vector<2000x64xf32> -> vector<2000x64xf32>
      %get3A_82 = arith.constant 0 : index
      %get3A_83 = arith.constant 0 : index
      %get3A_84 = vector.load %arg5[%get3A_82, %get3A_83] : memref<1x64xf32, #tpu.memory_space<vmem>>, vector<1x64xf32>
      %add3A_85 = vector.broadcast %get3A_84 : vector<1x64xf32> to vector<2000x64xf32>
      %add3A_86 = arith.addf %dot_general3A_81, %add3A_85 : vector<2000x64xf32>
      %sub3A_87 = vector.broadcast %div3A_20 : vector<1x64xf32> to vector<2000x64xf32>
      %sub3A_88 = arith.subf %add3A_86, %sub3A_87 : vector<2000x64xf32>
      %div3A_89 = vector.broadcast %sqrt3A : vector<1x64xf32> to vector<2000x64xf32>
      %div3A_90 = arith.divf %sub3A_88, %div3A_89 : vector<2000x64xf32>
      %mul3A_91 = vector.broadcast %get3A_31 : vector<1x64xf32> to vector<2000x64xf32>
      %mul3A_92 = arith.mulf %div3A_90, %mul3A_91 : vector<2000x64xf32>
      %add3A_93 = vector.broadcast %get3A_34 : vector<1x64xf32> to vector<2000x64xf32>
      %add3A_94 = arith.addf %mul3A_92, %add3A_93 : vector<2000x64xf32>
      %max3A_95 = arith.constant 0.000000e+00 : f32
      %max3A_96 = vector.broadcast %max3A_95 : f32 to vector<2000x64xf32>
      %max3A_97 = arith.maximumf %add3A_94, %max3A_96 : vector<2000x64xf32>
      %swap3A_98 = arith.constant 1 : index
      %swap3A_99 = arith.constant 0 : index
      %swap3A_100 = tpu.strided_load %arg8[%swap3A_98, %swap3A_99] {strides = array<i32: 3, 1>} : memref<6000x64xf32, #tpu.memory_space<vmem>>, vector<2000x64xf32>
      tpu.strided_store %arg8[%swap3A_98, %swap3A_99], %max3A_97 {strides = array<i32: 3, 1>} : memref<6000x64xf32, #tpu.memory_space<vmem>>, vector<2000x64xf32>
      %add3A_101 = arith.addf %add3A_67, %max3A_97 : vector<2000x64xf32>
      %get3A_102 = arith.constant 2 : index
      %get3A_103 = arith.constant 0 : index
      %get3A_104 = tpu.strided_load %arg3[%get3A_102, %get3A_103] {strides = array<i32: 3, 1>} : memref<6000x128xf32, #tpu.memory_space<vmem>>, vector<2000x128xf32>
      %swap3A_105 = arith.constant 0 : index
      %swap3A_106 = arith.constant 128 : index
      %swap3A_107 = vector.load %arg12[%swap3A_105, %swap3A_106] : memref<2000x256xf32, #tpu.memory_space<vmem>>, vector<2000x128xf32>
      tpu.vector_store %arg12[%swap3A_105, %swap3A_106], %get3A_104 {strides = array<i32>} : memref<2000x256xf32, #tpu.memory_space<vmem>>, vector<2000x128xf32>,
      %get3A_108 = arith.constant 0 : index
      %get3A_109 = arith.constant 0 : index
      %get3A_110 = vector.load %arg12[%get3A_108, %get3A_109] : memref<2000x256xf32, #tpu.memory_space<vmem>>, vector<2000x256xf32>
      %get3A_111 = arith.constant 0 : index
      %get3A_112 = arith.constant 0 : index
      %get3A_113 = vector.load %arg4[%get3A_111, %get3A_112] : memref<256x64xf32, #tpu.memory_space<vmem>>, vector<256x64xf32>
      %dot_general3A_114 = arith.constant dense<0.000000e+00> : vector<2000x64xf32>
      %dot_general3A_115 = tpu.matmul %get3A_110, %get3A_113, %dot_general3A_114 {dimension_numbers = #tpu.dot_dimension_numbers<[1], [0], [0], [1], [0, 0, 1, 1], [], []>, transpose_lhs_hint = false} : vector<2000x256xf32>, vector<256x64xf32>, vector<2000x64xf32> -> vector<2000x64xf32>
      %get3A_116 = arith.constant 0 : index
      %get3A_117 = arith.constant 0 : index
      %get3A_118 = vector.load %arg5[%get3A_116, %get3A_117] : memref<1x64xf32, #tpu.memory_space<vmem>>, vector<1x64xf32>
      %add3A_119 = vector.broadcast %get3A_118 : vector<1x64xf32> to vector<2000x64xf32>
      %add3A_120 = arith.addf %dot_general3A_115, %add3A_119 : vector<2000x64xf32>
      %sub3A_121 = vector.broadcast %div3A_20 : vector<1x64xf32> to vector<2000x64xf32>
      %sub3A_122 = arith.subf %add3A_120, %sub3A_121 : vector<2000x64xf32>
      %div3A_123 = vector.broadcast %sqrt3A : vector<1x64xf32> to vector<2000x64xf32>
      %div3A_124 = arith.divf %sub3A_122, %div3A_123 : vector<2000x64xf32>
      %mul3A_125 = vector.broadcast %get3A_31 : vector<1x64xf32> to vector<2000x64xf32>
      %mul3A_126 = arith.mulf %div3A_124, %mul3A_125 : vector<2000x64xf32>
      %add3A_127 = vector.broadcast %get3A_34 : vector<1x64xf32> to vector<2000x64xf32>
      %add3A_128 = arith.addf %mul3A_126, %add3A_127 : vector<2000x64xf32>
      %max3A_129 = arith.constant 0.000000e+00 : f32
      %max3A_130 = vector.broadcast %max3A_129 : f32 to vector<2000x64xf32>
      %max3A_131 = arith.maximumf %add3A_128, %max3A_130 : vector<2000x64xf32>
      %swap3A_132 = arith.constant 2 : index
      %swap3A_133 = arith.constant 0 : index
      %swap3A_134 = tpu.strided_load %arg8[%swap3A_132, %swap3A_133] {strides = array<i32: 3, 1>} : memref<6000x64xf32, #tpu.memory_space<vmem>>, vector<2000x64xf32>
      tpu.strided_store %arg8[%swap3A_132, %swap3A_133], %max3A_131 {strides = array<i32: 3, 1>} : memref<6000x64xf32, #tpu.memory_space<vmem>>, vector<2000x64xf32>
      %add3A_135 = arith.addf %add3A_101, %max3A_131 : vector<2000x64xf32>
      %div3A_136 = arith.constant 3.000000e+00 : f32
      %div3A_137 = vector.broadcast %div3A_136 : f32 to vector<2000x64xf32>
      %div3A_138 = arith.divf %add3A_135, %div3A_137 : vector<2000x64xf32>
      %swap3A_139 = arith.constant 0 : index
      %swap3A_140 = arith.constant 0 : index
      %swap3A_141 = vector.load %arg9[%swap3A_139, %swap3A_140] : memref<2000x64xf32, #tpu.memory_space<vmem>>, vector<2000x64xf32>
      tpu.vector_store %arg9[%swap3A_139, %swap3A_140], %div3A_138 {strides = array<i32>} : memref<2000x64xf32, #tpu.memory_space<vmem>>, vector<2000x64xf32>,
    } else {
    }
    %eq3A_11 = arith.constant 1 : i32
    %eq3A_12 = arith.cmpi eq, %arg0, %eq3A_11 : i32
    %convert_element_type3A_13 = arith.extui %eq3A_12 : i1 to i32
    %cond3A_14 = arith.constant 0 : i32
    %cond3A_15 = arith.cmpi ne, %convert_element_type3A_13, %cond3A_14 : i32
    scf.if %cond3A_15 {
      %get3A_16 = arith.constant 0 : index
      %get3A_17 = arith.constant 0 : index
      %get3A_18 = vector.load %arg9[%get3A_16, %get3A_17] : memref<2000x64xf32, #tpu.memory_space<vmem>>, vector<2000x64xf32>
      %swap3A_19 = arith.constant 0 : index
      %swap3A_20 = arith.constant 0 : index
      %swap3A_21 = vector.load %arg10[%swap3A_19, %swap3A_20] : memref<2000x64xf32, #tpu.memory_space<vmem>>, vector<2000x64xf32>
      tpu.vector_store %arg10[%swap3A_19, %swap3A_20], %get3A_18 {strides = array<i32>} : memref<2000x64xf32, #tpu.memory_space<vmem>>, vector<2000x64xf32>,
      %swap3A_22 = arith.constant 0 : index
      %swap3A_23 = arith.constant 0 : index
      %swap3A_24 = vector.load %arg11[%swap3A_22, %swap3A_23] : memref<2000x128xf32, #tpu.memory_space<vmem>>, vector<2000x64xf32>
      tpu.vector_store %arg11[%swap3A_22, %swap3A_23], %get3A_18 {strides = array<i32>} : memref<2000x128xf32, #tpu.memory_space<vmem>>, vector<2000x64xf32>,
      %broadcast_in_dim3A = arith.constant 0.000000e+00 : f32
      %broadcast_in_dim3A_25 = vector.broadcast %broadcast_in_dim3A : f32 to vector<2000x64xf32>
      %swap3A_26 = arith.constant 0 : index
      %swap3A_27 = arith.constant 64 : index
      %swap3A_28 = vector.load %arg11[%swap3A_26, %swap3A_27] : memref<2000x128xf32, #tpu.memory_space<vmem>>, vector<2000x64xf32>
      tpu.vector_store %arg11[%swap3A_26, %swap3A_27], %broadcast_in_dim3A_25 {strides = array<i32>} : memref<2000x128xf32, #tpu.memory_space<vmem>>, vector<2000x64xf32>,
    } else {
    }
    return
  }
  func.func @transform_0(%arg0: i32, %arg1: i32) -> (i32, i32) {
    %c0_i32 = arith.constant 0 : i32
    %c0_i32_0 = arith.constant 0 : i32
    return %arg1, %c0_i32 : i32, i32
  }
  func.func @transform_1(%arg0: i32, %arg1: i32) -> (i32, i32) {
    %c0_i32 = arith.constant 0 : i32
    %c0_i32_0 = arith.constant 0 : i32
    return %arg1, %c0_i32 : i32, i32
  }
  func.func @transform_2(%arg0: i32, %arg1: i32) -> (i32, i32) {
    %c0_i32 = arith.constant 0 : i32
    %c0_i32_0 = arith.constant 0 : i32
    %c0_i32_1 = arith.constant 0 : i32
    return %c0_i32, %c0_i32_0 : i32, i32
  }
  func.func @transform_3(%arg0: i32, %arg1: i32) -> (i32, i32) {
    %c0_i32 = arith.constant 0 : i32
    %c0_i32_0 = arith.constant 0 : i32
    %c0_i32_1 = arith.constant 0 : i32
    return %c0_i32, %c0_i32_0 : i32, i32
  }
  func.func @transform_4(%arg0: i32, %arg1: i32) -> (i32, i32) {
    %c0_i32 = arith.constant 0 : i32
    %c0_i32_0 = arith.constant 0 : i32
    %c0_i32_1 = arith.constant 0 : i32
    return %c0_i32, %c0_i32_0 : i32, i32
  }
  func.func @transform_5(%arg0: i32, %arg1: i32) -> (i32, i32) {
    %c0_i32 = arith.constant 0 : i32
    %c0_i32_0 = arith.constant 0 : i32
    %c0_i32_1 = arith.constant 0 : i32
    return %c0_i32, %c0_i32_0 : i32, i32
  }
  func.func @transform_6(%arg0: i32, %arg1: i32) -> (i32, i32) {
    %c0_i32 = arith.constant 0 : i32
    %c0_i32_0 = arith.constant 0 : i32
    return %arg1, %c0_i32 : i32, i32
  }
  func.func @transform_7(%arg0: i32, %arg1: i32) -> (i32, i32) {
    %c0_i32 = arith.constant 0 : i32
    %c0_i32_0 = arith.constant 0 : i32
    return %arg1, %c0_i32 : i32, i32
  }
  func.func @transform_8(%arg0: i32, %arg1: i32) -> (i32, i32) {
    %c0_i32 = arith.constant 0 : i32
    %c0_i32_0 = arith.constant 0 : i32
    return %arg1, %c0_i32 : i32, i32
  }
  func.func @transform_9(%arg0: i32, %arg1: i32) -> (i32, i32) {
    %c0_i32 = arith.constant 0 : i32
    %c0_i32_0 = arith.constant 0 : i32
    return %arg1, %c0_i32 : i32, i32
  }
}

module attributes {stable_mosaic.version = 14 : i64} {
  func.func @_knn_body(%arg0: i32, %arg1: memref<20xi32, #tpu.memory_space<smem>>, %arg2: memref<20xi32, #tpu.memory_space<smem>>, %arg3: memref<10240x64xf32, #tpu.memory_space<vmem>>, %arg4: memref<64x10240xf32, #tpu.memory_space<vmem>>, %arg5: memref<1x10240xi32, #tpu.memory_space<vmem>>, %arg6: memref<10240x1xi32, #tpu.memory_space<vmem>>, %arg7: memref<512x1xi32, #tpu.memory_space<vmem>>, %arg8: memref<512x1xi32, #tpu.memory_space<vmem>>, %arg9: memref<512x1xi32, #tpu.memory_space<vmem>>) attributes {dimension_semantics = [#tpu.dimension_semantics<parallel>], iteration_bounds = array<i64: 20>, scalar_prefetch = 2 : i64, scratch_operands = 0 : i64, tpu.core_type = #tpu.core_type<tc>, window_params = [{pipeline_mode = #tpu.pipeline_mode<synchronous>, transform_indices = @transform_0, window_bounds = array<i64: 10240, 64>}, {pipeline_mode = #tpu.pipeline_mode<synchronous>, transform_indices = @transform_1, window_bounds = array<i64: 64, 10240>}, {pipeline_mode = #tpu.pipeline_mode<synchronous>, transform_indices = @transform_2, window_bounds = array<i64: 1, 10240>}, {pipeline_mode = #tpu.pipeline_mode<synchronous>, transform_indices = @transform_3, window_bounds = array<i64: 10240, 1>}, {transform_indices = @transform_4, window_bounds = array<i64: 512, 1>}, {transform_indices = @transform_5, window_bounds = array<i64: 512, 1>}, {transform_indices = @transform_6, window_bounds = array<i64: 512, 1>}]} {
    %mul3A = arith.constant 512 : i32
    %mul3A_0 = arith.muli %arg0, %mul3A : i32
    %get3A = arith.index_cast %mul3A_0 : i32 to index
    %get3A_1 = arith.constant 0 : index
    %get3A_2 = vector.load %arg3[%get3A, %get3A_1] : memref<10240x64xf32, #tpu.memory_space<vmem>>, vector<512x64xf32>
    %mul3A_3 = arith.mulf %get3A_2, %get3A_2 : vector<512x64xf32>
    %reduce_sum3A = arith.constant dense<0.000000e+00> : vector<512xf32>
    %reduce_sum3A_4 = vector.multi_reduction <add>, %mul3A_3, %reduce_sum3A [1] : vector<512x64xf32> to vector<512xf32>
    %broadcast_in_dim3A = vector.shape_cast %reduce_sum3A_4 : vector<512xf32> to vector<512x1xf32>
    %get3A_5 = arith.index_cast %mul3A_0 : i32 to index
    %get3A_6 = arith.constant 0 : index
    %get3A_7 = vector.load %arg6[%get3A_5, %get3A_6] : memref<10240x1xi32, #tpu.memory_space<vmem>>, vector<512x1xi32>
    %iota3A = tpu.iota {dimensions = array<i32: 0>} : vector<512x1xi32>
    %add3A = vector.broadcast %mul3A_0 : i32 to vector<512x1xi32>
    %add3A_8 = arith.addi %add3A, %iota3A : vector<512x1xi32>
    %get3A_9 = arith.index_cast %arg0 : i32 to index
    %get3A_10 = memref.load %arg1[%get3A_9] : memref<20xi32, #tpu.memory_space<smem>>
    %get3A_11 = arith.index_cast %arg0 : i32 to index
    %get3A_12 = memref.load %arg2[%get3A_11] : memref<20xi32, #tpu.memory_space<smem>>
    %broadcast_in_dim3A_13 = arith.constant 0x7F800000 : f32
    %broadcast_in_dim3A_14 = vector.broadcast %broadcast_in_dim3A_13 : f32 to vector<512x1xf32>
    %broadcast_in_dim3A_15 = arith.constant 1073741824 : i32
    %broadcast_in_dim3A_16 = vector.broadcast %broadcast_in_dim3A_15 : i32 to vector<512x1xi32>
    %broadcast_in_dim3A_17 = arith.constant 1073741825 : i32
    %broadcast_in_dim3A_18 = vector.broadcast %broadcast_in_dim3A_17 : i32 to vector<512x1xi32>
    %broadcast_in_dim3A_19 = arith.constant 1073741826 : i32
    %broadcast_in_dim3A_20 = vector.broadcast %broadcast_in_dim3A_19 : i32 to vector<512x1xi32>
    %add3A_21 = arith.constant 1 : i32
    %add3A_22 = arith.addi %get3A_12, %add3A_21 : i32
    %while3A = arith.subi %add3A_22, %get3A_10 : i32
    %while3A_23 = arith.addi %get3A_10, %while3A : i32
    %while3A_24 = arith.constant 1 : i32
    %while3A_25 = arith.divsi %while3A, %while3A_24 : i32
    %while3A_26 = arith.muli %while3A_25, %while3A_24 : i32
    %while3A_27 = arith.addi %get3A_10, %while3A_26 : i32
    %while3A_28 = arith.constant 1 : i32
    %while3A_29:6 = scf.for %while3A_128 = %get3A_10 to %while3A_27 step %while3A_28 iter_args(%while3A_129 = %broadcast_in_dim3A_14, %while3A_130 = %broadcast_in_dim3A_16, %while3A_131 = %broadcast_in_dim3A_14, %while3A_132 = %broadcast_in_dim3A_18, %while3A_133 = %broadcast_in_dim3A_14, %while3A_134 = %broadcast_in_dim3A_20) -> (vector<512x1xf32>, vector<512x1xi32>, vector<512x1xf32>, vector<512x1xi32>, vector<512x1xf32>, vector<512x1xi32>)  : i32 {
      %mul3A_135 = arith.constant 512 : i32
      %mul3A_136 = arith.muli %while3A_128, %mul3A_135 : i32
      %get3A_137 = arith.constant 0 : index
      %get3A_138 = arith.index_cast %mul3A_136 : i32 to index
      %get3A_139 = vector.load %arg4[%get3A_137, %get3A_138] : memref<64x10240xf32, #tpu.memory_space<vmem>>, vector<64x512xf32>
      %mul3A_140 = arith.mulf %get3A_139, %get3A_139 : vector<64x512xf32>
      %reduce_sum3A_141 = arith.constant dense<0.000000e+00> : vector<512xf32>
      %reduce_sum3A_142 = vector.multi_reduction <add>, %mul3A_140, %reduce_sum3A_141 [0] : vector<64x512xf32> to vector<512xf32>
      %broadcast_in_dim3A_143 = vector.shape_cast %reduce_sum3A_142 : vector<512xf32> to vector<1x512xf32>
      %mul3A_144 = arith.constant 2.500000e-01 : f32
      %mul3A_145 = vector.broadcast %mul3A_144 : f32 to vector<1x512xf32>
      %mul3A_146 = arith.mulf %broadcast_in_dim3A_143, %mul3A_145 : vector<1x512xf32>
      %dot_general3A = arith.constant dense<0.000000e+00> : vector<512x512xf32>
      %dot_general3A_147 = tpu.matmul %get3A_2, %get3A_139, %dot_general3A {dimension_numbers = #tpu.dot_dimension_numbers<[1], [0], [0], [1], [0, 0, 1, 1], [], []>, transpose_lhs_hint = false} : vector<512x64xf32>, vector<64x512xf32>, vector<512x512xf32> -> vector<512x512xf32>
      %add3A_148 = vector.broadcast %broadcast_in_dim3A : vector<512x1xf32> to vector<512x512xf32>
      %add3A_149 = vector.broadcast %mul3A_146 : vector<1x512xf32> to vector<512x512xf32>
      %add3A_150 = arith.addf %add3A_148, %add3A_149 : vector<512x512xf32>
      %sub3A = arith.subf %add3A_150, %dot_general3A_147 : vector<512x512xf32>
      %get3A_151 = arith.constant 0 : index
      %get3A_152 = arith.index_cast %mul3A_136 : i32 to index
      %get3A_153 = vector.load %arg5[%get3A_151, %get3A_152] : memref<1x10240xi32, #tpu.memory_space<vmem>>, vector<1x512xi32>
      %iota3A_154 = tpu.iota {dimensions = array<i32: 1>} : vector<512x512xi32>
      %add3A_155 = vector.broadcast %mul3A_136 : i32 to vector<512x512xi32>
      %add3A_156 = arith.addi %add3A_155, %iota3A_154 : vector<512x512xi32>
      %ne3A = vector.broadcast %get3A_7 : vector<512x1xi32> to vector<512x512xi32>
      %ne3A_157 = vector.broadcast %get3A_153 : vector<1x512xi32> to vector<512x512xi32>
      %ne3A_158 = arith.cmpi ne, %ne3A, %ne3A_157 : vector<512x512xi32>
      %eq3A_159 = vector.broadcast %add3A_8 : vector<512x1xi32> to vector<512x512xi32>
      %eq3A_160 = arith.cmpi eq, %eq3A_159, %add3A_156 : vector<512x512xi32>
      %or3A_161 = arith.ori %ne3A_158, %eq3A_160 : vector<512x512xi1>
      %jit3A_162 = arith.constant 1.000000e+20 : f32
      %broadcast_in_dim3A_163 = vector.broadcast %jit3A_162 : f32 to vector<512x512xf32>
      %select_n3A_164 = arith.select %or3A_161, %broadcast_in_dim3A_163, %sub3A : vector<512x512xi1>, vector<512x512xf32>
      %ge3A = arith.constant 10000 : i32
      %ge3A_165 = vector.broadcast %ge3A : i32 to vector<512x512xi32>
      %ge3A_166 = arith.cmpi sge, %add3A_156, %ge3A_165 : vector<512x512xi32>
      %jit3A_167 = arith.constant 0x7F800000 : f32
      %broadcast_in_dim3A_168 = vector.broadcast %jit3A_167 : f32 to vector<512x512xf32>
      %select_n3A_169 = arith.select %ge3A_166, %broadcast_in_dim3A_168, %select_n3A_164 : vector<512x512xi1>, vector<512x512xf32>
      %reduce_min3A = arith.constant dense<0x7F800000> : vector<512xf32>
      %reduce_min3A_170 = vector.multi_reduction <minimumf>, %select_n3A_169, %reduce_min3A [1] : vector<512x512xf32> to vector<512xf32>
      %broadcast_in_dim3A_171 = vector.shape_cast %reduce_min3A_170 : vector<512xf32> to vector<512x1xf32>
      %eq3A_172 = vector.broadcast %broadcast_in_dim3A_171 : vector<512x1xf32> to vector<512x512xf32>
      %eq3A_173 = arith.cmpf oeq, %select_n3A_169, %eq3A_172 : vector<512x512xf32>
      %jit3A_174 = arith.constant 1073741824 : i32
      %broadcast_in_dim3A_175 = vector.broadcast %jit3A_174 : i32 to vector<512x512xi32>
      %select_n3A_176 = arith.select %eq3A_173, %add3A_156, %broadcast_in_dim3A_175 : vector<512x512xi1>, vector<512x512xi32>
      %reduce_min3A_177 = arith.constant dense<2147483647> : vector<512xi32>
      %reduce_min3A_178 = vector.multi_reduction <minsi>, %select_n3A_176, %reduce_min3A_177 [1] : vector<512x512xi32> to vector<512xi32>
      %broadcast_in_dim3A_179 = vector.shape_cast %reduce_min3A_178 : vector<512xi32> to vector<512x1xi32>
      %eq3A_180 = vector.broadcast %broadcast_in_dim3A_179 : vector<512x1xi32> to vector<512x512xi32>
      %eq3A_181 = arith.cmpi eq, %add3A_156, %eq3A_180 : vector<512x512xi32>
      %jit3A_182 = arith.constant 0x7F800000 : f32
      %broadcast_in_dim3A_183 = vector.broadcast %jit3A_182 : f32 to vector<512x512xf32>
      %select_n3A_184 = arith.select %eq3A_181, %broadcast_in_dim3A_183, %select_n3A_169 : vector<512x512xi1>, vector<512x512xf32>
      %reduce_min3A_185 = arith.constant dense<0x7F800000> : vector<512xf32>
      %reduce_min3A_186 = vector.multi_reduction <minimumf>, %select_n3A_184, %reduce_min3A_185 [1] : vector<512x512xf32> to vector<512xf32>
      %broadcast_in_dim3A_187 = vector.shape_cast %reduce_min3A_186 : vector<512xf32> to vector<512x1xf32>
      %eq3A_188 = vector.broadcast %broadcast_in_dim3A_187 : vector<512x1xf32> to vector<512x512xf32>
      %eq3A_189 = arith.cmpf oeq, %select_n3A_184, %eq3A_188 : vector<512x512xf32>
      %jit3A_190 = arith.constant 1073741824 : i32
      %broadcast_in_dim3A_191 = vector.broadcast %jit3A_190 : i32 to vector<512x512xi32>
      %select_n3A_192 = arith.select %eq3A_189, %add3A_156, %broadcast_in_dim3A_191 : vector<512x512xi1>, vector<512x512xi32>
      %reduce_min3A_193 = arith.constant dense<2147483647> : vector<512xi32>
      %reduce_min3A_194 = vector.multi_reduction <minsi>, %select_n3A_192, %reduce_min3A_193 [1] : vector<512x512xi32> to vector<512xi32>
      %broadcast_in_dim3A_195 = vector.shape_cast %reduce_min3A_194 : vector<512xi32> to vector<512x1xi32>
      %eq3A_196 = vector.broadcast %broadcast_in_dim3A_195 : vector<512x1xi32> to vector<512x512xi32>
      %eq3A_197 = arith.cmpi eq, %add3A_156, %eq3A_196 : vector<512x512xi32>
      %jit3A_198 = arith.constant 0x7F800000 : f32
      %broadcast_in_dim3A_199 = vector.broadcast %jit3A_198 : f32 to vector<512x512xf32>
      %select_n3A_200 = arith.select %eq3A_197, %broadcast_in_dim3A_199, %select_n3A_184 : vector<512x512xi1>, vector<512x512xf32>
      %reduce_min3A_201 = arith.constant dense<0x7F800000> : vector<512xf32>
      %reduce_min3A_202 = vector.multi_reduction <minimumf>, %select_n3A_200, %reduce_min3A_201 [1] : vector<512x512xf32> to vector<512xf32>
      %broadcast_in_dim3A_203 = vector.shape_cast %reduce_min3A_202 : vector<512xf32> to vector<512x1xf32>
      %eq3A_204 = vector.broadcast %broadcast_in_dim3A_203 : vector<512x1xf32> to vector<512x512xf32>
      %eq3A_205 = arith.cmpf oeq, %select_n3A_200, %eq3A_204 : vector<512x512xf32>
      %jit3A_206 = arith.constant 1073741824 : i32
      %broadcast_in_dim3A_207 = vector.broadcast %jit3A_206 : i32 to vector<512x512xi32>
      %select_n3A_208 = arith.select %eq3A_205, %add3A_156, %broadcast_in_dim3A_207 : vector<512x512xi1>, vector<512x512xi32>
      %reduce_min3A_209 = arith.constant dense<2147483647> : vector<512xi32>
      %reduce_min3A_210 = vector.multi_reduction <minsi>, %select_n3A_208, %reduce_min3A_209 [1] : vector<512x512xi32> to vector<512xi32>
      %broadcast_in_dim3A_211 = vector.shape_cast %reduce_min3A_210 : vector<512xi32> to vector<512x1xi32>
      %lt3A_212 = arith.cmpf olt, %broadcast_in_dim3A_171, %while3A_129 : vector<512x1xf32>
      %eq3A_213 = arith.cmpf oeq, %broadcast_in_dim3A_171, %while3A_129 : vector<512x1xf32>
      %lt3A_214 = arith.cmpi slt, %broadcast_in_dim3A_179, %while3A_130 : vector<512x1xi32>
      %and3A_215 = arith.andi %eq3A_213, %lt3A_214 : vector<512x1xi1>
      %or3A_216 = arith.ori %lt3A_212, %and3A_215 : vector<512x1xi1>
      %select_n3A_217 = arith.select %or3A_216, %broadcast_in_dim3A_171, %while3A_129 : vector<512x1xi1>, vector<512x1xf32>
      %select_n3A_218 = arith.select %or3A_216, %broadcast_in_dim3A_179, %while3A_130 : vector<512x1xi1>, vector<512x1xi32>
      %select_n3A_219 = arith.select %or3A_216, %while3A_129, %broadcast_in_dim3A_171 : vector<512x1xi1>, vector<512x1xf32>
      %select_n3A_220 = arith.select %or3A_216, %while3A_130, %broadcast_in_dim3A_179 : vector<512x1xi1>, vector<512x1xi32>
      %select_n3A_221 = arith.select %or3A_216, %broadcast_in_dim3A_187, %while3A_131 : vector<512x1xi1>, vector<512x1xf32>
      %select_n3A_222 = arith.select %or3A_216, %broadcast_in_dim3A_195, %while3A_132 : vector<512x1xi1>, vector<512x1xi32>
      %lt3A_223 = arith.cmpf olt, %select_n3A_219, %select_n3A_221 : vector<512x1xf32>
      %eq3A_224 = arith.cmpf oeq, %select_n3A_219, %select_n3A_221 : vector<512x1xf32>
      %lt3A_225 = arith.cmpi slt, %select_n3A_220, %select_n3A_222 : vector<512x1xi32>
      %and3A_226 = arith.andi %eq3A_224, %lt3A_225 : vector<512x1xi1>
      %or3A_227 = arith.ori %lt3A_223, %and3A_226 : vector<512x1xi1>
      %select_n3A_228 = arith.select %or3A_227, %select_n3A_219, %select_n3A_221 : vector<512x1xi1>, vector<512x1xf32>
      %select_n3A_229 = arith.select %or3A_227, %select_n3A_220, %select_n3A_222 : vector<512x1xi1>, vector<512x1xi32>
      %lt3A_230 = arith.cmpf olt, %broadcast_in_dim3A_187, %while3A_129 : vector<512x1xf32>
      %eq3A_231 = arith.cmpf oeq, %broadcast_in_dim3A_187, %while3A_129 : vector<512x1xf32>
      %lt3A_232 = arith.cmpi slt, %broadcast_in_dim3A_195, %while3A_130 : vector<512x1xi32>
      %and3A_233 = arith.andi %eq3A_231, %lt3A_232 : vector<512x1xi1>
      %or3A_234 = arith.ori %lt3A_230, %and3A_233 : vector<512x1xi1>
      %select_n3A_235 = arith.select %or3A_234, %while3A_129, %broadcast_in_dim3A_187 : vector<512x1xi1>, vector<512x1xf32>
      %select_n3A_236 = arith.select %or3A_234, %while3A_130, %broadcast_in_dim3A_195 : vector<512x1xi1>, vector<512x1xi32>
      %lt3A_237 = arith.cmpf olt, %broadcast_in_dim3A_171, %while3A_131 : vector<512x1xf32>
      %eq3A_238 = arith.cmpf oeq, %broadcast_in_dim3A_171, %while3A_131 : vector<512x1xf32>
      %lt3A_239 = arith.cmpi slt, %broadcast_in_dim3A_179, %while3A_132 : vector<512x1xi32>
      %and3A_240 = arith.andi %eq3A_238, %lt3A_239 : vector<512x1xi1>
      %or3A_241 = arith.ori %lt3A_237, %and3A_240 : vector<512x1xi1>
      %select_n3A_242 = arith.select %or3A_241, %while3A_131, %broadcast_in_dim3A_171 : vector<512x1xi1>, vector<512x1xf32>
      %select_n3A_243 = arith.select %or3A_241, %while3A_132, %broadcast_in_dim3A_179 : vector<512x1xi1>, vector<512x1xi32>
      %lt3A_244 = arith.cmpf olt, %while3A_133, %broadcast_in_dim3A_203 : vector<512x1xf32>
      %eq3A_245 = arith.cmpf oeq, %while3A_133, %broadcast_in_dim3A_203 : vector<512x1xf32>
      %lt3A_246 = arith.cmpi slt, %while3A_134, %broadcast_in_dim3A_211 : vector<512x1xi32>
      %and3A_247 = arith.andi %eq3A_245, %lt3A_246 : vector<512x1xi1>
      %or3A_248 = arith.ori %lt3A_244, %and3A_247 : vector<512x1xi1>
      %select_n3A_249 = arith.select %or3A_248, %while3A_133, %broadcast_in_dim3A_203 : vector<512x1xi1>, vector<512x1xf32>
      %select_n3A_250 = arith.select %or3A_248, %while3A_134, %broadcast_in_dim3A_211 : vector<512x1xi1>, vector<512x1xi32>
      %lt3A_251 = arith.cmpf olt, %select_n3A_235, %select_n3A_242 : vector<512x1xf32>
      %eq3A_252 = arith.cmpf oeq, %select_n3A_235, %select_n3A_242 : vector<512x1xf32>
      %lt3A_253 = arith.cmpi slt, %select_n3A_236, %select_n3A_243 : vector<512x1xi32>
      %and3A_254 = arith.andi %eq3A_252, %lt3A_253 : vector<512x1xi1>
      %or3A_255 = arith.ori %lt3A_251, %and3A_254 : vector<512x1xi1>
      %select_n3A_256 = arith.select %or3A_255, %select_n3A_235, %select_n3A_242 : vector<512x1xi1>, vector<512x1xf32>
      %select_n3A_257 = arith.select %or3A_255, %select_n3A_236, %select_n3A_243 : vector<512x1xi1>, vector<512x1xi32>
      %lt3A_258 = arith.cmpf olt, %select_n3A_249, %select_n3A_256 : vector<512x1xf32>
      %eq3A_259 = arith.cmpf oeq, %select_n3A_249, %select_n3A_256 : vector<512x1xf32>
      %lt3A_260 = arith.cmpi slt, %select_n3A_250, %select_n3A_257 : vector<512x1xi32>
      %and3A_261 = arith.andi %eq3A_259, %lt3A_260 : vector<512x1xi1>
      %or3A_262 = arith.ori %lt3A_258, %and3A_261 : vector<512x1xi1>
      %select_n3A_263 = arith.select %or3A_262, %select_n3A_249, %select_n3A_256 : vector<512x1xi1>, vector<512x1xf32>
      %select_n3A_264 = arith.select %or3A_262, %select_n3A_250, %select_n3A_257 : vector<512x1xi1>, vector<512x1xi32>
      scf.yield %select_n3A_217, %select_n3A_218, %select_n3A_228, %select_n3A_229, %select_n3A_263, %select_n3A_264 : vector<512x1xf32>, vector<512x1xi32>, vector<512x1xf32>, vector<512x1xi32>, vector<512x1xf32>, vector<512x1xi32>
    }
    %while3A_30 = arith.constant 1 : i32
    %while3A_31:6 = scf.for %while3A_128 = %while3A_27 to %while3A_23 step %while3A_30 iter_args(%while3A_129 = %while3A_29#0, %while3A_130 = %while3A_29#1, %while3A_131 = %while3A_29#2, %while3A_132 = %while3A_29#3, %while3A_133 = %while3A_29#4, %while3A_134 = %while3A_29#5) -> (vector<512x1xf32>, vector<512x1xi32>, vector<512x1xf32>, vector<512x1xi32>, vector<512x1xf32>, vector<512x1xi32>)  : i32 {
      %mul3A_135 = arith.constant 512 : i32
      %mul3A_136 = arith.muli %while3A_128, %mul3A_135 : i32
      %get3A_137 = arith.constant 0 : index
      %get3A_138 = arith.index_cast %mul3A_136 : i32 to index
      %get3A_139 = vector.load %arg4[%get3A_137, %get3A_138] : memref<64x10240xf32, #tpu.memory_space<vmem>>, vector<64x512xf32>
      %mul3A_140 = arith.mulf %get3A_139, %get3A_139 : vector<64x512xf32>
      %reduce_sum3A_141 = arith.constant dense<0.000000e+00> : vector<512xf32>
      %reduce_sum3A_142 = vector.multi_reduction <add>, %mul3A_140, %reduce_sum3A_141 [0] : vector<64x512xf32> to vector<512xf32>
      %broadcast_in_dim3A_143 = vector.shape_cast %reduce_sum3A_142 : vector<512xf32> to vector<1x512xf32>
      %mul3A_144 = arith.constant 2.500000e-01 : f32
      %mul3A_145 = vector.broadcast %mul3A_144 : f32 to vector<1x512xf32>
      %mul3A_146 = arith.mulf %broadcast_in_dim3A_143, %mul3A_145 : vector<1x512xf32>
      %dot_general3A = arith.constant dense<0.000000e+00> : vector<512x512xf32>
      %dot_general3A_147 = tpu.matmul %get3A_2, %get3A_139, %dot_general3A {dimension_numbers = #tpu.dot_dimension_numbers<[1], [0], [0], [1], [0, 0, 1, 1], [], []>, transpose_lhs_hint = false} : vector<512x64xf32>, vector<64x512xf32>, vector<512x512xf32> -> vector<512x512xf32>
      %add3A_148 = vector.broadcast %broadcast_in_dim3A : vector<512x1xf32> to vector<512x512xf32>
      %add3A_149 = vector.broadcast %mul3A_146 : vector<1x512xf32> to vector<512x512xf32>
      %add3A_150 = arith.addf %add3A_148, %add3A_149 : vector<512x512xf32>
      %sub3A = arith.subf %add3A_150, %dot_general3A_147 : vector<512x512xf32>
      %get3A_151 = arith.constant 0 : index
      %get3A_152 = arith.index_cast %mul3A_136 : i32 to index
      %get3A_153 = vector.load %arg5[%get3A_151, %get3A_152] : memref<1x10240xi32, #tpu.memory_space<vmem>>, vector<1x512xi32>
      %iota3A_154 = tpu.iota {dimensions = array<i32: 1>} : vector<512x512xi32>
      %add3A_155 = vector.broadcast %mul3A_136 : i32 to vector<512x512xi32>
      %add3A_156 = arith.addi %add3A_155, %iota3A_154 : vector<512x512xi32>
      %ne3A = vector.broadcast %get3A_7 : vector<512x1xi32> to vector<512x512xi32>
      %ne3A_157 = vector.broadcast %get3A_153 : vector<1x512xi32> to vector<512x512xi32>
      %ne3A_158 = arith.cmpi ne, %ne3A, %ne3A_157 : vector<512x512xi32>
      %eq3A_159 = vector.broadcast %add3A_8 : vector<512x1xi32> to vector<512x512xi32>
      %eq3A_160 = arith.cmpi eq, %eq3A_159, %add3A_156 : vector<512x512xi32>
      %or3A_161 = arith.ori %ne3A_158, %eq3A_160 : vector<512x512xi1>
      %jit3A_162 = arith.constant 1.000000e+20 : f32
      %broadcast_in_dim3A_163 = vector.broadcast %jit3A_162 : f32 to vector<512x512xf32>
      %select_n3A_164 = arith.select %or3A_161, %broadcast_in_dim3A_163, %sub3A : vector<512x512xi1>, vector<512x512xf32>
      %ge3A = arith.constant 10000 : i32
      %ge3A_165 = vector.broadcast %ge3A : i32 to vector<512x512xi32>
      %ge3A_166 = arith.cmpi sge, %add3A_156, %ge3A_165 : vector<512x512xi32>
      %jit3A_167 = arith.constant 0x7F800000 : f32
      %broadcast_in_dim3A_168 = vector.broadcast %jit3A_167 : f32 to vector<512x512xf32>
      %select_n3A_169 = arith.select %ge3A_166, %broadcast_in_dim3A_168, %select_n3A_164 : vector<512x512xi1>, vector<512x512xf32>
      %reduce_min3A = arith.constant dense<0x7F800000> : vector<512xf32>
      %reduce_min3A_170 = vector.multi_reduction <minimumf>, %select_n3A_169, %reduce_min3A [1] : vector<512x512xf32> to vector<512xf32>
      %broadcast_in_dim3A_171 = vector.shape_cast %reduce_min3A_170 : vector<512xf32> to vector<512x1xf32>
      %eq3A_172 = vector.broadcast %broadcast_in_dim3A_171 : vector<512x1xf32> to vector<512x512xf32>
      %eq3A_173 = arith.cmpf oeq, %select_n3A_169, %eq3A_172 : vector<512x512xf32>
      %jit3A_174 = arith.constant 1073741824 : i32
      %broadcast_in_dim3A_175 = vector.broadcast %jit3A_174 : i32 to vector<512x512xi32>
      %select_n3A_176 = arith.select %eq3A_173, %add3A_156, %broadcast_in_dim3A_175 : vector<512x512xi1>, vector<512x512xi32>
      %reduce_min3A_177 = arith.constant dense<2147483647> : vector<512xi32>
      %reduce_min3A_178 = vector.multi_reduction <minsi>, %select_n3A_176, %reduce_min3A_177 [1] : vector<512x512xi32> to vector<512xi32>
      %broadcast_in_dim3A_179 = vector.shape_cast %reduce_min3A_178 : vector<512xi32> to vector<512x1xi32>
      %eq3A_180 = vector.broadcast %broadcast_in_dim3A_179 : vector<512x1xi32> to vector<512x512xi32>
      %eq3A_181 = arith.cmpi eq, %add3A_156, %eq3A_180 : vector<512x512xi32>
      %jit3A_182 = arith.constant 0x7F800000 : f32
      %broadcast_in_dim3A_183 = vector.broadcast %jit3A_182 : f32 to vector<512x512xf32>
      %select_n3A_184 = arith.select %eq3A_181, %broadcast_in_dim3A_183, %select_n3A_169 : vector<512x512xi1>, vector<512x512xf32>
      %reduce_min3A_185 = arith.constant dense<0x7F800000> : vector<512xf32>
      %reduce_min3A_186 = vector.multi_reduction <minimumf>, %select_n3A_184, %reduce_min3A_185 [1] : vector<512x512xf32> to vector<512xf32>
      %broadcast_in_dim3A_187 = vector.shape_cast %reduce_min3A_186 : vector<512xf32> to vector<512x1xf32>
      %eq3A_188 = vector.broadcast %broadcast_in_dim3A_187 : vector<512x1xf32> to vector<512x512xf32>
      %eq3A_189 = arith.cmpf oeq, %select_n3A_184, %eq3A_188 : vector<512x512xf32>
      %jit3A_190 = arith.constant 1073741824 : i32
      %broadcast_in_dim3A_191 = vector.broadcast %jit3A_190 : i32 to vector<512x512xi32>
      %select_n3A_192 = arith.select %eq3A_189, %add3A_156, %broadcast_in_dim3A_191 : vector<512x512xi1>, vector<512x512xi32>
      %reduce_min3A_193 = arith.constant dense<2147483647> : vector<512xi32>
      %reduce_min3A_194 = vector.multi_reduction <minsi>, %select_n3A_192, %reduce_min3A_193 [1] : vector<512x512xi32> to vector<512xi32>
      %broadcast_in_dim3A_195 = vector.shape_cast %reduce_min3A_194 : vector<512xi32> to vector<512x1xi32>
      %eq3A_196 = vector.broadcast %broadcast_in_dim3A_195 : vector<512x1xi32> to vector<512x512xi32>
      %eq3A_197 = arith.cmpi eq, %add3A_156, %eq3A_196 : vector<512x512xi32>
      %jit3A_198 = arith.constant 0x7F800000 : f32
      %broadcast_in_dim3A_199 = vector.broadcast %jit3A_198 : f32 to vector<512x512xf32>
      %select_n3A_200 = arith.select %eq3A_197, %broadcast_in_dim3A_199, %select_n3A_184 : vector<512x512xi1>, vector<512x512xf32>
      %reduce_min3A_201 = arith.constant dense<0x7F800000> : vector<512xf32>
      %reduce_min3A_202 = vector.multi_reduction <minimumf>, %select_n3A_200, %reduce_min3A_201 [1] : vector<512x512xf32> to vector<512xf32>
      %broadcast_in_dim3A_203 = vector.shape_cast %reduce_min3A_202 : vector<512xf32> to vector<512x1xf32>
      %eq3A_204 = vector.broadcast %broadcast_in_dim3A_203 : vector<512x1xf32> to vector<512x512xf32>
      %eq3A_205 = arith.cmpf oeq, %select_n3A_200, %eq3A_204 : vector<512x512xf32>
      %jit3A_206 = arith.constant 1073741824 : i32
      %broadcast_in_dim3A_207 = vector.broadcast %jit3A_206 : i32 to vector<512x512xi32>
      %select_n3A_208 = arith.select %eq3A_205, %add3A_156, %broadcast_in_dim3A_207 : vector<512x512xi1>, vector<512x512xi32>
      %reduce_min3A_209 = arith.constant dense<2147483647> : vector<512xi32>
      %reduce_min3A_210 = vector.multi_reduction <minsi>, %select_n3A_208, %reduce_min3A_209 [1] : vector<512x512xi32> to vector<512xi32>
      %broadcast_in_dim3A_211 = vector.shape_cast %reduce_min3A_210 : vector<512xi32> to vector<512x1xi32>
      %lt3A_212 = arith.cmpf olt, %broadcast_in_dim3A_171, %while3A_129 : vector<512x1xf32>
      %eq3A_213 = arith.cmpf oeq, %broadcast_in_dim3A_171, %while3A_129 : vector<512x1xf32>
      %lt3A_214 = arith.cmpi slt, %broadcast_in_dim3A_179, %while3A_130 : vector<512x1xi32>
      %and3A_215 = arith.andi %eq3A_213, %lt3A_214 : vector<512x1xi1>
      %or3A_216 = arith.ori %lt3A_212, %and3A_215 : vector<512x1xi1>
      %select_n3A_217 = arith.select %or3A_216, %broadcast_in_dim3A_171, %while3A_129 : vector<512x1xi1>, vector<512x1xf32>
      %select_n3A_218 = arith.select %or3A_216, %broadcast_in_dim3A_179, %while3A_130 : vector<512x1xi1>, vector<512x1xi32>
      %select_n3A_219 = arith.select %or3A_216, %while3A_129, %broadcast_in_dim3A_171 : vector<512x1xi1>, vector<512x1xf32>
      %select_n3A_220 = arith.select %or3A_216, %while3A_130, %broadcast_in_dim3A_179 : vector<512x1xi1>, vector<512x1xi32>
      %select_n3A_221 = arith.select %or3A_216, %broadcast_in_dim3A_187, %while3A_131 : vector<512x1xi1>, vector<512x1xf32>
      %select_n3A_222 = arith.select %or3A_216, %broadcast_in_dim3A_195, %while3A_132 : vector<512x1xi1>, vector<512x1xi32>
      %lt3A_223 = arith.cmpf olt, %select_n3A_219, %select_n3A_221 : vector<512x1xf32>
      %eq3A_224 = arith.cmpf oeq, %select_n3A_219, %select_n3A_221 : vector<512x1xf32>
      %lt3A_225 = arith.cmpi slt, %select_n3A_220, %select_n3A_222 : vector<512x1xi32>
      %and3A_226 = arith.andi %eq3A_224, %lt3A_225 : vector<512x1xi1>
      %or3A_227 = arith.ori %lt3A_223, %and3A_226 : vector<512x1xi1>
      %select_n3A_228 = arith.select %or3A_227, %select_n3A_219, %select_n3A_221 : vector<512x1xi1>, vector<512x1xf32>
      %select_n3A_229 = arith.select %or3A_227, %select_n3A_220, %select_n3A_222 : vector<512x1xi1>, vector<512x1xi32>
      %lt3A_230 = arith.cmpf olt, %broadcast_in_dim3A_187, %while3A_129 : vector<512x1xf32>
      %eq3A_231 = arith.cmpf oeq, %broadcast_in_dim3A_187, %while3A_129 : vector<512x1xf32>
      %lt3A_232 = arith.cmpi slt, %broadcast_in_dim3A_195, %while3A_130 : vector<512x1xi32>
      %and3A_233 = arith.andi %eq3A_231, %lt3A_232 : vector<512x1xi1>
      %or3A_234 = arith.ori %lt3A_230, %and3A_233 : vector<512x1xi1>
      %select_n3A_235 = arith.select %or3A_234, %while3A_129, %broadcast_in_dim3A_187 : vector<512x1xi1>, vector<512x1xf32>
      %select_n3A_236 = arith.select %or3A_234, %while3A_130, %broadcast_in_dim3A_195 : vector<512x1xi1>, vector<512x1xi32>
      %lt3A_237 = arith.cmpf olt, %broadcast_in_dim3A_171, %while3A_131 : vector<512x1xf32>
      %eq3A_238 = arith.cmpf oeq, %broadcast_in_dim3A_171, %while3A_131 : vector<512x1xf32>
      %lt3A_239 = arith.cmpi slt, %broadcast_in_dim3A_179, %while3A_132 : vector<512x1xi32>
      %and3A_240 = arith.andi %eq3A_238, %lt3A_239 : vector<512x1xi1>
      %or3A_241 = arith.ori %lt3A_237, %and3A_240 : vector<512x1xi1>
      %select_n3A_242 = arith.select %or3A_241, %while3A_131, %broadcast_in_dim3A_171 : vector<512x1xi1>, vector<512x1xf32>
      %select_n3A_243 = arith.select %or3A_241, %while3A_132, %broadcast_in_dim3A_179 : vector<512x1xi1>, vector<512x1xi32>
      %lt3A_244 = arith.cmpf olt, %while3A_133, %broadcast_in_dim3A_203 : vector<512x1xf32>
      %eq3A_245 = arith.cmpf oeq, %while3A_133, %broadcast_in_dim3A_203 : vector<512x1xf32>
      %lt3A_246 = arith.cmpi slt, %while3A_134, %broadcast_in_dim3A_211 : vector<512x1xi32>
      %and3A_247 = arith.andi %eq3A_245, %lt3A_246 : vector<512x1xi1>
      %or3A_248 = arith.ori %lt3A_244, %and3A_247 : vector<512x1xi1>
      %select_n3A_249 = arith.select %or3A_248, %while3A_133, %broadcast_in_dim3A_203 : vector<512x1xi1>, vector<512x1xf32>
      %select_n3A_250 = arith.select %or3A_248, %while3A_134, %broadcast_in_dim3A_211 : vector<512x1xi1>, vector<512x1xi32>
      %lt3A_251 = arith.cmpf olt, %select_n3A_235, %select_n3A_242 : vector<512x1xf32>
      %eq3A_252 = arith.cmpf oeq, %select_n3A_235, %select_n3A_242 : vector<512x1xf32>
      %lt3A_253 = arith.cmpi slt, %select_n3A_236, %select_n3A_243 : vector<512x1xi32>
      %and3A_254 = arith.andi %eq3A_252, %lt3A_253 : vector<512x1xi1>
      %or3A_255 = arith.ori %lt3A_251, %and3A_254 : vector<512x1xi1>
      %select_n3A_256 = arith.select %or3A_255, %select_n3A_235, %select_n3A_242 : vector<512x1xi1>, vector<512x1xf32>
      %select_n3A_257 = arith.select %or3A_255, %select_n3A_236, %select_n3A_243 : vector<512x1xi1>, vector<512x1xi32>
      %lt3A_258 = arith.cmpf olt, %select_n3A_249, %select_n3A_256 : vector<512x1xf32>
      %eq3A_259 = arith.cmpf oeq, %select_n3A_249, %select_n3A_256 : vector<512x1xf32>
      %lt3A_260 = arith.cmpi slt, %select_n3A_250, %select_n3A_257 : vector<512x1xi32>
      %and3A_261 = arith.andi %eq3A_259, %lt3A_260 : vector<512x1xi1>
      %or3A_262 = arith.ori %lt3A_258, %and3A_261 : vector<512x1xi1>
      %select_n3A_263 = arith.select %or3A_262, %select_n3A_249, %select_n3A_256 : vector<512x1xi1>, vector<512x1xf32>
      %select_n3A_264 = arith.select %or3A_262, %select_n3A_250, %select_n3A_257 : vector<512x1xi1>, vector<512x1xi32>
      scf.yield %select_n3A_217, %select_n3A_218, %select_n3A_228, %select_n3A_229, %select_n3A_263, %select_n3A_264 : vector<512x1xf32>, vector<512x1xi32>, vector<512x1xf32>, vector<512x1xi32>, vector<512x1xf32>, vector<512x1xi32>
    }
    %add3A_32 = arith.constant 1 : i32
    %add3A_33 = arith.addi %get3A_12, %add3A_32 : i32
    %mul3A_34 = arith.constant 512 : i32
    %mul3A_35 = arith.muli %add3A_33, %mul3A_34 : i32
    %gt3A = arith.constant 0 : i32
    %gt3A_36 = arith.cmpi sgt, %get3A_10, %gt3A : i32
    %jit3A = arith.constant 0 : i32
    %select_n3A = arith.select %gt3A_36, %jit3A, %mul3A_35 : i32
    %broadcast_in_dim3A_37 = arith.constant 1.000000e+00 : f32
    %broadcast_in_dim3A_38 = vector.broadcast %broadcast_in_dim3A_37 : f32 to vector<512x1xf32>
    %broadcast_in_dim3A_39 = arith.constant 1 : i32
    %broadcast_in_dim3A_40 = vector.broadcast %broadcast_in_dim3A_39 : i32 to vector<512x1xi32>
    %add3A_41 = arith.constant 0 : i32
    %add3A_42 = arith.addi %select_n3A, %add3A_41 : i32
    %lt3A = arith.constant 10000 : i32
    %lt3A_43 = arith.cmpi slt, %add3A_42, %lt3A : i32
    %jit3A_44 = arith.constant 1.000000e+20 : f32
    %jit3A_45 = arith.constant 0x7F800000 : f32
    %select_n3A_46 = arith.select %lt3A_43, %jit3A_44, %jit3A_45 : f32
    %mul3A_47 = vector.broadcast %select_n3A_46 : f32 to vector<512x1xf32>
    %mul3A_48 = arith.mulf %mul3A_47, %broadcast_in_dim3A_38 : vector<512x1xf32>
    %mul3A_49 = vector.broadcast %add3A_42 : i32 to vector<512x1xi32>
    %mul3A_50 = arith.muli %mul3A_49, %broadcast_in_dim3A_40 : vector<512x1xi32>
    %add3A_51 = arith.constant 1 : i32
    %add3A_52 = arith.addi %select_n3A, %add3A_51 : i32
    %lt3A_53 = arith.constant 10000 : i32
    %lt3A_54 = arith.cmpi slt, %add3A_52, %lt3A_53 : i32
    %jit3A_55 = arith.constant 1.000000e+20 : f32
    %jit3A_56 = arith.constant 0x7F800000 : f32
    %select_n3A_57 = arith.select %lt3A_54, %jit3A_55, %jit3A_56 : f32
    %mul3A_58 = vector.broadcast %select_n3A_57 : f32 to vector<512x1xf32>
    %mul3A_59 = arith.mulf %mul3A_58, %broadcast_in_dim3A_38 : vector<512x1xf32>
    %mul3A_60 = vector.broadcast %add3A_52 : i32 to vector<512x1xi32>
    %mul3A_61 = arith.muli %mul3A_60, %broadcast_in_dim3A_40 : vector<512x1xi32>
    %add3A_62 = arith.constant 2 : i32
    %add3A_63 = arith.addi %select_n3A, %add3A_62 : i32
    %lt3A_64 = arith.constant 10000 : i32
    %lt3A_65 = arith.cmpi slt, %add3A_63, %lt3A_64 : i32
    %jit3A_66 = arith.constant 1.000000e+20 : f32
    %jit3A_67 = arith.constant 0x7F800000 : f32
    %select_n3A_68 = arith.select %lt3A_65, %jit3A_66, %jit3A_67 : f32
    %mul3A_69 = vector.broadcast %select_n3A_68 : f32 to vector<512x1xf32>
    %mul3A_70 = arith.mulf %mul3A_69, %broadcast_in_dim3A_38 : vector<512x1xf32>
    %mul3A_71 = vector.broadcast %add3A_63 : i32 to vector<512x1xi32>
    %mul3A_72 = arith.muli %mul3A_71, %broadcast_in_dim3A_40 : vector<512x1xi32>
    %lt3A_73 = arith.cmpf olt, %mul3A_48, %while3A_31#0 : vector<512x1xf32>
    %eq3A = arith.cmpf oeq, %mul3A_48, %while3A_31#0 : vector<512x1xf32>
    %lt3A_74 = arith.cmpi slt, %mul3A_50, %while3A_31#1 : vector<512x1xi32>
    %and3A = arith.andi %eq3A, %lt3A_74 : vector<512x1xi1>
    %or3A = arith.ori %lt3A_73, %and3A : vector<512x1xi1>
    %select_n3A_75 = arith.select %or3A, %mul3A_50, %while3A_31#1 : vector<512x1xi1>, vector<512x1xi32>
    %select_n3A_76 = arith.select %or3A, %while3A_31#0, %mul3A_48 : vector<512x1xi1>, vector<512x1xf32>
    %select_n3A_77 = arith.select %or3A, %while3A_31#1, %mul3A_50 : vector<512x1xi1>, vector<512x1xi32>
    %select_n3A_78 = arith.select %or3A, %mul3A_59, %while3A_31#2 : vector<512x1xi1>, vector<512x1xf32>
    %select_n3A_79 = arith.select %or3A, %mul3A_61, %while3A_31#3 : vector<512x1xi1>, vector<512x1xi32>
    %lt3A_80 = arith.cmpf olt, %select_n3A_76, %select_n3A_78 : vector<512x1xf32>
    %eq3A_81 = arith.cmpf oeq, %select_n3A_76, %select_n3A_78 : vector<512x1xf32>
    %lt3A_82 = arith.cmpi slt, %select_n3A_77, %select_n3A_79 : vector<512x1xi32>
    %and3A_83 = arith.andi %eq3A_81, %lt3A_82 : vector<512x1xi1>
    %or3A_84 = arith.ori %lt3A_80, %and3A_83 : vector<512x1xi1>
    %select_n3A_85 = arith.select %or3A_84, %select_n3A_77, %select_n3A_79 : vector<512x1xi1>, vector<512x1xi32>
    %lt3A_86 = arith.cmpf olt, %mul3A_59, %while3A_31#0 : vector<512x1xf32>
    %eq3A_87 = arith.cmpf oeq, %mul3A_59, %while3A_31#0 : vector<512x1xf32>
    %lt3A_88 = arith.cmpi slt, %mul3A_61, %while3A_31#1 : vector<512x1xi32>
    %and3A_89 = arith.andi %eq3A_87, %lt3A_88 : vector<512x1xi1>
    %or3A_90 = arith.ori %lt3A_86, %and3A_89 : vector<512x1xi1>
    %select_n3A_91 = arith.select %or3A_90, %while3A_31#0, %mul3A_59 : vector<512x1xi1>, vector<512x1xf32>
    %select_n3A_92 = arith.select %or3A_90, %while3A_31#1, %mul3A_61 : vector<512x1xi1>, vector<512x1xi32>
    %lt3A_93 = arith.cmpf olt, %mul3A_48, %while3A_31#2 : vector<512x1xf32>
    %eq3A_94 = arith.cmpf oeq, %mul3A_48, %while3A_31#2 : vector<512x1xf32>
    %lt3A_95 = arith.cmpi slt, %mul3A_50, %while3A_31#3 : vector<512x1xi32>
    %and3A_96 = arith.andi %eq3A_94, %lt3A_95 : vector<512x1xi1>
    %or3A_97 = arith.ori %lt3A_93, %and3A_96 : vector<512x1xi1>
    %select_n3A_98 = arith.select %or3A_97, %while3A_31#2, %mul3A_48 : vector<512x1xi1>, vector<512x1xf32>
    %select_n3A_99 = arith.select %or3A_97, %while3A_31#3, %mul3A_50 : vector<512x1xi1>, vector<512x1xi32>
    %lt3A_100 = arith.cmpf olt, %while3A_31#4, %mul3A_70 : vector<512x1xf32>
    %eq3A_101 = arith.cmpf oeq, %while3A_31#4, %mul3A_70 : vector<512x1xf32>
    %lt3A_102 = arith.cmpi slt, %while3A_31#5, %mul3A_72 : vector<512x1xi32>
    %and3A_103 = arith.andi %eq3A_101, %lt3A_102 : vector<512x1xi1>
    %or3A_104 = arith.ori %lt3A_100, %and3A_103 : vector<512x1xi1>
    %select_n3A_105 = arith.select %or3A_104, %while3A_31#4, %mul3A_70 : vector<512x1xi1>, vector<512x1xf32>
    %select_n3A_106 = arith.select %or3A_104, %while3A_31#5, %mul3A_72 : vector<512x1xi1>, vector<512x1xi32>
    %lt3A_107 = arith.cmpf olt, %select_n3A_91, %select_n3A_98 : vector<512x1xf32>
    %eq3A_108 = arith.cmpf oeq, %select_n3A_91, %select_n3A_98 : vector<512x1xf32>
    %lt3A_109 = arith.cmpi slt, %select_n3A_92, %select_n3A_99 : vector<512x1xi32>
    %and3A_110 = arith.andi %eq3A_108, %lt3A_109 : vector<512x1xi1>
    %or3A_111 = arith.ori %lt3A_107, %and3A_110 : vector<512x1xi1>
    %select_n3A_112 = arith.select %or3A_111, %select_n3A_91, %select_n3A_98 : vector<512x1xi1>, vector<512x1xf32>
    %select_n3A_113 = arith.select %or3A_111, %select_n3A_92, %select_n3A_99 : vector<512x1xi1>, vector<512x1xi32>
    %lt3A_114 = arith.cmpf olt, %select_n3A_105, %select_n3A_112 : vector<512x1xf32>
    %eq3A_115 = arith.cmpf oeq, %select_n3A_105, %select_n3A_112 : vector<512x1xf32>
    %lt3A_116 = arith.cmpi slt, %select_n3A_106, %select_n3A_113 : vector<512x1xi32>
    %and3A_117 = arith.andi %eq3A_115, %lt3A_116 : vector<512x1xi1>
    %or3A_118 = arith.ori %lt3A_114, %and3A_117 : vector<512x1xi1>
    %select_n3A_119 = arith.select %or3A_118, %select_n3A_106, %select_n3A_113 : vector<512x1xi1>, vector<512x1xi32>
    %swap3A = arith.constant 0 : index
    %swap3A_120 = arith.constant 0 : index
    %swap3A_121 = vector.load %arg7[%swap3A, %swap3A_120] : memref<512x1xi32, #tpu.memory_space<vmem>>, vector<512x1xi32>
    tpu.vector_store %arg7[%swap3A, %swap3A_120], %select_n3A_75 {strides = array<i32>} : memref<512x1xi32, #tpu.memory_space<vmem>>, vector<512x1xi32>,
    %swap3A_122 = arith.constant 0 : index
    %swap3A_123 = arith.constant 0 : index
    %swap3A_124 = vector.load %arg8[%swap3A_122, %swap3A_123] : memref<512x1xi32, #tpu.memory_space<vmem>>, vector<512x1xi32>
    tpu.vector_store %arg8[%swap3A_122, %swap3A_123], %select_n3A_85 {strides = array<i32>} : memref<512x1xi32, #tpu.memory_space<vmem>>, vector<512x1xi32>,
    %swap3A_125 = arith.constant 0 : index
    %swap3A_126 = arith.constant 0 : index
    %swap3A_127 = vector.load %arg9[%swap3A_125, %swap3A_126] : memref<512x1xi32, #tpu.memory_space<vmem>>, vector<512x1xi32>
    tpu.vector_store %arg9[%swap3A_125, %swap3A_126], %select_n3A_119 {strides = array<i32>} : memref<512x1xi32, #tpu.memory_space<vmem>>, vector<512x1xi32>,
    return
  }
  func.func @transform_0(%arg0: i32, %arg1: memref<20xi32, #tpu.memory_space<smem>>, %arg2: memref<20xi32, #tpu.memory_space<smem>>) -> (i32, i32) {
    %c0_i32 = arith.constant 0 : i32
    %c0_i32_0 = arith.constant 0 : i32
    %c0_i32_1 = arith.constant 0 : i32
    return %c0_i32, %c0_i32_0 : i32, i32
  }
  func.func @transform_1(%arg0: i32, %arg1: memref<20xi32, #tpu.memory_space<smem>>, %arg2: memref<20xi32, #tpu.memory_space<smem>>) -> (i32, i32) {
    %c0_i32 = arith.constant 0 : i32
    %c0_i32_0 = arith.constant 0 : i32
    %c0_i32_1 = arith.constant 0 : i32
    return %c0_i32, %c0_i32_0 : i32, i32
  }
  func.func @transform_2(%arg0: i32, %arg1: memref<20xi32, #tpu.memory_space<smem>>, %arg2: memref<20xi32, #tpu.memory_space<smem>>) -> (i32, i32) {
    %c0_i32 = arith.constant 0 : i32
    %c0_i32_0 = arith.constant 0 : i32
    %c0_i32_1 = arith.constant 0 : i32
    return %c0_i32, %c0_i32_0 : i32, i32
  }
  func.func @transform_3(%arg0: i32, %arg1: memref<20xi32, #tpu.memory_space<smem>>, %arg2: memref<20xi32, #tpu.memory_space<smem>>) -> (i32, i32) {
    %c0_i32 = arith.constant 0 : i32
    %c0_i32_0 = arith.constant 0 : i32
    %c0_i32_1 = arith.constant 0 : i32
    return %c0_i32, %c0_i32_0 : i32, i32
  }
  func.func @transform_4(%arg0: i32, %arg1: memref<20xi32, #tpu.memory_space<smem>>, %arg2: memref<20xi32, #tpu.memory_space<smem>>) -> (i32, i32) {
    %c0_i32 = arith.constant 0 : i32
    %c0_i32_0 = arith.constant 0 : i32
    return %arg0, %c0_i32 : i32, i32
  }
  func.func @transform_5(%arg0: i32, %arg1: memref<20xi32, #tpu.memory_space<smem>>, %arg2: memref<20xi32, #tpu.memory_space<smem>>) -> (i32, i32) {
    %c0_i32 = arith.constant 0 : i32
    %c0_i32_0 = arith.constant 0 : i32
    return %arg0, %c0_i32 : i32, i32
  }
  func.func @transform_6(%arg0: i32, %arg1: memref<20xi32, #tpu.memory_space<smem>>, %arg2: memref<20xi32, #tpu.memory_space<smem>>) -> (i32, i32) {
    %c0_i32 = arith.constant 0 : i32
    %c0_i32_0 = arith.constant 0 : i32
    return %arg0, %c0_i32 : i32, i32
  }
}

module attributes {stable_mosaic.version = 14 : i64} {
  func.func @_ec_pool_body(%arg0: i32, %arg1: i32, %arg2: memref<2000x128xf32, #tpu.memory_space<vmem>>, %arg3: memref<6000x128xf32, #tpu.memory_space<vmem>>, %arg4: memref<128x128xf32, #tpu.memory_space<vmem>>, %arg5: memref<1x128xf32, #tpu.memory_space<vmem>>, %arg6: memref<1x128xf32, #tpu.memory_space<vmem>>, %arg7: memref<1x128xf32, #tpu.memory_space<vmem>>, %arg8: memref<1x1x2000xi32, #tpu.memory_space<vmem>>, %arg9: memref<128x256xf32, #tpu.memory_space<vmem>>, %arg10: memref<1x256xf32, #tpu.memory_space<vmem>>, %arg11: memref<256x1xf32, #tpu.memory_space<vmem>>, %arg12: memref<1x1xf32, #tpu.memory_space<vmem>>, %arg13: memref<6000x128xf32, #tpu.memory_space<vmem>>, %arg14: memref<2000x128xf32, #tpu.memory_space<vmem>>, %arg15: memref<64x1xf32, #tpu.memory_space<vmem>>, %arg16: memref<2000x128xf32, #tpu.memory_space<vmem>>, %arg17: memref<1x128xf32, #tpu.memory_space<vmem>>, %arg18: memref<1x128xf32, #tpu.memory_space<vmem>>, %arg19: memref<64x128xf32, #tpu.memory_space<vmem>>, %arg20: memref<64x1xf32, #tpu.memory_space<vmem>>) attributes {dimension_semantics = [#tpu.dimension_semantics<arbitrary>, #tpu.dimension_semantics<arbitrary>], iteration_bounds = array<i64: 2, 5>, scalar_prefetch = 0 : i64, scratch_operands = 5 : i64, tpu.core_type = #tpu.core_type<tc>, window_params = [{transform_indices = @transform_0, window_bounds = array<i64: 2000, 128>}, {transform_indices = @transform_1, window_bounds = array<i64: 6000, 128>}, {pipeline_mode = #tpu.pipeline_mode<synchronous>, transform_indices = @transform_2, window_bounds = array<i64: 128, 128>}, {pipeline_mode = #tpu.pipeline_mode<synchronous>, transform_indices = @transform_3, window_bounds = array<i64: 1, 128>}, {pipeline_mode = #tpu.pipeline_mode<synchronous>, transform_indices = @transform_4, window_bounds = array<i64: 1, 128>}, {pipeline_mode = #tpu.pipeline_mode<synchronous>, transform_indices = @transform_5, window_bounds = array<i64: 1, 128>}, {transform_indices = @transform_6, window_bounds = array<i64: 1, 1, 2000>}, {pipeline_mode = #tpu.pipeline_mode<synchronous>, transform_indices = @transform_7, window_bounds = array<i64: 128, 256>}, {pipeline_mode = #tpu.pipeline_mode<synchronous>, transform_indices = @transform_8, window_bounds = array<i64: 1, 256>}, {pipeline_mode = #tpu.pipeline_mode<synchronous>, transform_indices = @transform_9, window_bounds = array<i64: 256, 1>}, {pipeline_mode = #tpu.pipeline_mode<synchronous>, transform_indices = @transform_10, window_bounds = array<i64: 1, 1>}, {transform_indices = @transform_11, window_bounds = array<i64: 6000, 128>}, {transform_indices = @transform_12, window_bounds = array<i64: 2000, 128>}, {pipeline_mode = #tpu.pipeline_mode<synchronous>, transform_indices = @transform_13, window_bounds = array<i64: 64, 1>}]} {
    %get3A = arith.constant 0 : index
    %get3A_0 = arith.constant 0 : index
    %get3A_1 = vector.load %arg2[%get3A, %get3A_0] : memref<2000x128xf32, #tpu.memory_space<vmem>>, vector<2000x64xf32>
    %swap3A = arith.constant 0 : index
    %swap3A_2 = arith.constant 0 : index
    %swap3A_3 = vector.load %arg16[%swap3A, %swap3A_2] : memref<2000x128xf32, #tpu.memory_space<vmem>>, vector<2000x64xf32>
    tpu.vector_store %arg16[%swap3A, %swap3A_2], %get3A_1 {strides = array<i32>} : memref<2000x128xf32, #tpu.memory_space<vmem>>, vector<2000x64xf32>,
    %eq3A = arith.constant 0 : i32
    %eq3A_4 = arith.cmpi eq, %arg0, %eq3A : i32
    %convert_element_type3A = arith.extui %eq3A_4 : i1 to i32
    %cond3A = arith.constant 0 : i32
    %cond3A_5 = arith.cmpi ne, %convert_element_type3A, %cond3A : i32
    scf.if %cond3A_5 {
      %eq3A_16 = arith.constant 0 : i32
      %eq3A_17 = arith.cmpi eq, %arg1, %eq3A_16 : i32
      %convert_element_type3A_18 = arith.extui %eq3A_17 : i1 to i32
      %cond3A_19 = arith.constant 0 : i32
      %cond3A_20 = arith.cmpi ne, %convert_element_type3A_18, %cond3A_19 : i32
      scf.if %cond3A_20 {
        %broadcast_in_dim3A_136 = arith.constant 0.000000e+00 : f32
        %broadcast_in_dim3A_137 = vector.broadcast %broadcast_in_dim3A_136 : f32 to vector<1x128xf32>
        %swap3A_138 = arith.constant 0 : index
        %swap3A_139 = arith.constant 0 : index
        %swap3A_140 = vector.load %arg17[%swap3A_138, %swap3A_139] : memref<1x128xf32, #tpu.memory_space<vmem>>, vector<1x128xf32>
        tpu.vector_store %arg17[%swap3A_138, %swap3A_139], %broadcast_in_dim3A_137 {strides = array<i32>} : memref<1x128xf32, #tpu.memory_space<vmem>>, vector<1x128xf32>,
        %broadcast_in_dim3A_141 = arith.constant 0.000000e+00 : f32
        %broadcast_in_dim3A_142 = vector.broadcast %broadcast_in_dim3A_141 : f32 to vector<1x128xf32>
        %swap3A_143 = arith.constant 0 : index
        %swap3A_144 = arith.constant 0 : index
        %swap3A_145 = vector.load %arg18[%swap3A_143, %swap3A_144] : memref<1x128xf32, #tpu.memory_space<vmem>>, vector<1x128xf32>
        tpu.vector_store %arg18[%swap3A_143, %swap3A_144], %broadcast_in_dim3A_142 {strides = array<i32>} : memref<1x128xf32, #tpu.memory_space<vmem>>, vector<1x128xf32>,
      } else {
      }
      %get3A_21 = arith.constant 0 : index
      %get3A_22 = arith.constant 0 : index
      %get3A_23 = tpu.strided_load %arg3[%get3A_21, %get3A_22] {strides = array<i32: 3, 1>} : memref<6000x128xf32, #tpu.memory_space<vmem>>, vector<2000x64xf32>
      %swap3A_24 = arith.constant 0 : index
      %swap3A_25 = arith.constant 64 : index
      %swap3A_26 = vector.load %arg16[%swap3A_24, %swap3A_25] : memref<2000x128xf32, #tpu.memory_space<vmem>>, vector<2000x64xf32>
      tpu.vector_store %arg16[%swap3A_24, %swap3A_25], %get3A_23 {strides = array<i32>} : memref<2000x128xf32, #tpu.memory_space<vmem>>, vector<2000x64xf32>,
      %get3A_27 = arith.constant 0 : index
      %get3A_28 = arith.constant 0 : index
      %get3A_29 = vector.load %arg16[%get3A_27, %get3A_28] : memref<2000x128xf32, #tpu.memory_space<vmem>>, vector<2000x128xf32>
      %get3A_30 = arith.constant 0 : index
      %get3A_31 = arith.constant 0 : index
      %get3A_32 = vector.load %arg4[%get3A_30, %get3A_31] : memref<128x128xf32, #tpu.memory_space<vmem>>, vector<128x128xf32>
      %dot_general3A = arith.constant dense<0.000000e+00> : vector<2000x128xf32>
      %dot_general3A_33 = tpu.matmul %get3A_29, %get3A_32, %dot_general3A {dimension_numbers = #tpu.dot_dimension_numbers<[1], [0], [0], [1], [0, 0, 1, 1], [], []>, transpose_lhs_hint = false} : vector<2000x128xf32>, vector<128x128xf32>, vector<2000x128xf32> -> vector<2000x128xf32>
      %get3A_34 = arith.constant 0 : index
      %get3A_35 = arith.constant 0 : index
      %get3A_36 = vector.load %arg5[%get3A_34, %get3A_35] : memref<1x128xf32, #tpu.memory_space<vmem>>, vector<1x128xf32>
      %add3A = vector.broadcast %get3A_36 : vector<1x128xf32> to vector<2000x128xf32>
      %add3A_37 = arith.addf %dot_general3A_33, %add3A : vector<2000x128xf32>
      %get3A_38 = arith.constant 0 : index
      %get3A_39 = arith.constant 0 : index
      %get3A_40 = vector.load %arg17[%get3A_38, %get3A_39] : memref<1x128xf32, #tpu.memory_space<vmem>>, vector<1x128xf32>
      %reduce_sum3A = arith.constant dense<0.000000e+00> : vector<128xf32>
      %reduce_sum3A_41 = vector.multi_reduction <add>, %add3A_37, %reduce_sum3A [0] : vector<2000x128xf32> to vector<128xf32>
      %broadcast_in_dim3A = vector.shape_cast %reduce_sum3A_41 : vector<128xf32> to vector<1x128xf32>
      %add3A_42 = arith.addf %get3A_40, %broadcast_in_dim3A : vector<1x128xf32>
      %swap3A_43 = arith.constant 0 : index
      %swap3A_44 = arith.constant 0 : index
      %swap3A_45 = vector.load %arg17[%swap3A_43, %swap3A_44] : memref<1x128xf32, #tpu.memory_space<vmem>>, vector<1x128xf32>
      tpu.vector_store %arg17[%swap3A_43, %swap3A_44], %add3A_42 {strides = array<i32>} : memref<1x128xf32, #tpu.memory_space<vmem>>, vector<1x128xf32>,
      %get3A_46 = arith.constant 0 : index
      %get3A_47 = arith.constant 0 : index
      %get3A_48 = vector.load %arg18[%get3A_46, %get3A_47] : memref<1x128xf32, #tpu.memory_space<vmem>>, vector<1x128xf32>
      %mul3A = arith.mulf %add3A_37, %add3A_37 : vector<2000x128xf32>
      %reduce_sum3A_49 = arith.constant dense<0.000000e+00> : vector<128xf32>
      %reduce_sum3A_50 = vector.multi_reduction <add>, %mul3A, %reduce_sum3A_49 [0] : vector<2000x128xf32> to vector<128xf32>
      %broadcast_in_dim3A_51 = vector.shape_cast %reduce_sum3A_50 : vector<128xf32> to vector<1x128xf32>
      %add3A_52 = arith.addf %get3A_48, %broadcast_in_dim3A_51 : vector<1x128xf32>
      %swap3A_53 = arith.constant 0 : index
      %swap3A_54 = arith.constant 0 : index
      %swap3A_55 = vector.load %arg18[%swap3A_53, %swap3A_54] : memref<1x128xf32, #tpu.memory_space<vmem>>, vector<1x128xf32>
      tpu.vector_store %arg18[%swap3A_53, %swap3A_54], %add3A_52 {strides = array<i32>} : memref<1x128xf32, #tpu.memory_space<vmem>>, vector<1x128xf32>,
      %get3A_56 = arith.constant 1 : index
      %get3A_57 = arith.constant 0 : index
      %get3A_58 = tpu.strided_load %arg3[%get3A_56, %get3A_57] {strides = array<i32: 3, 1>} : memref<6000x128xf32, #tpu.memory_space<vmem>>, vector<2000x64xf32>
      %swap3A_59 = arith.constant 0 : index
      %swap3A_60 = arith.constant 64 : index
      %swap3A_61 = vector.load %arg16[%swap3A_59, %swap3A_60] : memref<2000x128xf32, #tpu.memory_space<vmem>>, vector<2000x64xf32>
      tpu.vector_store %arg16[%swap3A_59, %swap3A_60], %get3A_58 {strides = array<i32>} : memref<2000x128xf32, #tpu.memory_space<vmem>>, vector<2000x64xf32>,
      %get3A_62 = arith.constant 0 : index
      %get3A_63 = arith.constant 0 : index
      %get3A_64 = vector.load %arg16[%get3A_62, %get3A_63] : memref<2000x128xf32, #tpu.memory_space<vmem>>, vector<2000x128xf32>
      %get3A_65 = arith.constant 0 : index
      %get3A_66 = arith.constant 0 : index
      %get3A_67 = vector.load %arg4[%get3A_65, %get3A_66] : memref<128x128xf32, #tpu.memory_space<vmem>>, vector<128x128xf32>
      %dot_general3A_68 = arith.constant dense<0.000000e+00> : vector<2000x128xf32>
      %dot_general3A_69 = tpu.matmul %get3A_64, %get3A_67, %dot_general3A_68 {dimension_numbers = #tpu.dot_dimension_numbers<[1], [0], [0], [1], [0, 0, 1, 1], [], []>, transpose_lhs_hint = false} : vector<2000x128xf32>, vector<128x128xf32>, vector<2000x128xf32> -> vector<2000x128xf32>
      %get3A_70 = arith.constant 0 : index
      %get3A_71 = arith.constant 0 : index
      %get3A_72 = vector.load %arg5[%get3A_70, %get3A_71] : memref<1x128xf32, #tpu.memory_space<vmem>>, vector<1x128xf32>
      %add3A_73 = vector.broadcast %get3A_72 : vector<1x128xf32> to vector<2000x128xf32>
      %add3A_74 = arith.addf %dot_general3A_69, %add3A_73 : vector<2000x128xf32>
      %get3A_75 = arith.constant 0 : index
      %get3A_76 = arith.constant 0 : index
      %get3A_77 = vector.load %arg17[%get3A_75, %get3A_76] : memref<1x128xf32, #tpu.memory_space<vmem>>, vector<1x128xf32>
      %reduce_sum3A_78 = arith.constant dense<0.000000e+00> : vector<128xf32>
      %reduce_sum3A_79 = vector.multi_reduction <add>, %add3A_74, %reduce_sum3A_78 [0] : vector<2000x128xf32> to vector<128xf32>
      %broadcast_in_dim3A_80 = vector.shape_cast %reduce_sum3A_79 : vector<128xf32> to vector<1x128xf32>
      %add3A_81 = arith.addf %get3A_77, %broadcast_in_dim3A_80 : vector<1x128xf32>
      %swap3A_82 = arith.constant 0 : index
      %swap3A_83 = arith.constant 0 : index
      %swap3A_84 = vector.load %arg17[%swap3A_82, %swap3A_83] : memref<1x128xf32, #tpu.memory_space<vmem>>, vector<1x128xf32>
      tpu.vector_store %arg17[%swap3A_82, %swap3A_83], %add3A_81 {strides = array<i32>} : memref<1x128xf32, #tpu.memory_space<vmem>>, vector<1x128xf32>,
      %get3A_85 = arith.constant 0 : index
      %get3A_86 = arith.constant 0 : index
      %get3A_87 = vector.load %arg18[%get3A_85, %get3A_86] : memref<1x128xf32, #tpu.memory_space<vmem>>, vector<1x128xf32>
      %mul3A_88 = arith.mulf %add3A_74, %add3A_74 : vector<2000x128xf32>
      %reduce_sum3A_89 = arith.constant dense<0.000000e+00> : vector<128xf32>
      %reduce_sum3A_90 = vector.multi_reduction <add>, %mul3A_88, %reduce_sum3A_89 [0] : vector<2000x128xf32> to vector<128xf32>
      %broadcast_in_dim3A_91 = vector.shape_cast %reduce_sum3A_90 : vector<128xf32> to vector<1x128xf32>
      %add3A_92 = arith.addf %get3A_87, %broadcast_in_dim3A_91 : vector<1x128xf32>
      %swap3A_93 = arith.constant 0 : index
      %swap3A_94 = arith.constant 0 : index
      %swap3A_95 = vector.load %arg18[%swap3A_93, %swap3A_94] : memref<1x128xf32, #tpu.memory_space<vmem>>, vector<1x128xf32>
      tpu.vector_store %arg18[%swap3A_93, %swap3A_94], %add3A_92 {strides = array<i32>} : memref<1x128xf32, #tpu.memory_space<vmem>>, vector<1x128xf32>,
      %get3A_96 = arith.constant 2 : index
      %get3A_97 = arith.constant 0 : index
      %get3A_98 = tpu.strided_load %arg3[%get3A_96, %get3A_97] {strides = array<i32: 3, 1>} : memref<6000x128xf32, #tpu.memory_space<vmem>>, vector<2000x64xf32>
      %swap3A_99 = arith.constant 0 : index
      %swap3A_100 = arith.constant 64 : index
      %swap3A_101 = vector.load %arg16[%swap3A_99, %swap3A_100] : memref<2000x128xf32, #tpu.memory_space<vmem>>, vector<2000x64xf32>
      tpu.vector_store %arg16[%swap3A_99, %swap3A_100], %get3A_98 {strides = array<i32>} : memref<2000x128xf32, #tpu.memory_space<vmem>>, vector<2000x64xf32>,
      %get3A_102 = arith.constant 0 : index
      %get3A_103 = arith.constant 0 : index
      %get3A_104 = vector.load %arg16[%get3A_102, %get3A_103] : memref<2000x128xf32, #tpu.memory_space<vmem>>, vector<2000x128xf32>
      %get3A_105 = arith.constant 0 : index
      %get3A_106 = arith.constant 0 : index
      %get3A_107 = vector.load %arg4[%get3A_105, %get3A_106] : memref<128x128xf32, #tpu.memory_space<vmem>>, vector<128x128xf32>
      %dot_general3A_108 = arith.constant dense<0.000000e+00> : vector<2000x128xf32>
      %dot_general3A_109 = tpu.matmul %get3A_104, %get3A_107, %dot_general3A_108 {dimension_numbers = #tpu.dot_dimension_numbers<[1], [0], [0], [1], [0, 0, 1, 1], [], []>, transpose_lhs_hint = false} : vector<2000x128xf32>, vector<128x128xf32>, vector<2000x128xf32> -> vector<2000x128xf32>
      %get3A_110 = arith.constant 0 : index
      %get3A_111 = arith.constant 0 : index
      %get3A_112 = vector.load %arg5[%get3A_110, %get3A_111] : memref<1x128xf32, #tpu.memory_space<vmem>>, vector<1x128xf32>
      %add3A_113 = vector.broadcast %get3A_112 : vector<1x128xf32> to vector<2000x128xf32>
      %add3A_114 = arith.addf %dot_general3A_109, %add3A_113 : vector<2000x128xf32>
      %get3A_115 = arith.constant 0 : index
      %get3A_116 = arith.constant 0 : index
      %get3A_117 = vector.load %arg17[%get3A_115, %get3A_116] : memref<1x128xf32, #tpu.memory_space<vmem>>, vector<1x128xf32>
      %reduce_sum3A_118 = arith.constant dense<0.000000e+00> : vector<128xf32>
      %reduce_sum3A_119 = vector.multi_reduction <add>, %add3A_114, %reduce_sum3A_118 [0] : vector<2000x128xf32> to vector<128xf32>
      %broadcast_in_dim3A_120 = vector.shape_cast %reduce_sum3A_119 : vector<128xf32> to vector<1x128xf32>
      %add3A_121 = arith.addf %get3A_117, %broadcast_in_dim3A_120 : vector<1x128xf32>
      %swap3A_122 = arith.constant 0 : index
      %swap3A_123 = arith.constant 0 : index
      %swap3A_124 = vector.load %arg17[%swap3A_122, %swap3A_123] : memref<1x128xf32, #tpu.memory_space<vmem>>, vector<1x128xf32>
      tpu.vector_store %arg17[%swap3A_122, %swap3A_123], %add3A_121 {strides = array<i32>} : memref<1x128xf32, #tpu.memory_space<vmem>>, vector<1x128xf32>,
      %get3A_125 = arith.constant 0 : index
      %get3A_126 = arith.constant 0 : index
      %get3A_127 = vector.load %arg18[%get3A_125, %get3A_126] : memref<1x128xf32, #tpu.memory_space<vmem>>, vector<1x128xf32>
      %mul3A_128 = arith.mulf %add3A_114, %add3A_114 : vector<2000x128xf32>
      %reduce_sum3A_129 = arith.constant dense<0.000000e+00> : vector<128xf32>
      %reduce_sum3A_130 = vector.multi_reduction <add>, %mul3A_128, %reduce_sum3A_129 [0] : vector<2000x128xf32> to vector<128xf32>
      %broadcast_in_dim3A_131 = vector.shape_cast %reduce_sum3A_130 : vector<128xf32> to vector<1x128xf32>
      %add3A_132 = arith.addf %get3A_127, %broadcast_in_dim3A_131 : vector<1x128xf32>
      %swap3A_133 = arith.constant 0 : index
      %swap3A_134 = arith.constant 0 : index
      %swap3A_135 = vector.load %arg18[%swap3A_133, %swap3A_134] : memref<1x128xf32, #tpu.memory_space<vmem>>, vector<1x128xf32>
      tpu.vector_store %arg18[%swap3A_133, %swap3A_134], %add3A_132 {strides = array<i32>} : memref<1x128xf32, #tpu.memory_space<vmem>>, vector<1x128xf32>,
    } else {
    }
    %eq3A_6 = arith.constant 1 : i32
    %eq3A_7 = arith.cmpi eq, %arg0, %eq3A_6 : i32
    %convert_element_type3A_8 = arith.extui %eq3A_7 : i1 to i32
    %cond3A_9 = arith.constant 0 : i32
    %cond3A_10 = arith.cmpi ne, %convert_element_type3A_8, %cond3A_9 : i32
    scf.if %cond3A_10 {
      %get3A_16 = arith.constant 0 : index
      %get3A_17 = arith.constant 0 : index
      %get3A_18 = vector.load %arg17[%get3A_16, %get3A_17] : memref<1x128xf32, #tpu.memory_space<vmem>>, vector<1x128xf32>
      %div3A = arith.constant 3.000000e+04 : f32
      %div3A_19 = vector.broadcast %div3A : f32 to vector<1x128xf32>
      %div3A_20 = arith.divf %get3A_18, %div3A_19 : vector<1x128xf32>
      %get3A_21 = arith.constant 0 : index
      %get3A_22 = arith.constant 0 : index
      %get3A_23 = vector.load %arg18[%get3A_21, %get3A_22] : memref<1x128xf32, #tpu.memory_space<vmem>>, vector<1x128xf32>
      %div3A_24 = arith.constant 3.000000e+04 : f32
      %div3A_25 = vector.broadcast %div3A_24 : f32 to vector<1x128xf32>
      %div3A_26 = arith.divf %get3A_23, %div3A_25 : vector<1x128xf32>
      %mul3A = arith.mulf %div3A_20, %div3A_20 : vector<1x128xf32>
      %sub3A = arith.subf %div3A_26, %mul3A : vector<1x128xf32>
      %add3A = arith.constant 9.99999974E-6 : f32
      %add3A_27 = vector.broadcast %add3A : f32 to vector<1x128xf32>
      %add3A_28 = arith.addf %sub3A, %add3A_27 : vector<1x128xf32>
      %sqrt3A = math.sqrt %add3A_28 : vector<1x128xf32>
      %get3A_29 = arith.constant 0 : index
      %get3A_30 = arith.constant 0 : index
      %get3A_31 = vector.load %arg6[%get3A_29, %get3A_30] : memref<1x128xf32, #tpu.memory_space<vmem>>, vector<1x128xf32>
      %get3A_32 = arith.constant 0 : index
      %get3A_33 = arith.constant 0 : index
      %get3A_34 = vector.load %arg7[%get3A_32, %get3A_33] : memref<1x128xf32, #tpu.memory_space<vmem>>, vector<1x128xf32>
      %broadcast_in_dim3A = arith.constant 0.000000e+00 : f32
      %broadcast_in_dim3A_35 = vector.broadcast %broadcast_in_dim3A : f32 to vector<2000x128xf32>
      %get3A_36 = arith.constant 0 : index
      %get3A_37 = arith.constant 0 : index
      %get3A_38 = tpu.strided_load %arg3[%get3A_36, %get3A_37] {strides = array<i32: 3, 1>} : memref<6000x128xf32, #tpu.memory_space<vmem>>, vector<2000x64xf32>
      %swap3A_39 = arith.constant 0 : index
      %swap3A_40 = arith.constant 64 : index
      %swap3A_41 = vector.load %arg16[%swap3A_39, %swap3A_40] : memref<2000x128xf32, #tpu.memory_space<vmem>>, vector<2000x64xf32>
      tpu.vector_store %arg16[%swap3A_39, %swap3A_40], %get3A_38 {strides = array<i32>} : memref<2000x128xf32, #tpu.memory_space<vmem>>, vector<2000x64xf32>,
      %get3A_42 = arith.constant 0 : index
      %get3A_43 = arith.constant 0 : index
      %get3A_44 = vector.load %arg16[%get3A_42, %get3A_43] : memref<2000x128xf32, #tpu.memory_space<vmem>>, vector<2000x128xf32>
      %get3A_45 = arith.constant 0 : index
      %get3A_46 = arith.constant 0 : index
      %get3A_47 = vector.load %arg4[%get3A_45, %get3A_46] : memref<128x128xf32, #tpu.memory_space<vmem>>, vector<128x128xf32>
      %dot_general3A = arith.constant dense<0.000000e+00> : vector<2000x128xf32>
      %dot_general3A_48 = tpu.matmul %get3A_44, %get3A_47, %dot_general3A {dimension_numbers = #tpu.dot_dimension_numbers<[1], [0], [0], [1], [0, 0, 1, 1], [], []>, transpose_lhs_hint = false} : vector<2000x128xf32>, vector<128x128xf32>, vector<2000x128xf32> -> vector<2000x128xf32>
      %get3A_49 = arith.constant 0 : index
      %get3A_50 = arith.constant 0 : index
      %get3A_51 = vector.load %arg5[%get3A_49, %get3A_50] : memref<1x128xf32, #tpu.memory_space<vmem>>, vector<1x128xf32>
      %add3A_52 = vector.broadcast %get3A_51 : vector<1x128xf32> to vector<2000x128xf32>
      %add3A_53 = arith.addf %dot_general3A_48, %add3A_52 : vector<2000x128xf32>
      %sub3A_54 = vector.broadcast %div3A_20 : vector<1x128xf32> to vector<2000x128xf32>
      %sub3A_55 = arith.subf %add3A_53, %sub3A_54 : vector<2000x128xf32>
      %div3A_56 = vector.broadcast %sqrt3A : vector<1x128xf32> to vector<2000x128xf32>
      %div3A_57 = arith.divf %sub3A_55, %div3A_56 : vector<2000x128xf32>
      %mul3A_58 = vector.broadcast %get3A_31 : vector<1x128xf32> to vector<2000x128xf32>
      %mul3A_59 = arith.mulf %div3A_57, %mul3A_58 : vector<2000x128xf32>
      %add3A_60 = vector.broadcast %get3A_34 : vector<1x128xf32> to vector<2000x128xf32>
      %add3A_61 = arith.addf %mul3A_59, %add3A_60 : vector<2000x128xf32>
      %max3A = arith.constant 0.000000e+00 : f32
      %max3A_62 = vector.broadcast %max3A : f32 to vector<2000x128xf32>
      %max3A_63 = arith.maximumf %add3A_61, %max3A_62 : vector<2000x128xf32>
      %swap3A_64 = arith.constant 0 : index
      %swap3A_65 = arith.constant 0 : index
      %swap3A_66 = tpu.strided_load %arg13[%swap3A_64, %swap3A_65] {strides = array<i32: 3, 1>} : memref<6000x128xf32, #tpu.memory_space<vmem>>, vector<2000x128xf32>
      tpu.strided_store %arg13[%swap3A_64, %swap3A_65], %max3A_63 {strides = array<i32: 3, 1>} : memref<6000x128xf32, #tpu.memory_space<vmem>>, vector<2000x128xf32>
      %add3A_67 = arith.addf %broadcast_in_dim3A_35, %max3A_63 : vector<2000x128xf32>
      %get3A_68 = arith.constant 1 : index
      %get3A_69 = arith.constant 0 : index
      %get3A_70 = tpu.strided_load %arg3[%get3A_68, %get3A_69] {strides = array<i32: 3, 1>} : memref<6000x128xf32, #tpu.memory_space<vmem>>, vector<2000x64xf32>
      %swap3A_71 = arith.constant 0 : index
      %swap3A_72 = arith.constant 64 : index
      %swap3A_73 = vector.load %arg16[%swap3A_71, %swap3A_72] : memref<2000x128xf32, #tpu.memory_space<vmem>>, vector<2000x64xf32>
      tpu.vector_store %arg16[%swap3A_71, %swap3A_72], %get3A_70 {strides = array<i32>} : memref<2000x128xf32, #tpu.memory_space<vmem>>, vector<2000x64xf32>,
      %get3A_74 = arith.constant 0 : index
      %get3A_75 = arith.constant 0 : index
      %get3A_76 = vector.load %arg16[%get3A_74, %get3A_75] : memref<2000x128xf32, #tpu.memory_space<vmem>>, vector<2000x128xf32>
      %get3A_77 = arith.constant 0 : index
      %get3A_78 = arith.constant 0 : index
      %get3A_79 = vector.load %arg4[%get3A_77, %get3A_78] : memref<128x128xf32, #tpu.memory_space<vmem>>, vector<128x128xf32>
      %dot_general3A_80 = arith.constant dense<0.000000e+00> : vector<2000x128xf32>
      %dot_general3A_81 = tpu.matmul %get3A_76, %get3A_79, %dot_general3A_80 {dimension_numbers = #tpu.dot_dimension_numbers<[1], [0], [0], [1], [0, 0, 1, 1], [], []>, transpose_lhs_hint = false} : vector<2000x128xf32>, vector<128x128xf32>, vector<2000x128xf32> -> vector<2000x128xf32>
      %get3A_82 = arith.constant 0 : index
      %get3A_83 = arith.constant 0 : index
      %get3A_84 = vector.load %arg5[%get3A_82, %get3A_83] : memref<1x128xf32, #tpu.memory_space<vmem>>, vector<1x128xf32>
      %add3A_85 = vector.broadcast %get3A_84 : vector<1x128xf32> to vector<2000x128xf32>
      %add3A_86 = arith.addf %dot_general3A_81, %add3A_85 : vector<2000x128xf32>
      %sub3A_87 = vector.broadcast %div3A_20 : vector<1x128xf32> to vector<2000x128xf32>
      %sub3A_88 = arith.subf %add3A_86, %sub3A_87 : vector<2000x128xf32>
      %div3A_89 = vector.broadcast %sqrt3A : vector<1x128xf32> to vector<2000x128xf32>
      %div3A_90 = arith.divf %sub3A_88, %div3A_89 : vector<2000x128xf32>
      %mul3A_91 = vector.broadcast %get3A_31 : vector<1x128xf32> to vector<2000x128xf32>
      %mul3A_92 = arith.mulf %div3A_90, %mul3A_91 : vector<2000x128xf32>
      %add3A_93 = vector.broadcast %get3A_34 : vector<1x128xf32> to vector<2000x128xf32>
      %add3A_94 = arith.addf %mul3A_92, %add3A_93 : vector<2000x128xf32>
      %max3A_95 = arith.constant 0.000000e+00 : f32
      %max3A_96 = vector.broadcast %max3A_95 : f32 to vector<2000x128xf32>
      %max3A_97 = arith.maximumf %add3A_94, %max3A_96 : vector<2000x128xf32>
      %swap3A_98 = arith.constant 1 : index
      %swap3A_99 = arith.constant 0 : index
      %swap3A_100 = tpu.strided_load %arg13[%swap3A_98, %swap3A_99] {strides = array<i32: 3, 1>} : memref<6000x128xf32, #tpu.memory_space<vmem>>, vector<2000x128xf32>
      tpu.strided_store %arg13[%swap3A_98, %swap3A_99], %max3A_97 {strides = array<i32: 3, 1>} : memref<6000x128xf32, #tpu.memory_space<vmem>>, vector<2000x128xf32>
      %add3A_101 = arith.addf %add3A_67, %max3A_97 : vector<2000x128xf32>
      %get3A_102 = arith.constant 2 : index
      %get3A_103 = arith.constant 0 : index
      %get3A_104 = tpu.strided_load %arg3[%get3A_102, %get3A_103] {strides = array<i32: 3, 1>} : memref<6000x128xf32, #tpu.memory_space<vmem>>, vector<2000x64xf32>
      %swap3A_105 = arith.constant 0 : index
      %swap3A_106 = arith.constant 64 : index
      %swap3A_107 = vector.load %arg16[%swap3A_105, %swap3A_106] : memref<2000x128xf32, #tpu.memory_space<vmem>>, vector<2000x64xf32>
      tpu.vector_store %arg16[%swap3A_105, %swap3A_106], %get3A_104 {strides = array<i32>} : memref<2000x128xf32, #tpu.memory_space<vmem>>, vector<2000x64xf32>,
      %get3A_108 = arith.constant 0 : index
      %get3A_109 = arith.constant 0 : index
      %get3A_110 = vector.load %arg16[%get3A_108, %get3A_109] : memref<2000x128xf32, #tpu.memory_space<vmem>>, vector<2000x128xf32>
      %get3A_111 = arith.constant 0 : index
      %get3A_112 = arith.constant 0 : index
      %get3A_113 = vector.load %arg4[%get3A_111, %get3A_112] : memref<128x128xf32, #tpu.memory_space<vmem>>, vector<128x128xf32>
      %dot_general3A_114 = arith.constant dense<0.000000e+00> : vector<2000x128xf32>
      %dot_general3A_115 = tpu.matmul %get3A_110, %get3A_113, %dot_general3A_114 {dimension_numbers = #tpu.dot_dimension_numbers<[1], [0], [0], [1], [0, 0, 1, 1], [], []>, transpose_lhs_hint = false} : vector<2000x128xf32>, vector<128x128xf32>, vector<2000x128xf32> -> vector<2000x128xf32>
      %get3A_116 = arith.constant 0 : index
      %get3A_117 = arith.constant 0 : index
      %get3A_118 = vector.load %arg5[%get3A_116, %get3A_117] : memref<1x128xf32, #tpu.memory_space<vmem>>, vector<1x128xf32>
      %add3A_119 = vector.broadcast %get3A_118 : vector<1x128xf32> to vector<2000x128xf32>
      %add3A_120 = arith.addf %dot_general3A_115, %add3A_119 : vector<2000x128xf32>
      %sub3A_121 = vector.broadcast %div3A_20 : vector<1x128xf32> to vector<2000x128xf32>
      %sub3A_122 = arith.subf %add3A_120, %sub3A_121 : vector<2000x128xf32>
      %div3A_123 = vector.broadcast %sqrt3A : vector<1x128xf32> to vector<2000x128xf32>
      %div3A_124 = arith.divf %sub3A_122, %div3A_123 : vector<2000x128xf32>
      %mul3A_125 = vector.broadcast %get3A_31 : vector<1x128xf32> to vector<2000x128xf32>
      %mul3A_126 = arith.mulf %div3A_124, %mul3A_125 : vector<2000x128xf32>
      %add3A_127 = vector.broadcast %get3A_34 : vector<1x128xf32> to vector<2000x128xf32>
      %add3A_128 = arith.addf %mul3A_126, %add3A_127 : vector<2000x128xf32>
      %max3A_129 = arith.constant 0.000000e+00 : f32
      %max3A_130 = vector.broadcast %max3A_129 : f32 to vector<2000x128xf32>
      %max3A_131 = arith.maximumf %add3A_128, %max3A_130 : vector<2000x128xf32>
      %swap3A_132 = arith.constant 2 : index
      %swap3A_133 = arith.constant 0 : index
      %swap3A_134 = tpu.strided_load %arg13[%swap3A_132, %swap3A_133] {strides = array<i32: 3, 1>} : memref<6000x128xf32, #tpu.memory_space<vmem>>, vector<2000x128xf32>
      tpu.strided_store %arg13[%swap3A_132, %swap3A_133], %max3A_131 {strides = array<i32: 3, 1>} : memref<6000x128xf32, #tpu.memory_space<vmem>>, vector<2000x128xf32>
      %add3A_135 = arith.addf %add3A_101, %max3A_131 : vector<2000x128xf32>
      %div3A_136 = arith.constant 3.000000e+00 : f32
      %div3A_137 = vector.broadcast %div3A_136 : f32 to vector<2000x128xf32>
      %div3A_138 = arith.divf %add3A_135, %div3A_137 : vector<2000x128xf32>
      %swap3A_139 = arith.constant 0 : index
      %swap3A_140 = arith.constant 0 : index
      %swap3A_141 = vector.load %arg14[%swap3A_139, %swap3A_140] : memref<2000x128xf32, #tpu.memory_space<vmem>>, vector<2000x128xf32>
      tpu.vector_store %arg14[%swap3A_139, %swap3A_140], %div3A_138 {strides = array<i32>} : memref<2000x128xf32, #tpu.memory_space<vmem>>, vector<2000x128xf32>,
    } else {
    }
    %eq3A_11 = arith.constant 1 : i32
    %eq3A_12 = arith.cmpi eq, %arg0, %eq3A_11 : i32
    %convert_element_type3A_13 = arith.extui %eq3A_12 : i1 to i32
    %cond3A_14 = arith.constant 0 : i32
    %cond3A_15 = arith.cmpi ne, %convert_element_type3A_13, %cond3A_14 : i32
    scf.if %cond3A_15 {
      %eq3A_16 = arith.constant 0 : i32
      %eq3A_17 = arith.cmpi eq, %arg1, %eq3A_16 : i32
      %convert_element_type3A_18 = arith.extui %eq3A_17 : i1 to i32
      %cond3A_19 = arith.constant 0 : i32
      %cond3A_20 = arith.cmpi ne, %convert_element_type3A_18, %cond3A_19 : i32
      scf.if %cond3A_20 {
        %broadcast_in_dim3A_53 = arith.constant 0.000000e+00 : f32
        %broadcast_in_dim3A_54 = vector.broadcast %broadcast_in_dim3A_53 : f32 to vector<64x128xf32>
        %swap3A_55 = arith.constant 0 : index
        %swap3A_56 = arith.constant 0 : index
        %swap3A_57 = vector.load %arg19[%swap3A_55, %swap3A_56] : memref<64x128xf32, #tpu.memory_space<vmem>>, vector<64x128xf32>
        tpu.vector_store %arg19[%swap3A_55, %swap3A_56], %broadcast_in_dim3A_54 {strides = array<i32>} : memref<64x128xf32, #tpu.memory_space<vmem>>, vector<64x128xf32>,
        %broadcast_in_dim3A_58 = arith.constant 0.000000e+00 : f32
        %broadcast_in_dim3A_59 = vector.broadcast %broadcast_in_dim3A_58 : f32 to vector<64x1xf32>
        %swap3A_60 = arith.constant 0 : index
        %swap3A_61 = arith.constant 0 : index
        %swap3A_62 = vector.load %arg20[%swap3A_60, %swap3A_61] : memref<64x1xf32, #tpu.memory_space<vmem>>, vector<64x1xf32>
        tpu.vector_store %arg20[%swap3A_60, %swap3A_61], %broadcast_in_dim3A_59 {strides = array<i32>} : memref<64x1xf32, #tpu.memory_space<vmem>>, vector<64x1xf32>,
      } else {
      }
      %get3A_21 = arith.constant 0 : index
      %get3A_22 = arith.constant 0 : index
      %get3A_23 = vector.load %arg14[%get3A_21, %get3A_22] : memref<2000x128xf32, #tpu.memory_space<vmem>>, vector<2000x128xf32>
      %iota3A = tpu.iota {dimensions = array<i32: 0>} : vector<64x2000xi32>
      %get3A_24 = arith.constant 0 : index
      %get3A_25 = arith.constant 0 : index
      %get3A_26 = arith.constant 0 : index
      %get3A_27 = vector.load %arg8[%get3A_24, %get3A_25, %get3A_26] : memref<1x1x2000xi32, #tpu.memory_space<vmem>>, vector<1x1x2000xi32>
      %reshape3A = vector.shape_cast %get3A_27 : vector<1x1x2000xi32> to vector<1x2000xi32>
      %eq3A_28 = vector.broadcast %reshape3A : vector<1x2000xi32> to vector<64x2000xi32>
      %eq3A_29 = arith.cmpi eq, %iota3A, %eq3A_28 : vector<64x2000xi32>
      %jit3A = arith.constant 1.000000e+00 : f32
      %jit3A_30 = arith.constant 0.000000e+00 : f32
      %broadcast_in_dim3A = vector.broadcast %jit3A : f32 to vector<64x2000xf32>
      %broadcast_in_dim3A_31 = vector.broadcast %jit3A_30 : f32 to vector<64x2000xf32>
      %select_n3A = arith.select %eq3A_29, %broadcast_in_dim3A, %broadcast_in_dim3A_31 : vector<64x2000xi1>, vector<64x2000xf32>
      %get3A_32 = arith.constant 0 : index
      %get3A_33 = arith.constant 0 : index
      %get3A_34 = vector.load %arg19[%get3A_32, %get3A_33] : memref<64x128xf32, #tpu.memory_space<vmem>>, vector<64x128xf32>
      %dot_general3A = arith.constant dense<0.000000e+00> : vector<64x128xf32>
      %dot_general3A_35 = tpu.matmul %select_n3A, %get3A_23, %dot_general3A {dimension_numbers = #tpu.dot_dimension_numbers<[1], [0], [0], [1], [0, 0, 1, 1], [], []>, precision = #tpu.contract_precision<fp32>, transpose_lhs_hint = false} : vector<64x2000xf32>, vector<2000x128xf32>, vector<64x128xf32> -> vector<64x128xf32>
      %add3A = arith.addf %get3A_34, %dot_general3A_35 : vector<64x128xf32>
      %swap3A_36 = arith.constant 0 : index
      %swap3A_37 = arith.constant 0 : index
      %swap3A_38 = vector.load %arg19[%swap3A_36, %swap3A_37] : memref<64x128xf32, #tpu.memory_space<vmem>>, vector<64x128xf32>
      tpu.vector_store %arg19[%swap3A_36, %swap3A_37], %add3A {strides = array<i32>} : memref<64x128xf32, #tpu.memory_space<vmem>>, vector<64x128xf32>,
      %get3A_39 = arith.constant 0 : index
      %get3A_40 = arith.constant 0 : index
      %get3A_41 = vector.load %arg20[%get3A_39, %get3A_40] : memref<64x1xf32, #tpu.memory_space<vmem>>, vector<64x1xf32>
      %reduce_sum3A = arith.constant dense<0.000000e+00> : vector<64xf32>
      %reduce_sum3A_42 = vector.multi_reduction <add>, %select_n3A, %reduce_sum3A [1] : vector<64x2000xf32> to vector<64xf32>
      %broadcast_in_dim3A_43 = vector.shape_cast %reduce_sum3A_42 : vector<64xf32> to vector<64x1xf32>
      %add3A_44 = arith.addf %get3A_41, %broadcast_in_dim3A_43 : vector<64x1xf32>
      %swap3A_45 = arith.constant 0 : index
      %swap3A_46 = arith.constant 0 : index
      %swap3A_47 = vector.load %arg20[%swap3A_45, %swap3A_46] : memref<64x1xf32, #tpu.memory_space<vmem>>, vector<64x1xf32>
      tpu.vector_store %arg20[%swap3A_45, %swap3A_46], %add3A_44 {strides = array<i32>} : memref<64x1xf32, #tpu.memory_space<vmem>>, vector<64x1xf32>,
      %eq3A_48 = arith.constant 4 : i32
      %eq3A_49 = arith.cmpi eq, %arg1, %eq3A_48 : i32
      %convert_element_type3A_50 = arith.extui %eq3A_49 : i1 to i32
      %cond3A_51 = arith.constant 0 : i32
      %cond3A_52 = arith.cmpi ne, %convert_element_type3A_50, %cond3A_51 : i32
      scf.if %cond3A_52 {
        %get3A_53 = arith.constant 0 : index
        %get3A_54 = arith.constant 0 : index
        %get3A_55 = vector.load %arg19[%get3A_53, %get3A_54] : memref<64x128xf32, #tpu.memory_space<vmem>>, vector<64x128xf32>
        %get3A_56 = arith.constant 0 : index
        %get3A_57 = arith.constant 0 : index
        %get3A_58 = vector.load %arg20[%get3A_56, %get3A_57] : memref<64x1xf32, #tpu.memory_space<vmem>>, vector<64x1xf32>
        %max3A = arith.constant 1.000000e+00 : f32
        %max3A_59 = vector.broadcast %max3A : f32 to vector<64x1xf32>
        %max3A_60 = arith.maximumf %get3A_58, %max3A_59 : vector<64x1xf32>
        %div3A = vector.broadcast %max3A_60 : vector<64x1xf32> to vector<64x128xf32>
        %div3A_61 = arith.divf %get3A_55, %div3A : vector<64x128xf32>
        %get3A_62 = arith.constant 0 : index
        %get3A_63 = arith.constant 0 : index
        %get3A_64 = vector.load %arg9[%get3A_62, %get3A_63] : memref<128x256xf32, #tpu.memory_space<vmem>>, vector<128x256xf32>
        %dot_general3A_65 = arith.constant dense<0.000000e+00> : vector<64x256xf32>
        %dot_general3A_66 = tpu.matmul %div3A_61, %get3A_64, %dot_general3A_65 {dimension_numbers = #tpu.dot_dimension_numbers<[1], [0], [0], [1], [0, 0, 1, 1], [], []>, transpose_lhs_hint = false} : vector<64x128xf32>, vector<128x256xf32>, vector<64x256xf32> -> vector<64x256xf32>
        %get3A_67 = arith.constant 0 : index
        %get3A_68 = arith.constant 0 : index
        %get3A_69 = vector.load %arg10[%get3A_67, %get3A_68] : memref<1x256xf32, #tpu.memory_space<vmem>>, vector<1x256xf32>
        %add3A_70 = vector.broadcast %get3A_69 : vector<1x256xf32> to vector<64x256xf32>
        %add3A_71 = arith.addf %dot_general3A_66, %add3A_70 : vector<64x256xf32>
        %get3A_72 = arith.constant 0 : index
        %get3A_73 = arith.constant 0 : index
        %get3A_74 = vector.load %arg11[%get3A_72, %get3A_73] : memref<256x1xf32, #tpu.memory_space<vmem>>, vector<256x1xf32>
        %dot_general3A_75 = arith.constant dense<0.000000e+00> : vector<64x1xf32>
        %dot_general3A_76 = tpu.matmul %add3A_71, %get3A_74, %dot_general3A_75 {dimension_numbers = #tpu.dot_dimension_numbers<[1], [0], [0], [1], [0, 0, 1, 1], [], []>, transpose_lhs_hint = false} : vector<64x256xf32>, vector<256x1xf32>, vector<64x1xf32> -> vector<64x1xf32>
        %get3A_77 = arith.constant 0 : index
        %get3A_78 = arith.constant 0 : index
        %get3A_79 = vector.load %arg12[%get3A_77, %get3A_78] : memref<1x1xf32, #tpu.memory_space<vmem>>, vector<1x1xf32>
        %add3A_80 = vector.broadcast %get3A_79 : vector<1x1xf32> to vector<64x1xf32>
        %add3A_81 = arith.addf %dot_general3A_76, %add3A_80 : vector<64x1xf32>
        %swap3A_82 = arith.constant 0 : index
        %swap3A_83 = arith.constant 0 : index
        %swap3A_84 = vector.load %arg15[%swap3A_82, %swap3A_83] : memref<64x1xf32, #tpu.memory_space<vmem>>, vector<64x1xf32>
        tpu.vector_store %arg15[%swap3A_82, %swap3A_83], %add3A_81 {strides = array<i32>} : memref<64x1xf32, #tpu.memory_space<vmem>>, vector<64x1xf32>,
      } else {
      }
    } else {
    }
    return
  }
  func.func @transform_0(%arg0: i32, %arg1: i32) -> (i32, i32) {
    %c0_i32 = arith.constant 0 : i32
    %c0_i32_0 = arith.constant 0 : i32
    return %arg1, %c0_i32 : i32, i32
  }
  func.func @transform_1(%arg0: i32, %arg1: i32) -> (i32, i32) {
    %c0_i32 = arith.constant 0 : i32
    %c0_i32_0 = arith.constant 0 : i32
    return %arg1, %c0_i32 : i32, i32
  }
  func.func @transform_2(%arg0: i32, %arg1: i32) -> (i32, i32) {
    %c0_i32 = arith.constant 0 : i32
    %c0_i32_0 = arith.constant 0 : i32
    %c0_i32_1 = arith.constant 0 : i32
    return %c0_i32, %c0_i32_0 : i32, i32
  }
  func.func @transform_3(%arg0: i32, %arg1: i32) -> (i32, i32) {
    %c0_i32 = arith.constant 0 : i32
    %c0_i32_0 = arith.constant 0 : i32
    %c0_i32_1 = arith.constant 0 : i32
    return %c0_i32, %c0_i32_0 : i32, i32
  }
  func.func @transform_4(%arg0: i32, %arg1: i32) -> (i32, i32) {
    %c0_i32 = arith.constant 0 : i32
    %c0_i32_0 = arith.constant 0 : i32
    %c0_i32_1 = arith.constant 0 : i32
    return %c0_i32, %c0_i32_0 : i32, i32
  }
  func.func @transform_5(%arg0: i32, %arg1: i32) -> (i32, i32) {
    %c0_i32 = arith.constant 0 : i32
    %c0_i32_0 = arith.constant 0 : i32
    %c0_i32_1 = arith.constant 0 : i32
    return %c0_i32, %c0_i32_0 : i32, i32
  }
  func.func @transform_6(%arg0: i32, %arg1: i32) -> (i32, i32, i32) {
    %c0_i32 = arith.constant 0 : i32
    %c0_i32_0 = arith.constant 0 : i32
    %c0_i32_1 = arith.constant 0 : i32
    return %arg1, %c0_i32, %c0_i32_0 : i32, i32, i32
  }
  func.func @transform_7(%arg0: i32, %arg1: i32) -> (i32, i32) {
    %c0_i32 = arith.constant 0 : i32
    %c0_i32_0 = arith.constant 0 : i32
    %c0_i32_1 = arith.constant 0 : i32
    return %c0_i32, %c0_i32_0 : i32, i32
  }
  func.func @transform_8(%arg0: i32, %arg1: i32) -> (i32, i32) {
    %c0_i32 = arith.constant 0 : i32
    %c0_i32_0 = arith.constant 0 : i32
    %c0_i32_1 = arith.constant 0 : i32
    return %c0_i32, %c0_i32_0 : i32, i32
  }
  func.func @transform_9(%arg0: i32, %arg1: i32) -> (i32, i32) {
    %c0_i32 = arith.constant 0 : i32
    %c0_i32_0 = arith.constant 0 : i32
    %c0_i32_1 = arith.constant 0 : i32
    return %c0_i32, %c0_i32_0 : i32, i32
  }
  func.func @transform_10(%arg0: i32, %arg1: i32) -> (i32, i32) {
    %c0_i32 = arith.constant 0 : i32
    %c0_i32_0 = arith.constant 0 : i32
    %c0_i32_1 = arith.constant 0 : i32
    return %c0_i32, %c0_i32_0 : i32, i32
  }
  func.func @transform_11(%arg0: i32, %arg1: i32) -> (i32, i32) {
    %c0_i32 = arith.constant 0 : i32
    %c0_i32_0 = arith.constant 0 : i32
    return %arg1, %c0_i32 : i32, i32
  }
  func.func @transform_12(%arg0: i32, %arg1: i32) -> (i32, i32) {
    %c0_i32 = arith.constant 0 : i32
    %c0_i32_0 = arith.constant 0 : i32
    return %arg1, %c0_i32 : i32, i32
  }
  func.func @transform_13(%arg0: i32, %arg1: i32) -> (i32, i32) {
    %c0_i32 = arith.constant 0 : i32
    %c0_i32_0 = arith.constant 0 : i32
    %c0_i32_1 = arith.constant 0 : i32
    return %c0_i32, %c0_i32_0 : i32, i32
  }
}

</mosaic_0001>

<sc_bundles>
// kernel: kernel.11.cloned.1.call-start
scs
__scs_entry_jumppad:
0x0: {  	(pc) =	sbr.rel $0x88, $3  }
0x1: {  	(tag) =	ssettag $0x0;
	lr =	simm.s32 $0x1  }
0x2: {  	[smem:$0x3F93] =	sst lr;
	_ =	strace $0xD0000000  }
0x3: {  	_ = 	snop  }
0x4: {  	_ = 	snop  }
0x5: {  	_ = 	snop  }
0x6: {  	_ = 	snop  }
0x7: {  	_ = 	snop  }
__scs_overlays_trampoline_lowered:
0x8: {  	[smem:$0x3FA2] =	sst s0  }
0x9: {  	[smem:$0x3FA3] =	sst s1  }
0xa: {  	[smem:$0x3FA4] =	sst s2  }
0xb: {  	[smem:$0x3FA5] =	sst s3  }
0xc: {  	[smem:$0x3FA6] =	sst s4  }
0xd: {  	[smem:$0x3FA7] =	sst s5  }
0xe: {  	[smem:$0x3FA8] =	sst s6  }
0xf: {  	[smem:$0x3FA9] =	sst s7  }
0x10: {  	[smem:$0x3FAA] =	sst s8  }
0x11: {  	[smem:$0x3FAB] =	sst s9;
	s0 =	simm.s32 @!p0 $0x0  }
0x12: {  	s1 =	sld [smem:$0x3F91];
	s0 =	simm.s32 @p0 $0x1  }
0x13: {  	[smem:$0x3FAC] =	sst s0;
	s0 =	simm.s32 @!p1 $0x0  }
0x14: {  	s2 =	sld [smem:$0x3F90];
	s0 =	simm.s32 @p1 $0x1  }
0x15: {  	[smem:$0x3FAD] =	sst s0;
	s0 =	simm.s32 @!p2 $0x0  }
0x16: {  	s3 =	sld [smem:$0x3FDB];
	s0 =	simm.s32 @p2 $0x1  }
0x17: {  	s4 =	simm.s32 $0x1BF5;
	[smem:$0x3FAF] =	sst s0  }
0x18: {  	s0 =	sld [smem:$0x3F92];
	_ =	swait.ge [sflag:s4], $0x0  }
0x19: {  	s7 =	sld [smem:$0x3F93]  }
0x1a: {  	s8 =	sadd.s32 $0xFFFFE003, lr  }
0x1b: {  	s9 =	sadd.s32 $0xFFFFFEF7, lr;
	s5 =	simm.s32 $0xFFFFFFFF;
	p2 =	slt.u32 s8, $0xFFFFF086  }
0x1c: {  	p1 =	slt.u32 s9, $0xF7A;
	s5 =	simm.s32 @!p2 $0x0  }
0x1d: {  	s5 =	simm.s32 @p1 $0x1;
	p0 =	seq.s32 s7, s2  }
0x1e: {  	s7 =	smul.u32 @!p0 $0xF7A, s2;
	p2 =	seq.s32 @!p0 s5, $0x0  }
0x1f: {  	s9 =	smul.u32 $0xF7A, s1;
	s8 =	simm.s32 @!p0 $0x1BF5;
	p2 =	por !p2, p0  }
0x20: {  	[sflag:s8] =	ssyncset.s32 @!p0 $0xFFFFF086;
	s6 =	sadd.s32 @!p0 s3, s7;
	s7 =	simm.s32 @!p0 $0x108  }
0x21: {  	s3 =	sadd.s32 s3, s9;
	s6 =	sadd.s32 @!p0 $0x88, s6;
	s7 =	simm.s32 @p2 $0x1082  }
0x22: {  	[simem:s7], [sflag:s8] =	dma.local @!p0 [hbm:s6], $0xF7A  }
0x23: {  	s9 =	sor.u32 $0xD0000000, s2;
	s6 =	simm.s32 $0x108;
	_ =	swait.ge @!p0 [sflag:s8], $0x0  }
0x24: {  	s3 =	sadd.s32 $0x88, s3;
	s6 =	simm.s32 @!p1 $0x1082;
	[sflag:s4] =	ssyncset.s32 $0xFFFFF086  }
0x25: {  	[simem:s6], [sflag:s4] =	dma.local [hbm:s3], $0xF7A  }
0x26: {  	[smem:$0x3F93] =	sst s1;
	(tag) =	ssettag s2;
	_ =	strace s9  }
0x27: {  	s1 =	sld [smem:$0x3FA3]  }
0x28: {  	s2 =	sld [smem:$0x3FA4]  }
0x29: {  	s4 =	sld [smem:$0x3FA6]  }
0x2a: {  	p0 =	seq.s32 s5, $0x0;
	s5 =	sld [smem:$0x3FA7]  }
0x2b: {  	s6 =	sld [smem:$0x3FA8]  }
0x2c: {  	s7 =	sld [smem:$0x3FA9]  }
0x2d: {  	s3 =	simm.s32 $0x108;
	s8 =	sld [smem:$0x3FAA]  }
0x2e: {  	s3 =	simm.s32 @!p0 $0x1082;
	s9 =	sld [smem:$0x3FAB]  }
0x2f: {  	lr =	sadd.s32 s0, s3;
	s0 =	sld [smem:$0x3FA2]  }
0x30: {  	s3 =	sld [smem:$0x3FA5]  }
0x31: {  	[smem:$0x3FAE] =	sst s10  }
0x32: {  	s10 =	sld [smem:$0x3FAC];
	_ =	sdelay $0x3  }
0x33: {  	p0 =	seq.s32 s10, $0x1;
	s10 =	sld [smem:$0x3FAE];
	_ =	sdelay $0x3  }
0x34: {  	[smem:$0x3FAE] =	sst s10  }
0x35: {  	s10 =	sld [smem:$0x3FAD];
	_ =	sdelay $0x3  }
0x36: {  	p1 =	seq.s32 s10, $0x1;
	s10 =	sld [smem:$0x3FAE];
	_ =	sdelay $0x3  }
0x37: {  	[smem:$0x3FAE] =	sst s10  }
0x38: {  	s10 =	sld [smem:$0x3FAF]  }
0x39: {  	_ = 	snop;
	(pc) =	sbr.ind lr, $3  }
0x3a: {  	_ = 	snop  }
0x3b: {  	_ = 	snop  }
0x3c: {  	p2 =	seq.s32 s10, $0x1;
	s10 =	sld [smem:$0x3FAE]  }
0x3d: {  	_ =	shalt  }
0x3e: {  	_ =	shalt  }
0x3f: {  	_ =	shalt  }
0x40: {  	_ =	shalt  }
0x41: {  	_ =	shalt  }
0x42: {  	_ =	shalt  }
0x43: {  	_ =	shalt  }
0x44: {  	_ =	shalt  }
0x45: {  	_ =	shalt  }
0x46: {  	_ =	shalt  }
0x47: {  	_ =	shalt  }
0x48: {  	_ =	shalt  }
0x49: {  	_ =	shalt  }
0x4a: {  	_ =	shalt  }
0x4b: {  	_ =	shalt  }
0x4c: {  	_ =	shalt  }
0x4d: {  	_ =	shalt  }
0x4e: {  	_ =	shalt  }
0x4f: {  	_ =	shalt  }
0x50: {  	_ =	shalt  }
0x51: {  	_ =	shalt  }
0x52: {  	_ =	shalt  }
0x53: {  	_ =	shalt  }
0x54: {  	_ =	shalt  }
0x55: {  	_ =	shalt  }
0x56: {  	_ =	shalt  }
0x57: {  	_ =	shalt  }
0x58: {  	_ =	shalt  }
0x59: {  	_ =	shalt  }
0x5a: {  	_ =	shalt  }
0x5b: {  	_ =	shalt  }
0x5c: {  	_ =	shalt  }
0x5d: {  	_ =	shalt  }
0x5e: {  	_ =	shalt  }
0x5f: {  	_ =	shalt  }
0x60: {  	_ =	shalt  }
0x61: {  	_ =	shalt  }
0x62: {  	_ =	shalt  }
0x63: {  	_ =	shalt  }
0x64: {  	_ =	shalt  }
0x65: {  	_ =	shalt  }
0x66: {  	_ =	shalt  }
0x67: {  	_ =	shalt  }
0x68: {  	_ =	shalt  }
0x69: {  	_ =	shalt  }
0x6a: {  	_ =	shalt  }
0x6b: {  	_ =	shalt  }
0x6c: {  	_ =	shalt  }
0x6d: {  	_ =	shalt  }
0x6e: {  	_ =	shalt  }
0x6f: {  	_ =	shalt  }
0x70: {  	_ =	shalt  }
0x71: {  	_ =	shalt  }
0x72: {  	_ =	shalt  }
0x73: {  	_ =	shalt  }
0x74: {  	_ =	shalt  }
0x75: {  	_ =	shalt  }
0x76: {  	_ =	shalt  }
0x77: {  	_ =	shalt  }
0x78: {  	_ =	shalt  }
0x79: {  	_ =	shalt  }
0x7a: {  	_ =	shalt  }
0x7b: {  	_ =	shalt  }
0x7c: {  	_ =	shalt  }
0x7d: {  	_ =	shalt  }
0x7e: {  	_ =	shalt  }
0x7f: {  	_ =	shalt  }
0x80: {  	_ =	shalt  }
0x81: {  	_ =	shalt  }
0x82: {  	_ =	shalt  }
0x83: {  	_ =	shalt  }
0x84: {  	_ =	shalt  }
0x85: {  	_ =	shalt  }
0x86: {  	_ =	shalt  }
0x87: {  	_ =	shalt  }
.Lfunc_end0:
.L_simem_size_0:
called_computation.1_lowered:
.L_overlay_start_0:
0x88: {  	s2 =	sld [smem:$0x3FD9]  }
0x89: {  	s3 =	sld [smem:$0x3FFE];
	_ =	sdelay $0x1  }
0x8a: {  	s1 =	srdreg.scid  }
0x8b: {  	s0 =	sand.u32 $0x1, s1  }
0x8c: {  	s14 =	sshll.u32 s0, $0xA;
	s2 =	sadd.s32 s3, s2  }
0x8d: {  	s2 =	sadd.s32 s2, s14  }
0x8e: {  	[smem:$0x3FBA] =	sst s2  }
0x8f: {  	_ = 	snop  }
0x90: {  	s2 =	sld [smem:$0x3FD0];
	_ =	sdelay $0x2  }
0x91: {  	s15 =	simm.s32 $0xA;
	s4 =	simm.s32 $0x10  }
0x92: {  	[smem:s4], [sflag:s15] =	dma.local [hbm:s2], $0x1  }
0x93: {  	_ =	swait.eq [sflag:s15], $0x1  }
0x94: {  	[sflag:s15] =	ssyncset.done $0x0  }
0x95: {  	[sflag:s15] =	ssyncadd.s32 $0xFFFFFFFF  }
0x96: {  	s16 =	sld [smem:$0x14];
	(tm) =	ssettm $0x1  }
0x97: {  	s17 =	sld [smem:$0x3FFB];
	_ =	sdelay $0x3  }
0x98: {  	_ =	strace s17  }
0x99: {  	s3 =	sld [smem:$0x3FFC];
	_ =	sdelay $0x3  }
0x9a: {  	_ =	strace s3  }
0x9b: {  	s3 =	sld [smem:$0x3FFD];
	_ =	sdelay $0x3  }
0x9c: {  	_ =	strace s3  }
0x9d: {  	_ =	strace $0x8FFFFFFF  }
0x9e: {  	s18 =	sld [smem:$0x3FDB];
	_ =	sdelay $0x1  }
0x9f: {  	s19 =	simm.s32 $_scs_section_size  }
0xa0: {  	s5 =	simm.s32 $_size__tile_overlayer_lowered;
	s6 =	simm.s32 $_tile_overlayer_lowered  }
0xa1: {  	s22 =	simm.s32 $0x1BFF;
	s21 =	sshll.u32 s6, $0x1;
	s3 =	sadd.s32 s19, s18  }
0xa2: {  	s7 =	simm.s32 $0x0;
	s20 =	sshll.u32 s5, $0x1;
	s5 =	sadd.s32 s21, s3  }
0xa3: {  	[timem:s7], [sflag:s22] =	dma.local [hbm:s5], s20  }
0xa4: {  	_ =	swait.ge [sflag:s22], s20  }
0xa5: {  	s4 =	ssub.s32 $0x0, s20;
	[sflag:s22] =	ssyncset.done $0x0  }
0xa6: {  	[sflag:s22] =	ssyncadd.s32 s4;
	_ =	sdelay $0x1  }
0xa7: {  	s23 =	simm.s32 $0x1B8B  }
0xa8: {  	_ =	swait.ge [sflag:s23], $0x1  }
0xa9: {  	[sflag:s23] =	ssyncset.done $0x0  }
0xaa: {  	s25 =	simm.s32 $0x1B8E;
	s24 =	sld [smem:$0x3FFE];
	[sflag:s23] =	ssyncadd.s32 $0xFFFFFFFF  }
0xab: {  	s26 =	simm.s32 $execute0_lowered;
	[smem:$0x3FD2] =	sst s25  }
0xac: {  	s5 =	sshll.u32 s26, $0x1;
	_ =	strace $0x80000049;
	[dreg:$0x1] =	wrdreg $0xFFFFFFFF  }
0xad: {  	s28 =	simm.s32 $_size_execute0_lowered;
	s3 =	sadd.s32 s3, s5;
	[dreg:$0x0] =	wrdreg $0x0  }
0xae: {  	s5 =	sshll.u32 s28, $0x1;
	[dreg:$0x2] =	wrdreg s3  }
0xaf: {  	[dreg:$0x3] =	wrdreg s5  }
0xb0: {  	[dreg:$0x4] =	wrdreg $0xC0  }
0xb1: {  	_ =	task [dreg:s7], $0x5FFFF  }
0xb2: {  	[dreg:$0x1] =	wrdreg $0xFFFFFFFF  }
0xb3: {  	[dreg:$0x0] =	wrdreg $0x60  }
0xb4: {  	[dreg:$0x2] =	wrdreg s16  }
0xb5: {  	[dreg:$0x3] =	wrdreg s24  }
0xb6: {  	[dreg:$0x4] =	wrdreg $0x9  }
0xb7: {  	_ =	task.clear_ibuf [dreg:s7], $0x5FFFF;
	_ =	strace $0x90000049  }
0xb8: {  	s29 =	simm.s32 $0x9;
	_ =	strace $0x8000004B  }
0xb9: {  	_ =	swait.ge [sflag:s29], $0x1  }
0xba: {  	[sflag:s29] =	ssyncadd.s32 $0xFFFFFFFF  }
0xbb: {  	_ =	strace $0x9000004B  }
0xbc: {  	_ =	sfence  }
0xbd: {  	s30 =	sld [smem:$0x0];
	_ =	sdelay $0x2  }
0xbe: {  	s31 =	sshll.u32 s1, $0xD;
	s1 =	sshrl.u32 s1, $0x2  }
0xbf: {  	s3 =	sand.u32 $0x4000, s31;
	s1 =	sadd.s32 s1, s30  }
0xc0: {  	s0 =	sor.u32 s3, s0;
	s1 =	sshll.u32 s1, $0x11  }
0xc1: {  	s0 =	sor.u32 s1, s0  }
0xc2: {  	s0 =	sadd.s32 $0x8F2B, s0  }
0xc3: {  	[sflag:s0] =	ssyncadd.remote.s32 $0x1  }
0xc4: {  	_ =	sfence.sel $0xFFFF  }
0xc5: {  	[dreg:$0x0] =	wrdreg $0xFFFFFFFF;
	(pc) =	sbr.abs _section_cstart, $3  }
0xc6: {  	[dreg:$0x1] =	wrdreg $0xFFFFFFFF  }
0xc7: {  	_ =	task.clear_ibuf [dreg:s7], $0x2FFFF;
	_ =	strace $0x9FFFFFFF  }
0xc8: {  	(tm) =	ssettm $0x7FFFFFFF  }
0xc9: {  	_ =	shalt  }
tec
execute0_lowered:
.L_overlay_start_1:
0x0: {  	(tag) =	ssettag $0x1  }
0x1: {  	s1 =	srdreg.scid;
	s0 =	stileid.u32  }
0x2: {  	s11 =	sand.u32 $0x1, s1;
	s30 =	sshll.u32 s0, $0x1  }
0x3: {  	s2 =	rddreg [dreg:$0x0];
	s12 =	sor.u32 s11, s30  }
0x4: {  	s10 =	rddreg [dreg:$0x1];
	s4 =	smul.u32 $0x76, s12  }
0x5: {  	s3 =	simm.s32 $0x0;
	s1 =	rddreg [dreg:$0x2]  }
0x6: {  	[smem:$0x7FF] =	sst s3;
	s4 =	sadd.s32 s4, s10  }
0x7: {  	_ =	strace $0x8000004A;
	s5 =	sadd.s32 $0x2C200, s4;
	s4 =	simm.s32 $0x3  }
0x8: {  	[tilespmem:s3], [sflag:$0x3] =	stream.linear.gather [hbm4b:s5+s3], $0x3B0, $0x38;
	[tilespmem:$0x1DC00] =	vst v63  }
0x9: {  	_ =	swait.ge [sflag:s4], $0x3B0  }
0xa: {  	[sflag:s4] =	ssyncset.done $0x0  }
0xb: {  	s6 =	simm.s32 $0x1D8;
	s7 =	simm.s32 $0x400;
	[sflag:s4] =	ssyncadd.s32 $0xFFFFFC50  }
0xc: {  	[tilespmem:s7], [sflag:$0x1] =	stream.indirect.gather [hbm4b:s2+s6], $0x80, s3, s6, $0xb8;
	[tilespmem:$0x1DC00] =	vst v63  }
0xd: {  	s8 =	simm.s32 $0xF000;
	s9 =	simm.s32 $0x1  }
0xe: {  	[tilespmem:s8], [sflag:$0x2] =	stream.indirect.gather [hbm4b:s2+s6], $0x80, s6, s6, $0xb8;
	[tilespmem:$0x1DC00] =	vst v63  }
0xf: {  	s13 =	smul.u32 $0x3B00, s12;
	_ =	swait.ge [sflag:s9], $0xEC00  }
0x10: {  	s14 =	sadd.s32 $0x2D200, s10;
	[sflag:s9] =	ssyncset.done $0x0  }
0x11: {  	s31 =	ssub.s32 $0x2, s11;
	s10 =	sadd.s32 s14, s13;
	[sflag:s9] =	ssyncadd.s32 $0xFFFF1400  }
0x12: {  	[hbm4b:s10+s3] =	stream.linear.scatter [tilespmem:s7], [sflag:$0x3], $0xEC00, $0x38;
	[tilespmem:$0x1DC00] =	vst v63  }
0x13: {  	s15 =	sshrl.u32 s31, $0x1;
	_ =	swait.ge [sflag:s4], $0xEC00  }
0x14: {  	s12 =	smul.u32 $0x1D800, s12;
	s13 =	ssub.s32 s31, s15;
	[sflag:s4] =	ssyncset.done $0x0  }
0x15: {  	s11 =	simm.s32 $0x2;
	s13 =	smax.u32 s13, $0x1;
	[sflag:s4] =	ssyncadd.s32 $0xFFFF1400  }
0x16: {  	s12 =	sshrl.u32 s12, $0x3;
	p0 =	sne.s32 s13, $0x1;
	_ =	swait.ge [sflag:s11], $0xEC00  }
.Ltmp0:
0x17: {  	s12 =	sadd.s32 s14, s12;
	[sflag:s11] =	ssyncset.done $0x0;
	(pc) =	sbr.rel @!p0 .LBB2_2-.Ltmp0, $4  }
0x18: {  	s12 =	sadd.s32 $0x1D80, s12;
	[sflag:s11] =	ssyncadd.s32 $0xFFFF1400  }
0x19: {  	[hbm4b:s12+s3] =	stream.linear.scatter [tilespmem:s8], [sflag:$0x3], $0xEC00, $0x38;
	[tilespmem:$0x1DC00] =	vst v63  }
0x1a: {  	_ =	swait.ge [sflag:s4], $0xEC00  }
0x1b: {  	s13 =	sadd.s32 $0xFFFFFFFF, s13;
	[sflag:s4] =	ssyncset.done $0x0  }
.LBB2_1:
0x1c: {  	p0 =	sne.s32 s13, $0x1;
	s13 =	sadd.s32 $0xFFFFFFFF, s13;
	[sflag:s4] =	ssyncadd.s32 $0xFFFF1400  }
0x1d: {  	[tilespmem:s3], [sflag:$0x3] =	stream.linear.gather [hbm4b:s5+s3], $0x3B0, $0x38;
	[tilespmem:$0x1DC00] =	vst v63  }
0x1e: {  	_ =	swait.ge [sflag:s4], $0x3B0  }
0x1f: {  	[sflag:s4] =	ssyncset.done $0x0  }
0x20: {  	[sflag:s4] =	ssyncadd.s32 $0xFFFFFC50  }
0x21: {  	[tilespmem:s7], [sflag:$0x1] =	stream.indirect.gather [hbm4b:s2+s6], $0x80, s3, s6, $0xb8;
	[tilespmem:$0x1DC00] =	vst v63  }
0x22: {  	_ = 	snop  }
0x23: {  	[tilespmem:s8], [sflag:$0x2] =	stream.indirect.gather [hbm4b:s2+s6], $0x80, s6, s6, $0xb8;
	[tilespmem:$0x1DC00] =	vst v63  }
0x24: {  	_ =	swait.ge [sflag:s9], $0xEC00  }
0x25: {  	[sflag:s9] =	ssyncset.done $0x0  }
0x26: {  	[sflag:s9] =	ssyncadd.s32 $0xFFFF1400  }
0x27: {  	[hbm4b:s10+s3] =	stream.linear.scatter [tilespmem:s7], [sflag:$0x3], $0xEC00, $0x38;
	[tilespmem:$0x1DC00] =	vst v63  }
0x28: {  	_ =	swait.ge [sflag:s4], $0xEC00  }
0x29: {  	[sflag:s4] =	ssyncset.done $0x0  }
0x2a: {  	[sflag:s4] =	ssyncadd.s32 $0xFFFF1400  }
0x2b: {  	_ =	swait.ge [sflag:s11], $0xEC00  }
.Ltmp1:
0x2c: {  	[sflag:s11] =	ssyncset.done $0x0;
	(pc) =	sbr.rel @p0 .LBB2_1-.Ltmp1, $4  }
0x2d: {  	[sflag:s11] =	ssyncadd.s32 $0xFFFF1400  }
0x2e: {  	[hbm4b:s12+s3] =	stream.linear.scatter [tilespmem:s8], [sflag:$0x3], $0xEC00, $0x38;
	[tilespmem:$0x1DC00] =	vst v63  }
0x2f: {  	_ =	swait.ge [sflag:s4], $0xEC00  }
0x30: {  	[sflag:s4] =	ssyncset.done $0x0  }
.LBB2_2:
0x31: {  	[sflag:s4] =	ssyncadd.s32 $0xFFFF1400  }
0x32: {  	_ =	sfence.sel $0x180000  }
0x33: {  	[bflag:$0x0] =	sbarrier.arrive $0xFFFF  }
0x34: {  	p0 =	sne.s32 s0, $0x0;
	_ =	strace $0x9000004A  }
0x35: {  	s0 =	sadd.s32 @!p0 $0x100000, s1;
	[bflag:$0x2] =	sbarrier.arrive $0xFFFF  }
0x36: {  	[sflag:s0] =	ssyncadd.tile.s32 @!p0 $0x1;
	_ =	shalt  }
.Lfunc_end2:
_tile_overlayer_lowered:
.L_overlay_start_2:
0x37: {  	(tag) =	ssettag $0x2  }
0x38: {  	s0 =	rddreg [dreg:$0x0];
	s2 =	stileid.u32  }
0x39: {  	s1 =	rddreg [dreg:$0x1];
	p0 =	sne.s32 s2, $0x0  }
0x3a: {  	s3 =	rddreg [dreg:$0x2];
	[bflag:$0x3] =	sbarrier.arrive $0xFFFF;
	s2 =	simm.s32 @!p0 $0x1C03  }
0x3b: {  	[timem:s3], [sflag:s2] =	dma.local @!p0 [hbm:s0], s1  }
0x3c: {  	s0 =	simm.s32 @!p0 $0x3  }
0x3d: {  	_ =	swait.ge @!p0 [sflag:s0], s1  }
0x3e: {  	s1 =	ssub.s32 @!p0 $0x0, s1;
	[sflag:s0] =	ssyncset.done @!p0 $0x0  }
0x3f: {  	[sflag:s0] =	ssyncadd.s32 @!p0 s1  }
0x40: {  	[bflag:$0x3] =	sbarrier.arrive $0xFFFF  }
0x41: {  	_ =	shalt  }

// kernel: kernel.8.cloned.1.call-start
scs
__scs_entry_jumppad:
0x0: {  	(pc) =	sbr.rel $0x88, $3  }
0x1: {  	(tag) =	ssettag $0x0;
	lr =	simm.s32 $0x1  }
0x2: {  	[smem:$0x3F93] =	sst lr;
	_ =	strace $0xD0000000  }
0x3: {  	_ = 	snop  }
0x4: {  	_ = 	snop  }
0x5: {  	_ = 	snop  }
0x6: {  	_ = 	snop  }
0x7: {  	_ = 	snop  }
__scs_overlays_trampoline_lowered:
0x8: {  	[smem:$0x3FA2] =	sst s0  }
0x9: {  	[smem:$0x3FA3] =	sst s1  }
0xa: {  	[smem:$0x3FA4] =	sst s2  }
0xb: {  	[smem:$0x3FA5] =	sst s3  }
0xc: {  	[smem:$0x3FA6] =	sst s4  }
0xd: {  	[smem:$0x3FA7] =	sst s5  }
0xe: {  	[smem:$0x3FA8] =	sst s6  }
0xf: {  	[smem:$0x3FA9] =	sst s7  }
0x10: {  	[smem:$0x3FAA] =	sst s8  }
0x11: {  	[smem:$0x3FAB] =	sst s9;
	s0 =	simm.s32 @!p0 $0x0  }
0x12: {  	s1 =	sld [smem:$0x3F91];
	s0 =	simm.s32 @p0 $0x1  }
0x13: {  	[smem:$0x3FAC] =	sst s0;
	s0 =	simm.s32 @!p1 $0x0  }
0x14: {  	s2 =	sld [smem:$0x3F90];
	s0 =	simm.s32 @p1 $0x1  }
0x15: {  	[smem:$0x3FAD] =	sst s0;
	s0 =	simm.s32 @!p2 $0x0  }
0x16: {  	s3 =	sld [smem:$0x3FDB];
	s0 =	simm.s32 @p2 $0x1  }
0x17: {  	s4 =	simm.s32 $0x1BF5;
	[smem:$0x3FAF] =	sst s0  }
0x18: {  	s0 =	sld [smem:$0x3F92];
	_ =	swait.ge [sflag:s4], $0x0  }
0x19: {  	s7 =	sld [smem:$0x3F93]  }
0x1a: {  	s8 =	sadd.s32 $0xFFFFE003, lr  }
0x1b: {  	s9 =	sadd.s32 $0xFFFFFEF7, lr;
	s5 =	simm.s32 $0xFFFFFFFF;
	p2 =	slt.u32 s8, $0xFFFFF086  }
0x1c: {  	p1 =	slt.u32 s9, $0xF7A;
	s5 =	simm.s32 @!p2 $0x0  }
0x1d: {  	s5 =	simm.s32 @p1 $0x1;
	p0 =	seq.s32 s7, s2  }
0x1e: {  	s7 =	smul.u32 @!p0 $0xF7A, s2;
	p2 =	seq.s32 @!p0 s5, $0x0  }
0x1f: {  	s9 =	smul.u32 $0xF7A, s1;
	s8 =	simm.s32 @!p0 $0x1BF5;
	p2 =	por !p2, p0  }
0x20: {  	[sflag:s8] =	ssyncset.s32 @!p0 $0xFFFFF086;
	s6 =	sadd.s32 @!p0 s3, s7;
	s7 =	simm.s32 @!p0 $0x108  }
0x21: {  	s3 =	sadd.s32 s3, s9;
	s6 =	sadd.s32 @!p0 $0x88, s6;
	s7 =	simm.s32 @p2 $0x1082  }
0x22: {  	[simem:s7], [sflag:s8] =	dma.local @!p0 [hbm:s6], $0xF7A  }
0x23: {  	s9 =	sor.u32 $0xD0000000, s2;
	s6 =	simm.s32 $0x108;
	_ =	swait.ge @!p0 [sflag:s8], $0x0  }
0x24: {  	s3 =	sadd.s32 $0x88, s3;
	s6 =	simm.s32 @!p1 $0x1082;
	[sflag:s4] =	ssyncset.s32 $0xFFFFF086  }
0x25: {  	[simem:s6], [sflag:s4] =	dma.local [hbm:s3], $0xF7A  }
0x26: {  	[smem:$0x3F93] =	sst s1;
	(tag) =	ssettag s2;
	_ =	strace s9  }
0x27: {  	s1 =	sld [smem:$0x3FA3]  }
0x28: {  	s2 =	sld [smem:$0x3FA4]  }
0x29: {  	s4 =	sld [smem:$0x3FA6]  }
0x2a: {  	p0 =	seq.s32 s5, $0x0;
	s5 =	sld [smem:$0x3FA7]  }
0x2b: {  	s6 =	sld [smem:$0x3FA8]  }
0x2c: {  	s7 =	sld [smem:$0x3FA9]  }
0x2d: {  	s3 =	simm.s32 $0x108;
	s8 =	sld [smem:$0x3FAA]  }
0x2e: {  	s3 =	simm.s32 @!p0 $0x1082;
	s9 =	sld [smem:$0x3FAB]  }
0x2f: {  	lr =	sadd.s32 s0, s3;
	s0 =	sld [smem:$0x3FA2]  }
0x30: {  	s3 =	sld [smem:$0x3FA5]  }
0x31: {  	[smem:$0x3FAE] =	sst s10  }
0x32: {  	s10 =	sld [smem:$0x3FAC];
	_ =	sdelay $0x3  }
0x33: {  	p0 =	seq.s32 s10, $0x1;
	s10 =	sld [smem:$0x3FAE];
	_ =	sdelay $0x3  }
0x34: {  	[smem:$0x3FAE] =	sst s10  }
0x35: {  	s10 =	sld [smem:$0x3FAD];
	_ =	sdelay $0x3  }
0x36: {  	p1 =	seq.s32 s10, $0x1;
	s10 =	sld [smem:$0x3FAE];
	_ =	sdelay $0x3  }
0x37: {  	[smem:$0x3FAE] =	sst s10  }
0x38: {  	s10 =	sld [smem:$0x3FAF]  }
0x39: {  	_ = 	snop;
	(pc) =	sbr.ind lr, $3  }
0x3a: {  	_ = 	snop  }
0x3b: {  	_ = 	snop  }
0x3c: {  	p2 =	seq.s32 s10, $0x1;
	s10 =	sld [smem:$0x3FAE]  }
0x3d: {  	_ =	shalt  }
0x3e: {  	_ =	shalt  }
0x3f: {  	_ =	shalt  }
0x40: {  	_ =	shalt  }
0x41: {  	_ =	shalt  }
0x42: {  	_ =	shalt  }
0x43: {  	_ =	shalt  }
0x44: {  	_ =	shalt  }
0x45: {  	_ =	shalt  }
0x46: {  	_ =	shalt  }
0x47: {  	_ =	shalt  }
0x48: {  	_ =	shalt  }
0x49: {  	_ =	shalt  }
0x4a: {  	_ =	shalt  }
0x4b: {  	_ =	shalt  }
0x4c: {  	_ =	shalt  }
0x4d: {  	_ =	shalt  }
0x4e: {  	_ =	shalt  }
0x4f: {  	_ =	shalt  }
0x50: {  	_ =	shalt  }
0x51: {  	_ =	shalt  }
0x52: {  	_ =	shalt  }
0x53: {  	_ =	shalt  }
0x54: {  	_ =	shalt  }
0x55: {  	_ =	shalt  }
0x56: {  	_ =	shalt  }
0x57: {  	_ =	shalt  }
0x58: {  	_ =	shalt  }
0x59: {  	_ =	shalt  }
0x5a: {  	_ =	shalt  }
0x5b: {  	_ =	shalt  }
0x5c: {  	_ =	shalt  }
0x5d: {  	_ =	shalt  }
0x5e: {  	_ =	shalt  }
0x5f: {  	_ =	shalt  }
0x60: {  	_ =	shalt  }
0x61: {  	_ =	shalt  }
0x62: {  	_ =	shalt  }
0x63: {  	_ =	shalt  }
0x64: {  	_ =	shalt  }
0x65: {  	_ =	shalt  }
0x66: {  	_ =	shalt  }
0x67: {  	_ =	shalt  }
0x68: {  	_ =	shalt  }
0x69: {  	_ =	shalt  }
0x6a: {  	_ =	shalt  }
0x6b: {  	_ =	shalt  }
0x6c: {  	_ =	shalt  }
0x6d: {  	_ =	shalt  }
0x6e: {  	_ =	shalt  }
0x6f: {  	_ =	shalt  }
0x70: {  	_ =	shalt  }
0x71: {  	_ =	shalt  }
0x72: {  	_ =	shalt  }
0x73: {  	_ =	shalt  }
0x74: {  	_ =	shalt  }
0x75: {  	_ =	shalt  }
0x76: {  	_ =	shalt  }
0x77: {  	_ =	shalt  }
0x78: {  	_ =	shalt  }
0x79: {  	_ =	shalt  }
0x7a: {  	_ =	shalt  }
0x7b: {  	_ =	shalt  }
0x7c: {  	_ =	shalt  }
0x7d: {  	_ =	shalt  }
0x7e: {  	_ =	shalt  }
0x7f: {  	_ =	shalt  }
0x80: {  	_ =	shalt  }
0x81: {  	_ =	shalt  }
0x82: {  	_ =	shalt  }
0x83: {  	_ =	shalt  }
0x84: {  	_ =	shalt  }
0x85: {  	_ =	shalt  }
0x86: {  	_ =	shalt  }
0x87: {  	_ =	shalt  }
.Lfunc_end0:
.L_simem_size_0:
called_computation_lowered:
.L_overlay_start_0:
0x88: {  	s2 =	sld [smem:$0x3FD9]  }
0x89: {  	s3 =	sld [smem:$0x3FFE];
	_ =	sdelay $0x1  }
0x8a: {  	s1 =	srdreg.scid  }
0x8b: {  	s0 =	sand.u32 $0x1, s1  }
0x8c: {  	s14 =	sshll.u32 s0, $0xA;
	s2 =	sadd.s32 s3, s2  }
0x8d: {  	s2 =	sadd.s32 s2, s14  }
0x8e: {  	[smem:$0x3FBA] =	sst s2  }
0x8f: {  	_ = 	snop  }
0x90: {  	s2 =	sld [smem:$0x3FD0];
	_ =	sdelay $0x2  }
0x91: {  	s4 =	simm.s32 $0xA;
	s5 =	simm.s32 $0x10;
	s15 =	sld [smem:$0x3FC9]  }
0x92: {  	[smem:s5], [sflag:s4] =	dma.local [hbm:s2], $0x1  }
0x93: {  	_ =	swait.eq [sflag:s4], $0x1  }
0x94: {  	[sflag:s4] =	ssyncset.done $0x0  }
0x95: {  	[sflag:s4] =	ssyncadd.s32 $0xFFFFFFFF  }
0x96: {  	s16 =	sld [smem:$0x15];
	(tm) =	ssettm $0x1  }
0x97: {  	s17 =	sld [smem:$0x3FFB];
	_ =	sdelay $0x3  }
0x98: {  	_ =	strace s17  }
0x99: {  	s4 =	sld [smem:$0x3FFC];
	_ =	sdelay $0x3  }
0x9a: {  	_ =	strace s4  }
0x9b: {  	s4 =	sld [smem:$0x3FFD];
	_ =	sdelay $0x3  }
0x9c: {  	_ =	strace s4  }
0x9d: {  	_ =	strace $0x8FFFFFFF  }
0x9e: {  	s18 =	sld [smem:$0x3FDB];
	_ =	sdelay $0x1  }
0x9f: {  	s19 =	simm.s32 $_scs_section_size  }
0xa0: {  	s6 =	simm.s32 $_size__tile_overlayer_lowered;
	s7 =	simm.s32 $_tile_overlayer_lowered  }
0xa1: {  	s22 =	simm.s32 $0x1BFF;
	s21 =	sshll.u32 s7, $0x1;
	s4 =	sadd.s32 s19, s18  }
0xa2: {  	s8 =	simm.s32 $0x0;
	s20 =	sshll.u32 s6, $0x1;
	s6 =	sadd.s32 s21, s4  }
0xa3: {  	[timem:s8], [sflag:s22] =	dma.local [hbm:s6], s20  }
0xa4: {  	_ =	swait.ge [sflag:s22], s20  }
0xa5: {  	s5 =	ssub.s32 $0x0, s20;
	[sflag:s22] =	ssyncset.done $0x0  }
0xa6: {  	[sflag:s22] =	ssyncadd.s32 s5;
	_ =	sdelay $0x1  }
0xa7: {  	s23 =	simm.s32 $0x1B8B  }
0xa8: {  	_ =	swait.ge [sflag:s23], $0x1  }
0xa9: {  	[sflag:s23] =	ssyncset.done $0x0  }
0xaa: {  	s25 =	simm.s32 $0x1B8E;
	s24 =	sld [smem:$0x3FFE];
	[sflag:s23] =	ssyncadd.s32 $0xFFFFFFFF  }
0xab: {  	s26 =	simm.s32 $execute0_lowered;
	[smem:$0x3FD2] =	sst s25  }
0xac: {  	s6 =	sshll.u32 s26, $0x1;
	_ =	strace $0x80000046;
	[dreg:$0x1] =	wrdreg $0xFFFFFFFF  }
0xad: {  	s28 =	simm.s32 $_size_execute0_lowered;
	s4 =	sadd.s32 s4, s6;
	[dreg:$0x0] =	wrdreg $0x0  }
0xae: {  	s6 =	sshll.u32 s28, $0x1;
	[dreg:$0x2] =	wrdreg s4  }
0xaf: {  	[dreg:$0x3] =	wrdreg s6  }
0xb0: {  	[dreg:$0x4] =	wrdreg $0xC0  }
0xb1: {  	_ =	task [dreg:s8], $0x5FFFF  }
0xb2: {  	[dreg:$0x1] =	wrdreg $0xFFFFFFFF  }
0xb3: {  	[dreg:$0x0] =	wrdreg $0x60  }
0xb4: {  	[dreg:$0x2] =	wrdreg s15  }
0xb5: {  	[dreg:$0x3] =	wrdreg s16  }
0xb6: {  	[dreg:$0x4] =	wrdreg s24  }
0xb7: {  	[dreg:$0x5] =	wrdreg $0x9  }
0xb8: {  	_ =	task.clear_ibuf [dreg:s8], $0x6FFFF;
	_ =	strace $0x90000046  }
0xb9: {  	s29 =	simm.s32 $0x9;
	_ =	strace $0x80000048  }
0xba: {  	_ =	swait.ge [sflag:s29], $0x1  }
0xbb: {  	[sflag:s29] =	ssyncadd.s32 $0xFFFFFFFF  }
0xbc: {  	_ =	strace $0x90000048  }
0xbd: {  	_ =	sfence  }
0xbe: {  	s30 =	sld [smem:$0x0];
	_ =	sdelay $0x2  }
0xbf: {  	s31 =	sshll.u32 s1, $0xD;
	s1 =	sshrl.u32 s1, $0x2  }
0xc0: {  	s3 =	sand.u32 $0x4000, s31;
	s1 =	sadd.s32 s1, s30  }
0xc1: {  	s0 =	sor.u32 s3, s0;
	s1 =	sshll.u32 s1, $0x11  }
0xc2: {  	s0 =	sor.u32 s1, s0  }
0xc3: {  	s0 =	sadd.s32 $0x8F2B, s0  }
0xc4: {  	[sflag:s0] =	ssyncadd.remote.s32 $0x1  }
0xc5: {  	_ =	sfence.sel $0xFFFF  }
0xc6: {  	[dreg:$0x0] =	wrdreg $0xFFFFFFFF;
	(pc) =	sbr.abs _section_cstart, $3  }
0xc7: {  	[dreg:$0x1] =	wrdreg $0xFFFFFFFF  }
0xc8: {  	_ =	task.clear_ibuf [dreg:s8], $0x2FFFF;
	_ =	strace $0x9FFFFFFF  }
0xc9: {  	(tm) =	ssettm $0x7FFFFFFF  }
tec
execute0_lowered:
.L_overlay_start_1:
0x0: {  	(tag) =	ssettag $0x1  }
0x1: {  	s1 =	rddreg [dreg:$0x0]  }
0x2: {  	s2 =	srdreg.scid;
	s0 =	stileid.u32  }
0x3: {  	s4 =	rddreg [dreg:$0x1];
	s11 =	sand.u32 $0x1, s2;
	s30 =	sshll.u32 s0, $0x1  }
0x4: {  	s10 =	rddreg [dreg:$0x2];
	s12 =	sor.u32 s11, s30  }
0x5: {  	s3 =	simm.s32 $0x0;
	s2 =	rddreg [dreg:$0x3];
	s5 =	smul.u32 $0x76, s12  }
0x6: {  	[smem:$0x7FF] =	sst s3  }
0x7: {  	_ =	strace $0x80000047;
	s5 =	sadd.s32 s4, s5;
	s4 =	simm.s32 $0x3  }
0x8: {  	[tilespmem:s3], [sflag:$0x3] =	stream.linear.gather [hbm4b:s5+s3], $0x3B0, $0x38;
	[tilespmem:$0x1DC00] =	vst v63  }
0x9: {  	_ =	swait.ge [sflag:s4], $0x3B0  }
0xa: {  	[sflag:s4] =	ssyncset.done $0x0  }
0xb: {  	s6 =	simm.s32 $0x1D8;
	s7 =	simm.s32 $0x400;
	[sflag:s4] =	ssyncadd.s32 $0xFFFFFC50  }
0xc: {  	[tilespmem:s7], [sflag:$0x1] =	stream.indirect.gather [hbm4b:s1+s6], $0x80, s3, s6, $0xb8;
	[tilespmem:$0x1DC00] =	vst v63  }
0xd: {  	s8 =	simm.s32 $0xF000;
	s9 =	simm.s32 $0x1  }
0xe: {  	[tilespmem:s8], [sflag:$0x2] =	stream.indirect.gather [hbm4b:s1+s6], $0x80, s6, s6, $0xb8;
	[tilespmem:$0x1DC00] =	vst v63  }
0xf: {  	s13 =	smul.u32 $0x3B00, s12;
	_ =	swait.ge [sflag:s9], $0xEC00  }
0x10: {  	s14 =	sadd.s32 $0x2C200, s10;
	[sflag:s9] =	ssyncset.done $0x0  }
0x11: {  	s31 =	ssub.s32 $0x2, s11;
	s10 =	sadd.s32 s14, s13;
	[sflag:s9] =	ssyncadd.s32 $0xFFFF1400  }
0x12: {  	[hbm4b:s10+s3] =	stream.linear.scatter [tilespmem:s7], [sflag:$0x3], $0xEC00, $0x38;
	[tilespmem:$0x1DC00] =	vst v63  }
0x13: {  	s15 =	sshrl.u32 s31, $0x1;
	_ =	swait.ge [sflag:s4], $0xEC00  }
0x14: {  	s12 =	smul.u32 $0x1D800, s12;
	s13 =	ssub.s32 s31, s15;
	[sflag:s4] =	ssyncset.done $0x0  }
0x15: {  	s11 =	simm.s32 $0x2;
	s13 =	smax.u32 s13, $0x1;
	[sflag:s4] =	ssyncadd.s32 $0xFFFF1400  }
0x16: {  	s12 =	sshrl.u32 s12, $0x3;
	p0 =	sne.s32 s13, $0x1;
	_ =	swait.ge [sflag:s11], $0xEC00  }
.Ltmp0:
0x17: {  	s12 =	sadd.s32 s14, s12;
	[sflag:s11] =	ssyncset.done $0x0;
	(pc) =	sbr.rel @!p0 .LBB2_2-.Ltmp0, $4  }
0x18: {  	s12 =	sadd.s32 $0x1D80, s12;
	[sflag:s11] =	ssyncadd.s32 $0xFFFF1400  }
0x19: {  	[hbm4b:s12+s3] =	stream.linear.scatter [tilespmem:s8], [sflag:$0x3], $0xEC00, $0x38;
	[tilespmem:$0x1DC00] =	vst v63  }
0x1a: {  	_ =	swait.ge [sflag:s4], $0xEC00  }
0x1b: {  	s13 =	sadd.s32 $0xFFFFFFFF, s13;
	[sflag:s4] =	ssyncset.done $0x0  }
.LBB2_1:
0x1c: {  	p0 =	sne.s32 s13, $0x1;
	s13 =	sadd.s32 $0xFFFFFFFF, s13;
	[sflag:s4] =	ssyncadd.s32 $0xFFFF1400  }
0x1d: {  	[tilespmem:s3], [sflag:$0x3] =	stream.linear.gather [hbm4b:s5+s3], $0x3B0, $0x38;
	[tilespmem:$0x1DC00] =	vst v63  }
0x1e: {  	_ =	swait.ge [sflag:s4], $0x3B0  }
0x1f: {  	[sflag:s4] =	ssyncset.done $0x0  }
0x20: {  	[sflag:s4] =	ssyncadd.s32 $0xFFFFFC50  }
0x21: {  	[tilespmem:s7], [sflag:$0x1] =	stream.indirect.gather [hbm4b:s1+s6], $0x80, s3, s6, $0xb8;
	[tilespmem:$0x1DC00] =	vst v63  }
0x22: {  	_ = 	snop  }
0x23: {  	[tilespmem:s8], [sflag:$0x2] =	stream.indirect.gather [hbm4b:s1+s6], $0x80, s6, s6, $0xb8;
	[tilespmem:$0x1DC00] =	vst v63  }
0x24: {  	_ =	swait.ge [sflag:s9], $0xEC00  }
0x25: {  	[sflag:s9] =	ssyncset.done $0x0  }
0x26: {  	[sflag:s9] =	ssyncadd.s32 $0xFFFF1400  }
0x27: {  	[hbm4b:s10+s3] =	stream.linear.scatter [tilespmem:s7], [sflag:$0x3], $0xEC00, $0x38;
	[tilespmem:$0x1DC00] =	vst v63  }
0x28: {  	_ =	swait.ge [sflag:s4], $0xEC00  }
0x29: {  	[sflag:s4] =	ssyncset.done $0x0  }
0x2a: {  	[sflag:s4] =	ssyncadd.s32 $0xFFFF1400  }
0x2b: {  	_ =	swait.ge [sflag:s11], $0xEC00  }
.Ltmp1:
0x2c: {  	[sflag:s11] =	ssyncset.done $0x0;
	(pc) =	sbr.rel @p0 .LBB2_1-.Ltmp1, $4  }
0x2d: {  	[sflag:s11] =	ssyncadd.s32 $0xFFFF1400  }
0x2e: {  	[hbm4b:s12+s3] =	stream.linear.scatter [tilespmem:s8], [sflag:$0x3], $0xEC00, $0x38;
	[tilespmem:$0x1DC00] =	vst v63  }
0x2f: {  	_ =	swait.ge [sflag:s4], $0xEC00  }
0x30: {  	[sflag:s4] =	ssyncset.done $0x0  }
.LBB2_2:
0x31: {  	[sflag:s4] =	ssyncadd.s32 $0xFFFF1400  }
0x32: {  	_ =	sfence.sel $0x180000  }
0x33: {  	[bflag:$0x0] =	sbarrier.arrive $0xFFFF  }
0x34: {  	p0 =	sne.s32 s0, $0x0;
	_ =	strace $0x90000047  }
0x35: {  	s0 =	sadd.s32 @!p0 $0x100000, s2;
	[bflag:$0x2] =	sbarrier.arrive $0xFFFF  }
0x36: {  	[sflag:s0] =	ssyncadd.tile.s32 @!p0 $0x1;
	_ =	shalt  }
.Lfunc_end2:
_tile_overlayer_lowered:
.L_overlay_start_2:
0x37: {  	(tag) =	ssettag $0x2  }
0x38: {  	s0 =	rddreg [dreg:$0x0];
	s2 =	stileid.u32  }
0x39: {  	s1 =	rddreg [dreg:$0x1];
	p0 =	sne.s32 s2, $0x0  }
0x3a: {  	s3 =	rddreg [dreg:$0x2];
	[bflag:$0x3] =	sbarrier.arrive $0xFFFF;
	s2 =	simm.s32 @!p0 $0x1C03  }
0x3b: {  	[timem:s3], [sflag:s2] =	dma.local @!p0 [hbm:s0], s1  }
0x3c: {  	s0 =	simm.s32 @!p0 $0x3  }
0x3d: {  	_ =	swait.ge @!p0 [sflag:s0], s1  }
0x3e: {  	s1 =	ssub.s32 @!p0 $0x0, s1;
	[sflag:s0] =	ssyncset.done @!p0 $0x0  }
0x3f: {  	[sflag:s0] =	ssyncadd.s32 @!p0 s1  }
0x40: {  	[bflag:$0x3] =	sbarrier.arrive $0xFFFF  }
0x41: {  	_ =	shalt  }

</sc_bundles>
